<compile_context>
chip_gen: v7x
topology: tpu7x:2x2x1
jax: 0.10.2.dev20260603
libtpu: 0.0.44.dev20260713+nightly
codegen_flags: <defaults>
</compile_context>

<pallas_src>
import jax
import jax.numpy as jnp
from jax import lax
from jax.experimental import pallas as pl
from jax.experimental.pallas import tpu as pltpu
from jax.experimental.pallas import tpu_sc as plsc

N = 10000
E = 640000
D_IN = 128
H = 64
G = 64
NB = 3

NC = 2
NS = 16
NW = NC * NS

CHUNK = 128
CH = 160
ROWS = 640
EPW = CH * CHUNK
E_PAD = NW * EPW
NJ = EPW // ROWS
DUMMY = N
N_ACC = 10112
ZPT = N_ACC // NS
LAST = N - (NS - 1) * ZPT

BP = 2000
GRID = N // BP

_MESH = plsc.VectorSubcoreMesh(core_axis_name="c", subcore_axis_name="s")


def _deg_body(dst_hbm, ones_hbm, zero_hbm, out_hbm, dst_v, ones_v, acc_sh):
    c = lax.axis_index("c")
    s = lax.axis_index("s")
    w = c * NS + s
    pltpu.sync_copy(dst_hbm.at[w], dst_v)
    pltpu.sync_copy(ones_hbm, ones_v)
    pltpu.sync_copy(zero_hbm.at[pl.ds(s * ZPT, ZPT)], acc_sh.at[pl.ds(s * ZPT, ZPT)])
    plsc.subcore_barrier()

    def body(j, carry):
        pltpu.sync_copy(ones_v, acc_sh.at[dst_v.at[j]], add=True)
        return carry

    lax.fori_loop(0, NJ, body, 0)
    plsc.subcore_barrier()

    @pl.when(s < NS - 1)
    def _():
        pltpu.sync_copy(acc_sh.at[pl.ds(s * ZPT, ZPT)],
                        out_hbm.at[c, pl.ds(s * ZPT, ZPT)])

    @pl.when(s == NS - 1)
    def _():
        pltpu.sync_copy(acc_sh.at[pl.ds((NS - 1) * ZPT, LAST)],
                        out_hbm.at[c, pl.ds((NS - 1) * ZPT, LAST)])


_deg_call = pl.kernel(
    _deg_body,
    out_type=jax.ShapeDtypeStruct((NC, N, 16), jnp.float32),
    mesh=_MESH,
    compiler_params=pltpu.CompilerParams(use_tc_tiling_on_sc=False),
    scratch_types=[
        pltpu.VMEM((NJ, ROWS), jnp.int32),
        pltpu.VMEM((ROWS, 16), jnp.float32),
        pltpu.VMEM_SHARED((N_ACC, 16), jnp.float32),
    ],
)


def _agg_body(h_hbm, src_hbm, dst_hbm, zero_hbm, out_hbm,
              si0, si1, di0, di1, rows0, rows1, acc_sh, g0, g1, i0, i1):
    c = lax.axis_index("c")
    s = lax.axis_index("s")
    w = c * NS + s
    pltpu.sync_copy(zero_hbm.at[pl.ds(s * ZPT, ZPT)], acc_sh.at[pl.ds(s * ZPT, ZPT)])
    pltpu.sync_copy(src_hbm.at[w, 0], si0)
    pltpu.sync_copy(dst_hbm.at[w, 0], di0)
    plsc.subcore_barrier()

    pltpu.async_copy(h_hbm.at[si0], rows0, g0)
    pltpu.async_copy(src_hbm.at[w, 1], si1, i0)
    pltpu.async_copy(dst_hbm.at[w, 1], di1, i0)

    def body(u, carry):
        j0 = 2 * u
        j1 = 2 * u + 1
        pltpu.make_async_copy(src_hbm.at[w, j1], si1, i0).wait()
        pltpu.make_async_copy(dst_hbm.at[w, j1], di1, i0).wait()
        pltpu.make_async_copy(h_hbm.at[si0], rows0, g0).wait()
        pltpu.async_copy(h_hbm.at[si1], rows1, g1)
        pltpu.sync_copy(rows0, acc_sh.at[di0], add=True)
        nxt = jnp.minimum(j0 + 2, NJ - 1)
        pltpu.async_copy(src_hbm.at[w, nxt], si0, i1)
        pltpu.async_copy(dst_hbm.at[w, nxt], di0, i1)
        pltpu.make_async_copy(h_hbm.at[si1], rows1, g1).wait()
        pltpu.make_async_copy(src_hbm.at[w, nxt], si0, i1).wait()
        pltpu.make_async_copy(dst_hbm.at[w, nxt], di0, i1).wait()
        pltpu.async_copy(h_hbm.at[si0], rows0, g0)
        pltpu.sync_copy(rows1, acc_sh.at[di1], add=True)
        nx2 = jnp.minimum(j1 + 2, NJ - 1)
        pltpu.async_copy(src_hbm.at[w, nx2], si1, i0)
        pltpu.async_copy(dst_hbm.at[w, nx2], di1, i0)
        return carry

    lax.fori_loop(0, NJ // 2, body, 0)
    pltpu.make_async_copy(src_hbm.at[w, NJ - 1], si1, i0).wait()
    pltpu.make_async_copy(dst_hbm.at[w, NJ - 1], di1, i0).wait()
    pltpu.make_async_copy(h_hbm.at[si0], rows0, g0).wait()
    plsc.subcore_barrier()

    @pl.when(s < NS - 1)
    def _():
        pltpu.sync_copy(acc_sh.at[pl.ds(s * ZPT, ZPT)],
                        out_hbm.at[c, pl.ds(s * ZPT, ZPT)])

    @pl.when(s == NS - 1)
    def _():
        pltpu.sync_copy(acc_sh.at[pl.ds((NS - 1) * ZPT, LAST)],
                        out_hbm.at[c, pl.ds((NS - 1) * ZPT, LAST)])


_agg_call = pl.kernel(
    _agg_body,
    out_type=jax.ShapeDtypeStruct((NC, N, H), jnp.float32),
    mesh=_MESH,
    compiler_params=pltpu.CompilerParams(use_tc_tiling_on_sc=False),
    scratch_types=[
        pltpu.VMEM((ROWS,), jnp.int32),
        pltpu.VMEM((ROWS,), jnp.int32),
        pltpu.VMEM((ROWS,), jnp.int32),
        pltpu.VMEM((ROWS,), jnp.int32),
        pltpu.VMEM((ROWS, H), jnp.float32),
        pltpu.VMEM((ROWS, H), jnp.float32),
        pltpu.VMEM_SHARED((N_ACC, H), jnp.float32),
        pltpu.SemaphoreType.DMA,
        pltpu.SemaphoreType.DMA,
        pltpu.SemaphoreType.DMA,
        pltpu.SemaphoreType.DMA,
    ],
)


def _ln(x, g, b, eps=1e-5):
    m = jnp.mean(x, axis=-1, keepdims=True)
    v = jnp.mean((x - m) * (x - m), axis=-1, keepdims=True)
    return (x - m) / jnp.sqrt(v + eps) * g + b


def _proj_body(x_ref, w_ref, b_ref, h_ref):
    h_ref[...] = (jnp.dot(x_ref[...], w_ref[...],
                          preferred_element_type=jnp.float32) + b_ref[...])


_proj_call = pl.pallas_call(
    _proj_body,
    grid=(GRID,),
    in_specs=[
        pl.BlockSpec((BP, D_IN), lambda i: (i, 0)),
        pl.BlockSpec((D_IN, H), lambda i: (0, 0)),
        pl.BlockSpec((1, H), lambda i: (0, 0)),
    ],
    out_specs=pl.BlockSpec((BP, H), lambda i: (i, 0)),
    out_shape=jax.ShapeDtypeStruct((N, H), jnp.float32),
)


def _layer_body(h_ref, aggp_ref, degp_ref, b_ref, ws_ref, wn_ref,
                bc_ref, g_ref, be_ref, ge_ref, hn_ref, go_ref):
    i = pl.program_id(0)
    h = h_ref[...]
    agg = aggp_ref[0] + aggp_ref[1]
    deg = degp_ref[0, :, 0:1] + degp_ref[1, :, 0:1]
    r = 1.0 / jnp.maximum(deg, 1.0)
    nc = (jnp.dot(h, ws_ref[...], preferred_element_type=jnp.float32)
          + jnp.dot(agg * r, wn_ref[...], preferred_element_type=jnp.float32)
          + bc_ref[...])

    seg = lax.broadcasted_iota(jnp.int32, (BP, G), 1)
    oh = (b_ref[...] == seg).astype(jnp.float32)
    p = lax.dot_general(oh, nc, (((0,), (0,)), ((), ())),
                        preferred_element_type=jnp.float32)

    @pl.when(i == 0)
    def _():
        go_ref[...] = p

    @pl.when(i > 0)
    def _():
        go_ref[...] = go_ref[...] + p

    no = _ln(nc + h, g_ref[...], be_ref[...])
    hn_ref[...] = jnp.maximum(no, 0.0)

    @pl.when(i == pl.num_programs(0) - 1)
    def _():
        g0 = go_ref[...] + ge_ref[...]
        g0 = _ln(g0, g_ref[...], be_ref[...])
        go_ref[...] = _ln(g0, g_ref[...], be_ref[...])


_layer_call = pl.pallas_call(
    _layer_body,
    grid=(GRID,),
    in_specs=[
        pl.BlockSpec((BP, H), lambda i: (i, 0)),
        pl.BlockSpec((NC, BP, H), lambda i: (0, i, 0)),
        pl.BlockSpec((NC, BP, 16), lambda i: (0, i, 0)),
        pl.BlockSpec((BP, 1), lambda i: (i, 0)),
        pl.BlockSpec((H, H), lambda i: (0, 0)),
        pl.BlockSpec((H, H), lambda i: (0, 0)),
        pl.BlockSpec((1, H), lambda i: (0, 0)),
        pl.BlockSpec((1, H), lambda i: (0, 0)),
        pl.BlockSpec((1, H), lambda i: (0, 0)),
        pl.BlockSpec((G, H), lambda i: (0, 0)),
    ],
    out_specs=[
        pl.BlockSpec((BP, H), lambda i: (i, 0)),
        pl.BlockSpec((G, H), lambda i: (0, 0)),
    ],
    out_shape=[
        jax.ShapeDtypeStruct((N, H), jnp.float32),
        jax.ShapeDtypeStruct((G, H), jnp.float32),
    ],
)


def kernel(x, edge_index, batch, fc_W, fc_b, W_self, W_neigh, b_conv, gamma, beta):
    src = edge_index[0].astype(jnp.int32)
    dst = edge_index[1].astype(jnp.int32)
    pad = E_PAD - E
    pad_src = jnp.arange(pad, dtype=jnp.int32) % N
    src_p = jnp.concatenate([src, pad_src]).reshape(NW, NJ, ROWS)
    pad_dst = DUMMY + jnp.arange(pad, dtype=jnp.int32) % (N_ACC - N)
    dst_p = jnp.concatenate([dst, pad_dst]).reshape(NW, NJ, ROWS)
    batch_r = batch.astype(jnp.int32).reshape(N, 1)

    zeros16 = jnp.zeros((N_ACC, 16), jnp.float32)
    zeros64 = jnp.zeros((N_ACC, H), jnp.float32)
    ones16 = jnp.ones((ROWS, 16), jnp.float32)

    deg_parts = _deg_call(dst_p, ones16, zeros16)
    h = _proj_call(x, fc_W, fc_b.reshape(1, H))
    ge = jnp.zeros((G, H), jnp.float32)
    for i in range(NB):
        agg_parts = _agg_call(h, src_p, dst_p, zeros64)
        h, ge = _layer_call(h, agg_parts, deg_parts, batch_r,
                            W_self[i], W_neigh[i],
                            b_conv[i].reshape(1, H),
                            gamma[i].reshape(1, H),
                            beta[i].reshape(1, H), ge)
    return (h, ge)

# --- scband reference (transcript-rebuilt; emitter-appended) ---
"""Pipeline reference for scband-deep-net-83064667504982 (READ-ONLY COPY).

The authoritative reference and input builder live on the scoring server;
editing this copy changes nothing except your own understanding.
"""

import jax, jax.numpy as jnp
import numpy as np

N = 10000
E = 640000
D_IN = 128
H = 64
G = 64
NB = 3


def layer_norm(x, g, b, eps=1e-5):
    m = jnp.mean(x, axis=-1, keepdims=True)
    v = jnp.var(x, axis=-1, keepdims=True)
    return (x - m) / jnp.sqrt(v + eps) * g + b


def setup_inputs(seed: int = 0) -> dict:
    key = jax.random.key(seed)
    ks = jax.random.split(key, 10)
    x = jax.random.normal(ks[0], (N, D_IN), dtype=jnp.float32)
    edge_index = jax.random.randint(ks[1], (2, E), 0, N)
    batch = jnp.sort(jax.random.randint(ks[2], (N,), 0, G))
    fc_W = jax.random.normal(ks[3], (D_IN, H), dtype=jnp.float32) * 0.05
    fc_b = jnp.zeros((H,), dtype=jnp.float32)
    W_self = jax.random.normal(ks[4], (NB, H, H), dtype=jnp.float32) * 0.1
    W_neigh = jax.random.normal(ks[5], (NB, H, H), dtype=jnp.float32) * 0.1
    b_conv = jnp.zeros((NB, H), dtype=jnp.float32)
    gamma = jnp.ones((NB, H), dtype=jnp.float32)
    beta = jnp.zeros((NB, H), dtype=jnp.float32)
    return {"x": x, "edge_index": edge_index, "batch": batch, "fc_W": fc_W,
            "fc_b": fc_b, "W_self": W_self, "W_neigh": W_neigh,
            "b_conv": b_conv, "gamma": gamma, "beta": beta}


def reference(x, edge_index, batch, fc_W, fc_b, W_self, W_neigh, b_conv, gamma, beta):
    src = edge_index[0]
    dst = edge_index[1]
    # input projection (self.fc)
    h = x @ fc_W + fc_b
    # precompute in-degree for mean aggregation
    deg = jax.ops.segment_sum(jnp.ones((E,), h.dtype), dst, num_segments=N)
    deg = jnp.maximum(deg, 1.0)[:, None]
    graph_embed = jnp.zeros((G, H), h.dtype)  # first-block graph identity treated as zeros
    for i in range(NB):
        # SAGEConv with mean aggregation: W_self * x + W_neigh * mean_neighbors(x)
        msgs = h[src]
        agg = jax.ops.segment_sum(msgs, dst, num_segments=N) / deg
        node_conv = h @ W_self[i] + agg @ W_neigh[i] + b_conv[i]
        # graph_aggr='add' global pooling
        graph_conv = jax.ops.segment_sum(node_conv, batch, num_segments=G)
        # residual connections (channel_match=True)
        node_out = node_conv + h
        graph_out = graph_conv + graph_embed
        # norm, act (graph_out is layer-normed twice per the original forward)
        node_out = layer_norm(node_out, gamma[i], beta[i])
        graph_out = layer_norm(graph_out, gamma[i], beta[i])
        node_out = jax.nn.relu(node_out)
        graph_out = layer_norm(graph_out, gamma[i], beta[i])
        h, graph_embed = node_out, graph_out
    # output_dim == hidden_dim -> no head
    return (h, graph_embed)

if __name__ == "__main__":
    import jax
    _d = setup_inputs()
    print(jax.jit(kernel)(*tuple(_d.values())))

</pallas_src>

<mosaic_0001>
#map = affine_map<(d0, d1) -> (0, 0)>
#map1 = affine_map<(d0, d1) -> (0, 0, 0)>
module attributes {stable_mosaic.version = 14 : i64} {
  func.func @_agg_body(%arg0: i32, %arg1: i32, %arg2: memref<10000x64xf32, #tpu.memory_space<hbm>>, %arg3: memref<32x32x640xi32, #tpu.memory_space<hbm>>, %arg4: memref<32x32x640xi32, #tpu.memory_space<hbm>>, %arg5: memref<10112x64xf32, #tpu.memory_space<hbm>>, %arg6: memref<2x10000x64xf32, #tpu.memory_space<hbm>>, %arg7: memref<640xi32, #tpu.memory_space<vmem>>, %arg8: memref<640xi32, #tpu.memory_space<vmem>>, %arg9: memref<640xi32, #tpu.memory_space<vmem>>, %arg10: memref<640xi32, #tpu.memory_space<vmem>>, %arg11: memref<640x64xf32, #tpu.memory_space<vmem>>, %arg12: memref<640x64xf32, #tpu.memory_space<vmem>>, %arg13: memref<10112x64xf32, #tpu.memory_space<vmem_shared>>, %arg14: memref<!tpu.dma_semaphore, #tpu.memory_space<semaphore_mem>>, %arg15: memref<!tpu.dma_semaphore, #tpu.memory_space<semaphore_mem>>, %arg16: memref<!tpu.dma_semaphore, #tpu.memory_space<semaphore_mem>>, %arg17: memref<!tpu.dma_semaphore, #tpu.memory_space<semaphore_mem>>) attributes {dimension_semantics = [#tpu.dimension_semantics<core_parallel>, #tpu.dimension_semantics<subcore_parallel>], iteration_bounds = array<i64: 2, 16>, scalar_prefetch = 0 : i64, scratch_operands = 11 : i64, tpu.core_type = #tpu.core_type<sc_vector_subcore>, window_params = [{transform_indices = #map}, {transform_indices = #map1}, {transform_indices = #map1}, {transform_indices = #map}, {transform_indices = #map1}]} {
    %mul3A = arith.constant 16 : i32
    %mul3A_0 = arith.muli %arg0, %mul3A : i32
    %add3A = arith.addi %mul3A_0, %arg1 : i32
    %mul3A_1 = arith.constant 632 : i32
    %mul3A_2 = arith.muli %arg1, %mul3A_1 : i32
    %mul3A_3 = arith.constant 632 : i32
    %mul3A_4 = arith.muli %arg1, %mul3A_3 : i32
    "tpu.region"() ({
      %run_scoped3A_50 = tpu.sem_alloc : memref<!tpu.dma_semaphore, #tpu.memory_space<semaphore_mem>>
      %dma_start3A_51 = arith.constant 0 : i32
      %dma_start3A_52 = tpu.memref_slice %arg13[%mul3A_4, %dma_start3A_51] : memref<10112x64xf32, #tpu.memory_space<vmem_shared>> -> memref<632x64xf32, #tpu.memory_space<vmem_shared>>
      %dma_start3A_53 = arith.constant 0 : i32
      %dma_start3A_54 = tpu.memref_slice %arg5[%mul3A_2, %dma_start3A_53] : memref<10112x64xf32, #tpu.memory_space<hbm>> -> memref<632x64xf32, #tpu.memory_space<hbm>>
      tpu.enqueue_dma source(%dma_start3A_54 : memref<632x64xf32, #tpu.memory_space<hbm>>) target(%dma_start3A_52 : memref<632x64xf32, #tpu.memory_space<vmem_shared>>) target_semaphore(%run_scoped3A_50 : memref<!tpu.dma_semaphore, #tpu.memory_space<semaphore_mem>>)
      %dma_wait3A_55 = arith.constant 0 : i32
      %dma_wait3A_56 = tpu.memref_slice %arg13[%mul3A_4, %dma_wait3A_55] : memref<10112x64xf32, #tpu.memory_space<vmem_shared>> -> memref<632x64xf32, #tpu.memory_space<vmem_shared>>
      %dma_wait3A_57 = arith.constant 0 : i32
      %dma_wait3A_58 = tpu.memref_slice %arg5[%mul3A_2, %dma_wait3A_57] : memref<10112x64xf32, #tpu.memory_space<hbm>> -> memref<632x64xf32, #tpu.memory_space<hbm>>
      tpu.wait_dma2 semaphore(%run_scoped3A_50 : memref<!tpu.dma_semaphore, #tpu.memory_space<semaphore_mem>>) src(%dma_wait3A_58 : memref<632x64xf32, #tpu.memory_space<hbm>>) dst(%dma_wait3A_56 : memref<632x64xf32, #tpu.memory_space<vmem_shared>>)
      tpu.yield
    }) : () -> ()
    %run_scoped3A = arith.constant 0 : i32
    "tpu.region"() ({
      %run_scoped3A_50 = tpu.sem_alloc : memref<!tpu.dma_semaphore, #tpu.memory_space<semaphore_mem>>
      %dma_start3A_51 = arith.constant 0 : i32
      %dma_start3A_52 = tpu.memref_slice %arg3[%add3A, %run_scoped3A, %dma_start3A_51] : memref<32x32x640xi32, #tpu.memory_space<hbm>> -> memref<1x1x640xi32, #tpu.memory_space<hbm>>
      %dma_start3A_53 = tpu.memref_squeeze %dma_start3A_52 : memref<1x1x640xi32, #tpu.memory_space<hbm>> -> memref<640xi32, #tpu.memory_space<hbm>>
      %dma_start3A_54 = arith.constant 0 : i32
      %dma_start3A_55 = tpu.memref_slice %arg3[%add3A, %run_scoped3A, %dma_start3A_54] : memref<32x32x640xi32, #tpu.memory_space<hbm>> -> memref<1x1x640xi32, #tpu.memory_space<hbm>>
      %dma_start3A_56 = tpu.memref_squeeze %dma_start3A_55 : memref<1x1x640xi32, #tpu.memory_space<hbm>> -> memref<640xi32, #tpu.memory_space<hbm>>
      tpu.enqueue_dma source(%dma_start3A_56 : memref<640xi32, #tpu.memory_space<hbm>>) target(%arg7 : memref<640xi32, #tpu.memory_space<vmem>>) target_semaphore(%run_scoped3A_50 : memref<!tpu.dma_semaphore, #tpu.memory_space<semaphore_mem>>)
      %dma_wait3A_57 = arith.constant 0 : i32
      %dma_wait3A_58 = tpu.memref_slice %arg3[%add3A, %run_scoped3A, %dma_wait3A_57] : memref<32x32x640xi32, #tpu.memory_space<hbm>> -> memref<1x1x640xi32, #tpu.memory_space<hbm>>
      %dma_wait3A_59 = tpu.memref_squeeze %dma_wait3A_58 : memref<1x1x640xi32, #tpu.memory_space<hbm>> -> memref<640xi32, #tpu.memory_space<hbm>>
      %dma_wait3A_60 = arith.constant 0 : i32
      %dma_wait3A_61 = tpu.memref_slice %arg3[%add3A, %run_scoped3A, %dma_wait3A_60] : memref<32x32x640xi32, #tpu.memory_space<hbm>> -> memref<1x1x640xi32, #tpu.memory_space<hbm>>
      %dma_wait3A_62 = tpu.memref_squeeze %dma_wait3A_61 : memref<1x1x640xi32, #tpu.memory_space<hbm>> -> memref<640xi32, #tpu.memory_space<hbm>>
      tpu.wait_dma2 semaphore(%run_scoped3A_50 : memref<!tpu.dma_semaphore, #tpu.memory_space<semaphore_mem>>) src(%dma_wait3A_62 : memref<640xi32, #tpu.memory_space<hbm>>) dst(%arg7 : memref<640xi32, #tpu.memory_space<vmem>>)
      tpu.yield
    }) : () -> ()
    %run_scoped3A_5 = arith.constant 0 : i32
    "tpu.region"() ({
      %run_scoped3A_50 = tpu.sem_alloc : memref<!tpu.dma_semaphore, #tpu.memory_space<semaphore_mem>>
      %dma_start3A_51 = arith.constant 0 : i32
      %dma_start3A_52 = tpu.memref_slice %arg4[%add3A, %run_scoped3A_5, %dma_start3A_51] : memref<32x32x640xi32, #tpu.memory_space<hbm>> -> memref<1x1x640xi32, #tpu.memory_space<hbm>>
      %dma_start3A_53 = tpu.memref_squeeze %dma_start3A_52 : memref<1x1x640xi32, #tpu.memory_space<hbm>> -> memref<640xi32, #tpu.memory_space<hbm>>
      %dma_start3A_54 = arith.constant 0 : i32
      %dma_start3A_55 = tpu.memref_slice %arg4[%add3A, %run_scoped3A_5, %dma_start3A_54] : memref<32x32x640xi32, #tpu.memory_space<hbm>> -> memref<1x1x640xi32, #tpu.memory_space<hbm>>
      %dma_start3A_56 = tpu.memref_squeeze %dma_start3A_55 : memref<1x1x640xi32, #tpu.memory_space<hbm>> -> memref<640xi32, #tpu.memory_space<hbm>>
      tpu.enqueue_dma source(%dma_start3A_56 : memref<640xi32, #tpu.memory_space<hbm>>) target(%arg9 : memref<640xi32, #tpu.memory_space<vmem>>) target_semaphore(%run_scoped3A_50 : memref<!tpu.dma_semaphore, #tpu.memory_space<semaphore_mem>>)
      %dma_wait3A_57 = arith.constant 0 : i32
      %dma_wait3A_58 = tpu.memref_slice %arg4[%add3A, %run_scoped3A_5, %dma_wait3A_57] : memref<32x32x640xi32, #tpu.memory_space<hbm>> -> memref<1x1x640xi32, #tpu.memory_space<hbm>>
      %dma_wait3A_59 = tpu.memref_squeeze %dma_wait3A_58 : memref<1x1x640xi32, #tpu.memory_space<hbm>> -> memref<640xi32, #tpu.memory_space<hbm>>
      %dma_wait3A_60 = arith.constant 0 : i32
      %dma_wait3A_61 = tpu.memref_slice %arg4[%add3A, %run_scoped3A_5, %dma_wait3A_60] : memref<32x32x640xi32, #tpu.memory_space<hbm>> -> memref<1x1x640xi32, #tpu.memory_space<hbm>>
      %dma_wait3A_62 = tpu.memref_squeeze %dma_wait3A_61 : memref<1x1x640xi32, #tpu.memory_space<hbm>> -> memref<640xi32, #tpu.memory_space<hbm>>
      tpu.wait_dma2 semaphore(%run_scoped3A_50 : memref<!tpu.dma_semaphore, #tpu.memory_space<semaphore_mem>>) src(%dma_wait3A_62 : memref<640xi32, #tpu.memory_space<hbm>>) dst(%arg9 : memref<640xi32, #tpu.memory_space<vmem>>)
      tpu.yield
    }) : () -> ()
    %barrier3A = arith.constant 0 : index
    tpu.barrier barrier_id(%barrier3A)
    %dma_start3A = arith.constant 0 : i32
    %dma_start3A_6 = arith.constant 0 : i32
    %dma_start3A_7 = tpu.memref_slice %arg2[%dma_start3A, %dma_start3A_6] : memref<10000x64xf32, #tpu.memory_space<hbm>> -> memref<10000x64xf32, #tpu.memory_space<hbm>>
    tpu.enqueue_indirect_dma source(%dma_start3A_7 : memref<10000x64xf32, #tpu.memory_space<hbm>>) target(%arg11 : memref<640x64xf32, #tpu.memory_space<vmem>>) offsets(%arg7 : memref<640xi32, #tpu.memory_space<vmem>>) semaphore(%arg14 : memref<!tpu.dma_semaphore, #tpu.memory_space<semaphore_mem>>)
    %dma_start3A_8 = arith.constant 1 : i32
    %dma_start3A_9 = arith.constant 0 : i32
    %dma_start3A_10 = tpu.memref_slice %arg3[%add3A, %dma_start3A_8, %dma_start3A_9] : memref<32x32x640xi32, #tpu.memory_space<hbm>> -> memref<1x1x640xi32, #tpu.memory_space<hbm>>
    %dma_start3A_11 = tpu.memref_squeeze %dma_start3A_10 : memref<1x1x640xi32, #tpu.memory_space<hbm>> -> memref<640xi32, #tpu.memory_space<hbm>>
    %dma_start3A_12 = arith.constant 0 : i32
    %dma_start3A_13 = tpu.memref_slice %arg3[%add3A, %dma_start3A_8, %dma_start3A_12] : memref<32x32x640xi32, #tpu.memory_space<hbm>> -> memref<1x1x640xi32, #tpu.memory_space<hbm>>
    %dma_start3A_14 = tpu.memref_squeeze %dma_start3A_13 : memref<1x1x640xi32, #tpu.memory_space<hbm>> -> memref<640xi32, #tpu.memory_space<hbm>>
    tpu.enqueue_dma source(%dma_start3A_14 : memref<640xi32, #tpu.memory_space<hbm>>) target(%arg8 : memref<640xi32, #tpu.memory_space<vmem>>) target_semaphore(%arg16 : memref<!tpu.dma_semaphore, #tpu.memory_space<semaphore_mem>>)
    %dma_start3A_15 = arith.constant 1 : i32
    %dma_start3A_16 = arith.constant 0 : i32
    %dma_start3A_17 = tpu.memref_slice %arg4[%add3A, %dma_start3A_15, %dma_start3A_16] : memref<32x32x640xi32, #tpu.memory_space<hbm>> -> memref<1x1x640xi32, #tpu.memory_space<hbm>>
    %dma_start3A_18 = tpu.memref_squeeze %dma_start3A_17 : memref<1x1x640xi32, #tpu.memory_space<hbm>> -> memref<640xi32, #tpu.memory_space<hbm>>
    %dma_start3A_19 = arith.constant 0 : i32
    %dma_start3A_20 = tpu.memref_slice %arg4[%add3A, %dma_start3A_15, %dma_start3A_19] : memref<32x32x640xi32, #tpu.memory_space<hbm>> -> memref<1x1x640xi32, #tpu.memory_space<hbm>>
    %dma_start3A_21 = tpu.memref_squeeze %dma_start3A_20 : memref<1x1x640xi32, #tpu.memory_space<hbm>> -> memref<640xi32, #tpu.memory_space<hbm>>
    tpu.enqueue_dma source(%dma_start3A_21 : memref<640xi32, #tpu.memory_space<hbm>>) target(%arg10 : memref<640xi32, #tpu.memory_space<vmem>>) target_semaphore(%arg16 : memref<!tpu.dma_semaphore, #tpu.memory_space<semaphore_mem>>)
    %scan3A = arith.constant 0 : i32
    %scan3A_22 = arith.constant 0 : i32
    %scan3A_23 = arith.constant 16 : i32
    %scan3A_24 = arith.addi %scan3A_22, %scan3A_23 : i32
    %scan3A_25 = arith.constant 1 : i32
    scf.for %scan3A_50 = %scan3A_22 to %scan3A_24 step %scan3A_25  : i32 {
      %mul3A_51 = arith.constant 2 : i32
      %mul3A_52 = arith.muli %mul3A_51, %scan3A_50 : i32
      %mul3A_53 = arith.constant 2 : i32
      %mul3A_54 = arith.muli %mul3A_53, %scan3A_50 : i32
      %add3A_55 = arith.constant 1 : i32
      %add3A_56 = arith.addi %mul3A_54, %add3A_55 : i32
      %dma_wait3A_57 = arith.constant 0 : i32
      %dma_wait3A_58 = tpu.memref_slice %arg3[%add3A, %add3A_56, %dma_wait3A_57] : memref<32x32x640xi32, #tpu.memory_space<hbm>> -> memref<1x1x640xi32, #tpu.memory_space<hbm>>
      %dma_wait3A_59 = tpu.memref_squeeze %dma_wait3A_58 : memref<1x1x640xi32, #tpu.memory_space<hbm>> -> memref<640xi32, #tpu.memory_space<hbm>>
      %dma_wait3A_60 = arith.constant 0 : i32
      %dma_wait3A_61 = tpu.memref_slice %arg3[%add3A, %add3A_56, %dma_wait3A_60] : memref<32x32x640xi32, #tpu.memory_space<hbm>> -> memref<1x1x640xi32, #tpu.memory_space<hbm>>
      %dma_wait3A_62 = tpu.memref_squeeze %dma_wait3A_61 : memref<1x1x640xi32, #tpu.memory_space<hbm>> -> memref<640xi32, #tpu.memory_space<hbm>>
      tpu.wait_dma2 semaphore(%arg16 : memref<!tpu.dma_semaphore, #tpu.memory_space<semaphore_mem>>) src(%dma_wait3A_62 : memref<640xi32, #tpu.memory_space<hbm>>) dst(%arg8 : memref<640xi32, #tpu.memory_space<vmem>>)
      %dma_wait3A_63 = arith.constant 0 : i32
      %dma_wait3A_64 = tpu.memref_slice %arg4[%add3A, %add3A_56, %dma_wait3A_63] : memref<32x32x640xi32, #tpu.memory_space<hbm>> -> memref<1x1x640xi32, #tpu.memory_space<hbm>>
      %dma_wait3A_65 = tpu.memref_squeeze %dma_wait3A_64 : memref<1x1x640xi32, #tpu.memory_space<hbm>> -> memref<640xi32, #tpu.memory_space<hbm>>
      %dma_wait3A_66 = arith.constant 0 : i32
      %dma_wait3A_67 = tpu.memref_slice %arg4[%add3A, %add3A_56, %dma_wait3A_66] : memref<32x32x640xi32, #tpu.memory_space<hbm>> -> memref<1x1x640xi32, #tpu.memory_space<hbm>>
      %dma_wait3A_68 = tpu.memref_squeeze %dma_wait3A_67 : memref<1x1x640xi32, #tpu.memory_space<hbm>> -> memref<640xi32, #tpu.memory_space<hbm>>
      tpu.wait_dma2 semaphore(%arg16 : memref<!tpu.dma_semaphore, #tpu.memory_space<semaphore_mem>>) src(%dma_wait3A_68 : memref<640xi32, #tpu.memory_space<hbm>>) dst(%arg10 : memref<640xi32, #tpu.memory_space<vmem>>)
      %dma_wait3A_69 = arith.constant 0 : i32
      %dma_wait3A_70 = arith.constant 0 : i32
      %dma_wait3A_71 = tpu.memref_slice %arg2[%dma_wait3A_69, %dma_wait3A_70] : memref<10000x64xf32, #tpu.memory_space<hbm>> -> memref<10000x64xf32, #tpu.memory_space<hbm>>
      tpu.wait_indirect_dma semaphore(%arg14 : memref<!tpu.dma_semaphore, #tpu.memory_space<semaphore_mem>>) src(%dma_wait3A_71 : memref<10000x64xf32, #tpu.memory_space<hbm>>) dst(%arg11 : memref<640x64xf32, #tpu.memory_space<vmem>>)
      %dma_start3A_72 = arith.constant 0 : i32
      %dma_start3A_73 = arith.constant 0 : i32
      %dma_start3A_74 = tpu.memref_slice %arg2[%dma_start3A_72, %dma_start3A_73] : memref<10000x64xf32, #tpu.memory_space<hbm>> -> memref<10000x64xf32, #tpu.memory_space<hbm>>
      tpu.enqueue_indirect_dma source(%dma_start3A_74 : memref<10000x64xf32, #tpu.memory_space<hbm>>) target(%arg12 : memref<640x64xf32, #tpu.memory_space<vmem>>) offsets(%arg8 : memref<640xi32, #tpu.memory_space<vmem>>) semaphore(%arg15 : memref<!tpu.dma_semaphore, #tpu.memory_space<semaphore_mem>>)
      "tpu.region"() ({
        %run_scoped3A_124 = tpu.sem_alloc : memref<!tpu.dma_semaphore, #tpu.memory_space<semaphore_mem>>
        %dma_start3A_125 = arith.constant 0 : i32
        %dma_start3A_126 = arith.constant 0 : i32
        %dma_start3A_127 = tpu.memref_slice %arg13[%dma_start3A_125, %dma_start3A_126] : memref<10112x64xf32, #tpu.memory_space<vmem_shared>> -> memref<10112x64xf32, #tpu.memory_space<vmem_shared>>
        tpu.enqueue_indirect_dma source(%arg11 : memref<640x64xf32, #tpu.memory_space<vmem>>) target(%dma_start3A_127 : memref<10112x64xf32, #tpu.memory_space<vmem_shared>>) offsets(%arg9 : memref<640xi32, #tpu.memory_space<vmem>>) semaphore(%run_scoped3A_124 : memref<!tpu.dma_semaphore, #tpu.memory_space<semaphore_mem>>) {add = true}
        %dma_wait3A_128 = arith.constant 0 : i32
        %dma_wait3A_129 = arith.constant 0 : i32
        %dma_wait3A_130 = tpu.memref_slice %arg13[%dma_wait3A_128, %dma_wait3A_129] : memref<10112x64xf32, #tpu.memory_space<vmem_shared>> -> memref<10112x64xf32, #tpu.memory_space<vmem_shared>>
        tpu.wait_indirect_dma semaphore(%run_scoped3A_124 : memref<!tpu.dma_semaphore, #tpu.memory_space<semaphore_mem>>) src(%arg11 : memref<640x64xf32, #tpu.memory_space<vmem>>) dst(%dma_wait3A_130 : memref<10112x64xf32, #tpu.memory_space<vmem_shared>>)
        tpu.yield
      }) : () -> ()
      %add3A_75 = arith.constant 2 : i32
      %add3A_76 = arith.addi %mul3A_52, %add3A_75 : i32
      %min3A = arith.constant 31 : i32
      %min3A_77 = arith.minsi %add3A_76, %min3A : i32
      %dma_start3A_78 = arith.constant 0 : i32
      %dma_start3A_79 = tpu.memref_slice %arg3[%add3A, %min3A_77, %dma_start3A_78] : memref<32x32x640xi32, #tpu.memory_space<hbm>> -> memref<1x1x640xi32, #tpu.memory_space<hbm>>
      %dma_start3A_80 = tpu.memref_squeeze %dma_start3A_79 : memref<1x1x640xi32, #tpu.memory_space<hbm>> -> memref<640xi32, #tpu.memory_space<hbm>>
      %dma_start3A_81 = arith.constant 0 : i32
      %dma_start3A_82 = tpu.memref_slice %arg3[%add3A, %min3A_77, %dma_start3A_81] : memref<32x32x640xi32, #tpu.memory_space<hbm>> -> memref<1x1x640xi32, #tpu.memory_space<hbm>>
      %dma_start3A_83 = tpu.memref_squeeze %dma_start3A_82 : memref<1x1x640xi32, #tpu.memory_space<hbm>> -> memref<640xi32, #tpu.memory_space<hbm>>
      tpu.enqueue_dma source(%dma_start3A_83 : memref<640xi32, #tpu.memory_space<hbm>>) target(%arg7 : memref<640xi32, #tpu.memory_space<vmem>>) target_semaphore(%arg17 : memref<!tpu.dma_semaphore, #tpu.memory_space<semaphore_mem>>)
      %dma_start3A_84 = arith.constant 0 : i32
      %dma_start3A_85 = tpu.memref_slice %arg4[%add3A, %min3A_77, %dma_start3A_84] : memref<32x32x640xi32, #tpu.memory_space<hbm>> -> memref<1x1x640xi32, #tpu.memory_space<hbm>>
      %dma_start3A_86 = tpu.memref_squeeze %dma_start3A_85 : memref<1x1x640xi32, #tpu.memory_space<hbm>> -> memref<640xi32, #tpu.memory_space<hbm>>
      %dma_start3A_87 = arith.constant 0 : i32
      %dma_start3A_88 = tpu.memref_slice %arg4[%add3A, %min3A_77, %dma_start3A_87] : memref<32x32x640xi32, #tpu.memory_space<hbm>> -> memref<1x1x640xi32, #tpu.memory_space<hbm>>
      %dma_start3A_89 = tpu.memref_squeeze %dma_start3A_88 : memref<1x1x640xi32, #tpu.memory_space<hbm>> -> memref<640xi32, #tpu.memory_space<hbm>>
      tpu.enqueue_dma source(%dma_start3A_89 : memref<640xi32, #tpu.memory_space<hbm>>) target(%arg9 : memref<640xi32, #tpu.memory_space<vmem>>) target_semaphore(%arg17 : memref<!tpu.dma_semaphore, #tpu.memory_space<semaphore_mem>>)
      %dma_wait3A_90 = arith.constant 0 : i32
      %dma_wait3A_91 = arith.constant 0 : i32
      %dma_wait3A_92 = tpu.memref_slice %arg2[%dma_wait3A_90, %dma_wait3A_91] : memref<10000x64xf32, #tpu.memory_space<hbm>> -> memref<10000x64xf32, #tpu.memory_space<hbm>>
      tpu.wait_indirect_dma semaphore(%arg15 : memref<!tpu.dma_semaphore, #tpu.memory_space<semaphore_mem>>) src(%dma_wait3A_92 : memref<10000x64xf32, #tpu.memory_space<hbm>>) dst(%arg12 : memref<640x64xf32, #tpu.memory_space<vmem>>)
      %dma_wait3A_93 = arith.constant 0 : i32
      %dma_wait3A_94 = tpu.memref_slice %arg3[%add3A, %min3A_77, %dma_wait3A_93] : memref<32x32x640xi32, #tpu.memory_space<hbm>> -> memref<1x1x640xi32, #tpu.memory_space<hbm>>
      %dma_wait3A_95 = tpu.memref_squeeze %dma_wait3A_94 : memref<1x1x640xi32, #tpu.memory_space<hbm>> -> memref<640xi32, #tpu.memory_space<hbm>>
      %dma_wait3A_96 = arith.constant 0 : i32
      %dma_wait3A_97 = tpu.memref_slice %arg3[%add3A, %min3A_77, %dma_wait3A_96] : memref<32x32x640xi32, #tpu.memory_space<hbm>> -> memref<1x1x640xi32, #tpu.memory_space<hbm>>
      %dma_wait3A_98 = tpu.memref_squeeze %dma_wait3A_97 : memref<1x1x640xi32, #tpu.memory_space<hbm>> -> memref<640xi32, #tpu.memory_space<hbm>>
      tpu.wait_dma2 semaphore(%arg17 : memref<!tpu.dma_semaphore, #tpu.memory_space<semaphore_mem>>) src(%dma_wait3A_98 : memref<640xi32, #tpu.memory_space<hbm>>) dst(%arg7 : memref<640xi32, #tpu.memory_space<vmem>>)
      %dma_wait3A_99 = arith.constant 0 : i32
      %dma_wait3A_100 = tpu.memref_slice %arg4[%add3A, %min3A_77, %dma_wait3A_99] : memref<32x32x640xi32, #tpu.memory_space<hbm>> -> memref<1x1x640xi32, #tpu.memory_space<hbm>>
      %dma_wait3A_101 = tpu.memref_squeeze %dma_wait3A_100 : memref<1x1x640xi32, #tpu.memory_space<hbm>> -> memref<640xi32, #tpu.memory_space<hbm>>
      %dma_wait3A_102 = arith.constant 0 : i32
      %dma_wait3A_103 = tpu.memref_slice %arg4[%add3A, %min3A_77, %dma_wait3A_102] : memref<32x32x640xi32, #tpu.memory_space<hbm>> -> memref<1x1x640xi32, #tpu.memory_space<hbm>>
      %dma_wait3A_104 = tpu.memref_squeeze %dma_wait3A_103 : memref<1x1x640xi32, #tpu.memory_space<hbm>> -> memref<640xi32, #tpu.memory_space<hbm>>
      tpu.wait_dma2 semaphore(%arg17 : memref<!tpu.dma_semaphore, #tpu.memory_space<semaphore_mem>>) src(%dma_wait3A_104 : memref<640xi32, #tpu.memory_space<hbm>>) dst(%arg9 : memref<640xi32, #tpu.memory_space<vmem>>)
      %dma_start3A_105 = arith.constant 0 : i32
      %dma_start3A_106 = arith.constant 0 : i32
      %dma_start3A_107 = tpu.memref_slice %arg2[%dma_start3A_105, %dma_start3A_106] : memref<10000x64xf32, #tpu.memory_space<hbm>> -> memref<10000x64xf32, #tpu.memory_space<hbm>>
      tpu.enqueue_indirect_dma source(%dma_start3A_107 : memref<10000x64xf32, #tpu.memory_space<hbm>>) target(%arg11 : memref<640x64xf32, #tpu.memory_space<vmem>>) offsets(%arg7 : memref<640xi32, #tpu.memory_space<vmem>>) semaphore(%arg14 : memref<!tpu.dma_semaphore, #tpu.memory_space<semaphore_mem>>)
      "tpu.region"() ({
        %run_scoped3A_124 = tpu.sem_alloc : memref<!tpu.dma_semaphore, #tpu.memory_space<semaphore_mem>>
        %dma_start3A_125 = arith.constant 0 : i32
        %dma_start3A_126 = arith.constant 0 : i32
        %dma_start3A_127 = tpu.memref_slice %arg13[%dma_start3A_125, %dma_start3A_126] : memref<10112x64xf32, #tpu.memory_space<vmem_shared>> -> memref<10112x64xf32, #tpu.memory_space<vmem_shared>>
        tpu.enqueue_indirect_dma source(%arg12 : memref<640x64xf32, #tpu.memory_space<vmem>>) target(%dma_start3A_127 : memref<10112x64xf32, #tpu.memory_space<vmem_shared>>) offsets(%arg10 : memref<640xi32, #tpu.memory_space<vmem>>) semaphore(%run_scoped3A_124 : memref<!tpu.dma_semaphore, #tpu.memory_space<semaphore_mem>>) {add = true}
        %dma_wait3A_128 = arith.constant 0 : i32
        %dma_wait3A_129 = arith.constant 0 : i32
        %dma_wait3A_130 = tpu.memref_slice %arg13[%dma_wait3A_128, %dma_wait3A_129] : memref<10112x64xf32, #tpu.memory_space<vmem_shared>> -> memref<10112x64xf32, #tpu.memory_space<vmem_shared>>
        tpu.wait_indirect_dma semaphore(%run_scoped3A_124 : memref<!tpu.dma_semaphore, #tpu.memory_space<semaphore_mem>>) src(%arg12 : memref<640x64xf32, #tpu.memory_space<vmem>>) dst(%dma_wait3A_130 : memref<10112x64xf32, #tpu.memory_space<vmem_shared>>)
        tpu.yield
      }) : () -> ()
      %add3A_108 = arith.constant 2 : i32
      %add3A_109 = arith.addi %add3A_56, %add3A_108 : i32
      %min3A_110 = arith.constant 31 : i32
      %min3A_111 = arith.minsi %add3A_109, %min3A_110 : i32
      %dma_start3A_112 = arith.constant 0 : i32
      %dma_start3A_113 = tpu.memref_slice %arg3[%add3A, %min3A_111, %dma_start3A_112] : memref<32x32x640xi32, #tpu.memory_space<hbm>> -> memref<1x1x640xi32, #tpu.memory_space<hbm>>
      %dma_start3A_114 = tpu.memref_squeeze %dma_start3A_113 : memref<1x1x640xi32, #tpu.memory_space<hbm>> -> memref<640xi32, #tpu.memory_space<hbm>>
      %dma_start3A_115 = arith.constant 0 : i32
      %dma_start3A_116 = tpu.memref_slice %arg3[%add3A, %min3A_111, %dma_start3A_115] : memref<32x32x640xi32, #tpu.memory_space<hbm>> -> memref<1x1x640xi32, #tpu.memory_space<hbm>>
      %dma_start3A_117 = tpu.memref_squeeze %dma_start3A_116 : memref<1x1x640xi32, #tpu.memory_space<hbm>> -> memref<640xi32, #tpu.memory_space<hbm>>
      tpu.enqueue_dma source(%dma_start3A_117 : memref<640xi32, #tpu.memory_space<hbm>>) target(%arg8 : memref<640xi32, #tpu.memory_space<vmem>>) target_semaphore(%arg16 : memref<!tpu.dma_semaphore, #tpu.memory_space<semaphore_mem>>)
      %dma_start3A_118 = arith.constant 0 : i32
      %dma_start3A_119 = tpu.memref_slice %arg4[%add3A, %min3A_111, %dma_start3A_118] : memref<32x32x640xi32, #tpu.memory_space<hbm>> -> memref<1x1x640xi32, #tpu.memory_space<hbm>>
      %dma_start3A_120 = tpu.memref_squeeze %dma_start3A_119 : memref<1x1x640xi32, #tpu.memory_space<hbm>> -> memref<640xi32, #tpu.memory_space<hbm>>
      %dma_start3A_121 = arith.constant 0 : i32
      %dma_start3A_122 = tpu.memref_slice %arg4[%add3A, %min3A_111, %dma_start3A_121] : memref<32x32x640xi32, #tpu.memory_space<hbm>> -> memref<1x1x640xi32, #tpu.memory_space<hbm>>
      %dma_start3A_123 = tpu.memref_squeeze %dma_start3A_122 : memref<1x1x640xi32, #tpu.memory_space<hbm>> -> memref<640xi32, #tpu.memory_space<hbm>>
      tpu.enqueue_dma source(%dma_start3A_123 : memref<640xi32, #tpu.memory_space<hbm>>) target(%arg10 : memref<640xi32, #tpu.memory_space<vmem>>) target_semaphore(%arg16 : memref<!tpu.dma_semaphore, #tpu.memory_space<semaphore_mem>>)
    }
    %scan3A_26 = arith.constant 16 : i32
    %dma_wait3A = arith.constant 31 : i32
    %dma_wait3A_27 = arith.constant 0 : i32
    %dma_wait3A_28 = tpu.memref_slice %arg3[%add3A, %dma_wait3A, %dma_wait3A_27] : memref<32x32x640xi32, #tpu.memory_space<hbm>> -> memref<1x1x640xi32, #tpu.memory_space<hbm>>
    %dma_wait3A_29 = tpu.memref_squeeze %dma_wait3A_28 : memref<1x1x640xi32, #tpu.memory_space<hbm>> -> memref<640xi32, #tpu.memory_space<hbm>>
    %dma_wait3A_30 = arith.constant 0 : i32
    %dma_wait3A_31 = tpu.memref_slice %arg3[%add3A, %dma_wait3A, %dma_wait3A_30] : memref<32x32x640xi32, #tpu.memory_space<hbm>> -> memref<1x1x640xi32, #tpu.memory_space<hbm>>
    %dma_wait3A_32 = tpu.memref_squeeze %dma_wait3A_31 : memref<1x1x640xi32, #tpu.memory_space<hbm>> -> memref<640xi32, #tpu.memory_space<hbm>>
    tpu.wait_dma2 semaphore(%arg16 : memref<!tpu.dma_semaphore, #tpu.memory_space<semaphore_mem>>) src(%dma_wait3A_32 : memref<640xi32, #tpu.memory_space<hbm>>) dst(%arg8 : memref<640xi32, #tpu.memory_space<vmem>>)
    %dma_wait3A_33 = arith.constant 31 : i32
    %dma_wait3A_34 = arith.constant 0 : i32
    %dma_wait3A_35 = tpu.memref_slice %arg4[%add3A, %dma_wait3A_33, %dma_wait3A_34] : memref<32x32x640xi32, #tpu.memory_space<hbm>> -> memref<1x1x640xi32, #tpu.memory_space<hbm>>
    %dma_wait3A_36 = tpu.memref_squeeze %dma_wait3A_35 : memref<1x1x640xi32, #tpu.memory_space<hbm>> -> memref<640xi32, #tpu.memory_space<hbm>>
    %dma_wait3A_37 = arith.constant 0 : i32
    %dma_wait3A_38 = tpu.memref_slice %arg4[%add3A, %dma_wait3A_33, %dma_wait3A_37] : memref<32x32x640xi32, #tpu.memory_space<hbm>> -> memref<1x1x640xi32, #tpu.memory_space<hbm>>
    %dma_wait3A_39 = tpu.memref_squeeze %dma_wait3A_38 : memref<1x1x640xi32, #tpu.memory_space<hbm>> -> memref<640xi32, #tpu.memory_space<hbm>>
    tpu.wait_dma2 semaphore(%arg16 : memref<!tpu.dma_semaphore, #tpu.memory_space<semaphore_mem>>) src(%dma_wait3A_39 : memref<640xi32, #tpu.memory_space<hbm>>) dst(%arg10 : memref<640xi32, #tpu.memory_space<vmem>>)
    %dma_wait3A_40 = arith.constant 0 : i32
    %dma_wait3A_41 = arith.constant 0 : i32
    %dma_wait3A_42 = tpu.memref_slice %arg2[%dma_wait3A_40, %dma_wait3A_41] : memref<10000x64xf32, #tpu.memory_space<hbm>> -> memref<10000x64xf32, #tpu.memory_space<hbm>>
    tpu.wait_indirect_dma semaphore(%arg14 : memref<!tpu.dma_semaphore, #tpu.memory_space<semaphore_mem>>) src(%dma_wait3A_42 : memref<10000x64xf32, #tpu.memory_space<hbm>>) dst(%arg11 : memref<640x64xf32, #tpu.memory_space<vmem>>)
    %barrier3A_43 = arith.constant 0 : index
    tpu.barrier barrier_id(%barrier3A_43)
    %lt3A = arith.constant 15 : i32
    %lt3A_44 = arith.cmpi slt, %arg1, %lt3A : i32
    %convert_element_type3A = arith.extui %lt3A_44 : i1 to i32
    %cond3A = arith.constant 0 : i32
    %cond3A_45 = arith.cmpi ne, %convert_element_type3A, %cond3A : i32
    scf.if %cond3A_45 {
      %mul3A_50 = arith.constant 632 : i32
      %mul3A_51 = arith.muli %arg1, %mul3A_50 : i32
      %mul3A_52 = arith.constant 632 : i32
      %mul3A_53 = arith.muli %arg1, %mul3A_52 : i32
      "tpu.region"() ({
        %run_scoped3A_54 = tpu.sem_alloc : memref<!tpu.dma_semaphore, #tpu.memory_space<semaphore_mem>>
        %dma_start3A_55 = arith.constant 0 : i32
        %dma_start3A_56 = tpu.memref_slice %arg6[%arg0, %mul3A_53, %dma_start3A_55] : memref<2x10000x64xf32, #tpu.memory_space<hbm>> -> memref<1x632x64xf32, #tpu.memory_space<hbm>>
        %dma_start3A_57 = tpu.memref_squeeze %dma_start3A_56 : memref<1x632x64xf32, #tpu.memory_space<hbm>> -> memref<632x64xf32, #tpu.memory_space<hbm>>
        %dma_start3A_58 = arith.constant 0 : i32
        %dma_start3A_59 = tpu.memref_slice %arg13[%mul3A_51, %dma_start3A_58] : memref<10112x64xf32, #tpu.memory_space<vmem_shared>> -> memref<632x64xf32, #tpu.memory_space<vmem_shared>>
        tpu.enqueue_dma source(%dma_start3A_59 : memref<632x64xf32, #tpu.memory_space<vmem_shared>>) target(%dma_start3A_57 : memref<632x64xf32, #tpu.memory_space<hbm>>) target_semaphore(%run_scoped3A_54 : memref<!tpu.dma_semaphore, #tpu.memory_space<semaphore_mem>>)
        %dma_wait3A_60 = arith.constant 0 : i32
        %dma_wait3A_61 = tpu.memref_slice %arg6[%arg0, %mul3A_53, %dma_wait3A_60] : memref<2x10000x64xf32, #tpu.memory_space<hbm>> -> memref<1x632x64xf32, #tpu.memory_space<hbm>>
        %dma_wait3A_62 = tpu.memref_squeeze %dma_wait3A_61 : memref<1x632x64xf32, #tpu.memory_space<hbm>> -> memref<632x64xf32, #tpu.memory_space<hbm>>
        %dma_wait3A_63 = arith.constant 0 : i32
        %dma_wait3A_64 = tpu.memref_slice %arg13[%mul3A_51, %dma_wait3A_63] : memref<10112x64xf32, #tpu.memory_space<vmem_shared>> -> memref<632x64xf32, #tpu.memory_space<vmem_shared>>
        tpu.wait_dma2 semaphore(%run_scoped3A_54 : memref<!tpu.dma_semaphore, #tpu.memory_space<semaphore_mem>>) src(%dma_wait3A_64 : memref<632x64xf32, #tpu.memory_space<vmem_shared>>) dst(%dma_wait3A_62 : memref<632x64xf32, #tpu.memory_space<hbm>>)
        tpu.yield
      }) : () -> ()
    } else {
    }
    %eq3A = arith.constant 15 : i32
    %eq3A_46 = arith.cmpi eq, %arg1, %eq3A : i32
    %convert_element_type3A_47 = arith.extui %eq3A_46 : i1 to i32
    %cond3A_48 = arith.constant 0 : i32
    %cond3A_49 = arith.cmpi ne, %convert_element_type3A_47, %cond3A_48 : i32
    scf.if %cond3A_49 {
      "tpu.region"() ({
        %run_scoped3A_50 = tpu.sem_alloc : memref<!tpu.dma_semaphore, #tpu.memory_space<semaphore_mem>>
        %dma_start3A_51 = arith.constant 9480 : i32
        %dma_start3A_52 = arith.constant 0 : i32
        %dma_start3A_53 = tpu.memref_slice %arg6[%arg0, %dma_start3A_51, %dma_start3A_52] : memref<2x10000x64xf32, #tpu.memory_space<hbm>> -> memref<1x520x64xf32, #tpu.memory_space<hbm>>
        %dma_start3A_54 = tpu.memref_squeeze %dma_start3A_53 : memref<1x520x64xf32, #tpu.memory_space<hbm>> -> memref<520x64xf32, #tpu.memory_space<hbm>>
        %dma_start3A_55 = arith.constant 9480 : i32
        %dma_start3A_56 = arith.constant 0 : i32
        %dma_start3A_57 = tpu.memref_slice %arg13[%dma_start3A_55, %dma_start3A_56] : memref<10112x64xf32, #tpu.memory_space<vmem_shared>> -> memref<520x64xf32, #tpu.memory_space<vmem_shared>>
        tpu.enqueue_dma source(%dma_start3A_57 : memref<520x64xf32, #tpu.memory_space<vmem_shared>>) target(%dma_start3A_54 : memref<520x64xf32, #tpu.memory_space<hbm>>) target_semaphore(%run_scoped3A_50 : memref<!tpu.dma_semaphore, #tpu.memory_space<semaphore_mem>>)
        %dma_wait3A_58 = arith.constant 9480 : i32
        %dma_wait3A_59 = arith.constant 0 : i32
        %dma_wait3A_60 = tpu.memref_slice %arg6[%arg0, %dma_wait3A_58, %dma_wait3A_59] : memref<2x10000x64xf32, #tpu.memory_space<hbm>> -> memref<1x520x64xf32, #tpu.memory_space<hbm>>
        %dma_wait3A_61 = tpu.memref_squeeze %dma_wait3A_60 : memref<1x520x64xf32, #tpu.memory_space<hbm>> -> memref<520x64xf32, #tpu.memory_space<hbm>>
        %dma_wait3A_62 = arith.constant 9480 : i32
        %dma_wait3A_63 = arith.constant 0 : i32
        %dma_wait3A_64 = tpu.memref_slice %arg13[%dma_wait3A_62, %dma_wait3A_63] : memref<10112x64xf32, #tpu.memory_space<vmem_shared>> -> memref<520x64xf32, #tpu.memory_space<vmem_shared>>
        tpu.wait_dma2 semaphore(%run_scoped3A_50 : memref<!tpu.dma_semaphore, #tpu.memory_space<semaphore_mem>>) src(%dma_wait3A_64 : memref<520x64xf32, #tpu.memory_space<vmem_shared>>) dst(%dma_wait3A_61 : memref<520x64xf32, #tpu.memory_space<hbm>>)
        tpu.yield
      }) : () -> ()
    } else {
    }
    return
  }
}

#map = affine_map<(d0, d1) -> (0, 0)>
#map1 = affine_map<(d0, d1) -> (0, 0, 0)>
module attributes {stable_mosaic.version = 14 : i64} {
  func.func @_agg_body(%arg0: i32, %arg1: i32, %arg2: memref<10000x64xf32, #tpu.memory_space<hbm>>, %arg3: memref<32x32x640xi32, #tpu.memory_space<hbm>>, %arg4: memref<32x32x640xi32, #tpu.memory_space<hbm>>, %arg5: memref<10112x64xf32, #tpu.memory_space<hbm>>, %arg6: memref<2x10000x64xf32, #tpu.memory_space<hbm>>, %arg7: memref<640xi32, #tpu.memory_space<vmem>>, %arg8: memref<640xi32, #tpu.memory_space<vmem>>, %arg9: memref<640xi32, #tpu.memory_space<vmem>>, %arg10: memref<640xi32, #tpu.memory_space<vmem>>, %arg11: memref<640x64xf32, #tpu.memory_space<vmem>>, %arg12: memref<640x64xf32, #tpu.memory_space<vmem>>, %arg13: memref<10112x64xf32, #tpu.memory_space<vmem_shared>>, %arg14: memref<!tpu.dma_semaphore, #tpu.memory_space<semaphore_mem>>, %arg15: memref<!tpu.dma_semaphore, #tpu.memory_space<semaphore_mem>>, %arg16: memref<!tpu.dma_semaphore, #tpu.memory_space<semaphore_mem>>, %arg17: memref<!tpu.dma_semaphore, #tpu.memory_space<semaphore_mem>>) attributes {dimension_semantics = [#tpu.dimension_semantics<core_parallel>, #tpu.dimension_semantics<subcore_parallel>], iteration_bounds = array<i64: 2, 16>, scalar_prefetch = 0 : i64, scratch_operands = 11 : i64, tpu.core_type = #tpu.core_type<sc_vector_subcore>, window_params = [{transform_indices = #map}, {transform_indices = #map1}, {transform_indices = #map1}, {transform_indices = #map}, {transform_indices = #map1}]} {
    %mul3A = arith.constant 16 : i32
    %mul3A_0 = arith.muli %arg0, %mul3A : i32
    %add3A = arith.addi %mul3A_0, %arg1 : i32
    %mul3A_1 = arith.constant 632 : i32
    %mul3A_2 = arith.muli %arg1, %mul3A_1 : i32
    %mul3A_3 = arith.constant 632 : i32
    %mul3A_4 = arith.muli %arg1, %mul3A_3 : i32
    "tpu.region"() ({
      %run_scoped3A_50 = tpu.sem_alloc : memref<!tpu.dma_semaphore, #tpu.memory_space<semaphore_mem>>
      %dma_start3A_51 = arith.constant 0 : i32
      %dma_start3A_52 = tpu.memref_slice %arg13[%mul3A_4, %dma_start3A_51] : memref<10112x64xf32, #tpu.memory_space<vmem_shared>> -> memref<632x64xf32, #tpu.memory_space<vmem_shared>>
      %dma_start3A_53 = arith.constant 0 : i32
      %dma_start3A_54 = tpu.memref_slice %arg5[%mul3A_2, %dma_start3A_53] : memref<10112x64xf32, #tpu.memory_space<hbm>> -> memref<632x64xf32, #tpu.memory_space<hbm>>
      tpu.enqueue_dma source(%dma_start3A_54 : memref<632x64xf32, #tpu.memory_space<hbm>>) target(%dma_start3A_52 : memref<632x64xf32, #tpu.memory_space<vmem_shared>>) target_semaphore(%run_scoped3A_50 : memref<!tpu.dma_semaphore, #tpu.memory_space<semaphore_mem>>)
      %dma_wait3A_55 = arith.constant 0 : i32
      %dma_wait3A_56 = tpu.memref_slice %arg13[%mul3A_4, %dma_wait3A_55] : memref<10112x64xf32, #tpu.memory_space<vmem_shared>> -> memref<632x64xf32, #tpu.memory_space<vmem_shared>>
      %dma_wait3A_57 = arith.constant 0 : i32
      %dma_wait3A_58 = tpu.memref_slice %arg5[%mul3A_2, %dma_wait3A_57] : memref<10112x64xf32, #tpu.memory_space<hbm>> -> memref<632x64xf32, #tpu.memory_space<hbm>>
      tpu.wait_dma2 semaphore(%run_scoped3A_50 : memref<!tpu.dma_semaphore, #tpu.memory_space<semaphore_mem>>) src(%dma_wait3A_58 : memref<632x64xf32, #tpu.memory_space<hbm>>) dst(%dma_wait3A_56 : memref<632x64xf32, #tpu.memory_space<vmem_shared>>)
      tpu.yield
    }) : () -> ()
    %run_scoped3A = arith.constant 0 : i32
    "tpu.region"() ({
      %run_scoped3A_50 = tpu.sem_alloc : memref<!tpu.dma_semaphore, #tpu.memory_space<semaphore_mem>>
      %dma_start3A_51 = arith.constant 0 : i32
      %dma_start3A_52 = tpu.memref_slice %arg3[%add3A, %run_scoped3A, %dma_start3A_51] : memref<32x32x640xi32, #tpu.memory_space<hbm>> -> memref<1x1x640xi32, #tpu.memory_space<hbm>>
      %dma_start3A_53 = tpu.memref_squeeze %dma_start3A_52 : memref<1x1x640xi32, #tpu.memory_space<hbm>> -> memref<640xi32, #tpu.memory_space<hbm>>
      %dma_start3A_54 = arith.constant 0 : i32
      %dma_start3A_55 = tpu.memref_slice %arg3[%add3A, %run_scoped3A, %dma_start3A_54] : memref<32x32x640xi32, #tpu.memory_space<hbm>> -> memref<1x1x640xi32, #tpu.memory_space<hbm>>
      %dma_start3A_56 = tpu.memref_squeeze %dma_start3A_55 : memref<1x1x640xi32, #tpu.memory_space<hbm>> -> memref<640xi32, #tpu.memory_space<hbm>>
      tpu.enqueue_dma source(%dma_start3A_56 : memref<640xi32, #tpu.memory_space<hbm>>) target(%arg7 : memref<640xi32, #tpu.memory_space<vmem>>) target_semaphore(%run_scoped3A_50 : memref<!tpu.dma_semaphore, #tpu.memory_space<semaphore_mem>>)
      %dma_wait3A_57 = arith.constant 0 : i32
      %dma_wait3A_58 = tpu.memref_slice %arg3[%add3A, %run_scoped3A, %dma_wait3A_57] : memref<32x32x640xi32, #tpu.memory_space<hbm>> -> memref<1x1x640xi32, #tpu.memory_space<hbm>>
      %dma_wait3A_59 = tpu.memref_squeeze %dma_wait3A_58 : memref<1x1x640xi32, #tpu.memory_space<hbm>> -> memref<640xi32, #tpu.memory_space<hbm>>
      %dma_wait3A_60 = arith.constant 0 : i32
      %dma_wait3A_61 = tpu.memref_slice %arg3[%add3A, %run_scoped3A, %dma_wait3A_60] : memref<32x32x640xi32, #tpu.memory_space<hbm>> -> memref<1x1x640xi32, #tpu.memory_space<hbm>>
      %dma_wait3A_62 = tpu.memref_squeeze %dma_wait3A_61 : memref<1x1x640xi32, #tpu.memory_space<hbm>> -> memref<640xi32, #tpu.memory_space<hbm>>
      tpu.wait_dma2 semaphore(%run_scoped3A_50 : memref<!tpu.dma_semaphore, #tpu.memory_space<semaphore_mem>>) src(%dma_wait3A_62 : memref<640xi32, #tpu.memory_space<hbm>>) dst(%arg7 : memref<640xi32, #tpu.memory_space<vmem>>)
      tpu.yield
    }) : () -> ()
    %run_scoped3A_5 = arith.constant 0 : i32
    "tpu.region"() ({
      %run_scoped3A_50 = tpu.sem_alloc : memref<!tpu.dma_semaphore, #tpu.memory_space<semaphore_mem>>
      %dma_start3A_51 = arith.constant 0 : i32
      %dma_start3A_52 = tpu.memref_slice %arg4[%add3A, %run_scoped3A_5, %dma_start3A_51] : memref<32x32x640xi32, #tpu.memory_space<hbm>> -> memref<1x1x640xi32, #tpu.memory_space<hbm>>
      %dma_start3A_53 = tpu.memref_squeeze %dma_start3A_52 : memref<1x1x640xi32, #tpu.memory_space<hbm>> -> memref<640xi32, #tpu.memory_space<hbm>>
      %dma_start3A_54 = arith.constant 0 : i32
      %dma_start3A_55 = tpu.memref_slice %arg4[%add3A, %run_scoped3A_5, %dma_start3A_54] : memref<32x32x640xi32, #tpu.memory_space<hbm>> -> memref<1x1x640xi32, #tpu.memory_space<hbm>>
      %dma_start3A_56 = tpu.memref_squeeze %dma_start3A_55 : memref<1x1x640xi32, #tpu.memory_space<hbm>> -> memref<640xi32, #tpu.memory_space<hbm>>
      tpu.enqueue_dma source(%dma_start3A_56 : memref<640xi32, #tpu.memory_space<hbm>>) target(%arg9 : memref<640xi32, #tpu.memory_space<vmem>>) target_semaphore(%run_scoped3A_50 : memref<!tpu.dma_semaphore, #tpu.memory_space<semaphore_mem>>)
      %dma_wait3A_57 = arith.constant 0 : i32
      %dma_wait3A_58 = tpu.memref_slice %arg4[%add3A, %run_scoped3A_5, %dma_wait3A_57] : memref<32x32x640xi32, #tpu.memory_space<hbm>> -> memref<1x1x640xi32, #tpu.memory_space<hbm>>
      %dma_wait3A_59 = tpu.memref_squeeze %dma_wait3A_58 : memref<1x1x640xi32, #tpu.memory_space<hbm>> -> memref<640xi32, #tpu.memory_space<hbm>>
      %dma_wait3A_60 = arith.constant 0 : i32
      %dma_wait3A_61 = tpu.memref_slice %arg4[%add3A, %run_scoped3A_5, %dma_wait3A_60] : memref<32x32x640xi32, #tpu.memory_space<hbm>> -> memref<1x1x640xi32, #tpu.memory_space<hbm>>
      %dma_wait3A_62 = tpu.memref_squeeze %dma_wait3A_61 : memref<1x1x640xi32, #tpu.memory_space<hbm>> -> memref<640xi32, #tpu.memory_space<hbm>>
      tpu.wait_dma2 semaphore(%run_scoped3A_50 : memref<!tpu.dma_semaphore, #tpu.memory_space<semaphore_mem>>) src(%dma_wait3A_62 : memref<640xi32, #tpu.memory_space<hbm>>) dst(%arg9 : memref<640xi32, #tpu.memory_space<vmem>>)
      tpu.yield
    }) : () -> ()
    %barrier3A = arith.constant 0 : index
    tpu.barrier barrier_id(%barrier3A)
    %dma_start3A = arith.constant 0 : i32
    %dma_start3A_6 = arith.constant 0 : i32
    %dma_start3A_7 = tpu.memref_slice %arg2[%dma_start3A, %dma_start3A_6] : memref<10000x64xf32, #tpu.memory_space<hbm>> -> memref<10000x64xf32, #tpu.memory_space<hbm>>
    tpu.enqueue_indirect_dma source(%dma_start3A_7 : memref<10000x64xf32, #tpu.memory_space<hbm>>) target(%arg11 : memref<640x64xf32, #tpu.memory_space<vmem>>) offsets(%arg7 : memref<640xi32, #tpu.memory_space<vmem>>) semaphore(%arg14 : memref<!tpu.dma_semaphore, #tpu.memory_space<semaphore_mem>>)
    %dma_start3A_8 = arith.constant 1 : i32
    %dma_start3A_9 = arith.constant 0 : i32
    %dma_start3A_10 = tpu.memref_slice %arg3[%add3A, %dma_start3A_8, %dma_start3A_9] : memref<32x32x640xi32, #tpu.memory_space<hbm>> -> memref<1x1x640xi32, #tpu.memory_space<hbm>>
    %dma_start3A_11 = tpu.memref_squeeze %dma_start3A_10 : memref<1x1x640xi32, #tpu.memory_space<hbm>> -> memref<640xi32, #tpu.memory_space<hbm>>
    %dma_start3A_12 = arith.constant 0 : i32
    %dma_start3A_13 = tpu.memref_slice %arg3[%add3A, %dma_start3A_8, %dma_start3A_12] : memref<32x32x640xi32, #tpu.memory_space<hbm>> -> memref<1x1x640xi32, #tpu.memory_space<hbm>>
    %dma_start3A_14 = tpu.memref_squeeze %dma_start3A_13 : memref<1x1x640xi32, #tpu.memory_space<hbm>> -> memref<640xi32, #tpu.memory_space<hbm>>
    tpu.enqueue_dma source(%dma_start3A_14 : memref<640xi32, #tpu.memory_space<hbm>>) target(%arg8 : memref<640xi32, #tpu.memory_space<vmem>>) target_semaphore(%arg16 : memref<!tpu.dma_semaphore, #tpu.memory_space<semaphore_mem>>)
    %dma_start3A_15 = arith.constant 1 : i32
    %dma_start3A_16 = arith.constant 0 : i32
    %dma_start3A_17 = tpu.memref_slice %arg4[%add3A, %dma_start3A_15, %dma_start3A_16] : memref<32x32x640xi32, #tpu.memory_space<hbm>> -> memref<1x1x640xi32, #tpu.memory_space<hbm>>
    %dma_start3A_18 = tpu.memref_squeeze %dma_start3A_17 : memref<1x1x640xi32, #tpu.memory_space<hbm>> -> memref<640xi32, #tpu.memory_space<hbm>>
    %dma_start3A_19 = arith.constant 0 : i32
    %dma_start3A_20 = tpu.memref_slice %arg4[%add3A, %dma_start3A_15, %dma_start3A_19] : memref<32x32x640xi32, #tpu.memory_space<hbm>> -> memref<1x1x640xi32, #tpu.memory_space<hbm>>
    %dma_start3A_21 = tpu.memref_squeeze %dma_start3A_20 : memref<1x1x640xi32, #tpu.memory_space<hbm>> -> memref<640xi32, #tpu.memory_space<hbm>>
    tpu.enqueue_dma source(%dma_start3A_21 : memref<640xi32, #tpu.memory_space<hbm>>) target(%arg10 : memref<640xi32, #tpu.memory_space<vmem>>) target_semaphore(%arg16 : memref<!tpu.dma_semaphore, #tpu.memory_space<semaphore_mem>>)
    %scan3A = arith.constant 0 : i32
    %scan3A_22 = arith.constant 0 : i32
    %scan3A_23 = arith.constant 16 : i32
    %scan3A_24 = arith.addi %scan3A_22, %scan3A_23 : i32
    %scan3A_25 = arith.constant 1 : i32
    scf.for %scan3A_50 = %scan3A_22 to %scan3A_24 step %scan3A_25  : i32 {
      %mul3A_51 = arith.constant 2 : i32
      %mul3A_52 = arith.muli %mul3A_51, %scan3A_50 : i32
      %mul3A_53 = arith.constant 2 : i32
      %mul3A_54 = arith.muli %mul3A_53, %scan3A_50 : i32
      %add3A_55 = arith.constant 1 : i32
      %add3A_56 = arith.addi %mul3A_54, %add3A_55 : i32
      %dma_wait3A_57 = arith.constant 0 : i32
      %dma_wait3A_58 = tpu.memref_slice %arg3[%add3A, %add3A_56, %dma_wait3A_57] : memref<32x32x640xi32, #tpu.memory_space<hbm>> -> memref<1x1x640xi32, #tpu.memory_space<hbm>>
      %dma_wait3A_59 = tpu.memref_squeeze %dma_wait3A_58 : memref<1x1x640xi32, #tpu.memory_space<hbm>> -> memref<640xi32, #tpu.memory_space<hbm>>
      %dma_wait3A_60 = arith.constant 0 : i32
      %dma_wait3A_61 = tpu.memref_slice %arg3[%add3A, %add3A_56, %dma_wait3A_60] : memref<32x32x640xi32, #tpu.memory_space<hbm>> -> memref<1x1x640xi32, #tpu.memory_space<hbm>>
      %dma_wait3A_62 = tpu.memref_squeeze %dma_wait3A_61 : memref<1x1x640xi32, #tpu.memory_space<hbm>> -> memref<640xi32, #tpu.memory_space<hbm>>
      tpu.wait_dma2 semaphore(%arg16 : memref<!tpu.dma_semaphore, #tpu.memory_space<semaphore_mem>>) src(%dma_wait3A_62 : memref<640xi32, #tpu.memory_space<hbm>>) dst(%arg8 : memref<640xi32, #tpu.memory_space<vmem>>)
      %dma_wait3A_63 = arith.constant 0 : i32
      %dma_wait3A_64 = tpu.memref_slice %arg4[%add3A, %add3A_56, %dma_wait3A_63] : memref<32x32x640xi32, #tpu.memory_space<hbm>> -> memref<1x1x640xi32, #tpu.memory_space<hbm>>
      %dma_wait3A_65 = tpu.memref_squeeze %dma_wait3A_64 : memref<1x1x640xi32, #tpu.memory_space<hbm>> -> memref<640xi32, #tpu.memory_space<hbm>>
      %dma_wait3A_66 = arith.constant 0 : i32
      %dma_wait3A_67 = tpu.memref_slice %arg4[%add3A, %add3A_56, %dma_wait3A_66] : memref<32x32x640xi32, #tpu.memory_space<hbm>> -> memref<1x1x640xi32, #tpu.memory_space<hbm>>
      %dma_wait3A_68 = tpu.memref_squeeze %dma_wait3A_67 : memref<1x1x640xi32, #tpu.memory_space<hbm>> -> memref<640xi32, #tpu.memory_space<hbm>>
      tpu.wait_dma2 semaphore(%arg16 : memref<!tpu.dma_semaphore, #tpu.memory_space<semaphore_mem>>) src(%dma_wait3A_68 : memref<640xi32, #tpu.memory_space<hbm>>) dst(%arg10 : memref<640xi32, #tpu.memory_space<vmem>>)
      %dma_wait3A_69 = arith.constant 0 : i32
      %dma_wait3A_70 = arith.constant 0 : i32
      %dma_wait3A_71 = tpu.memref_slice %arg2[%dma_wait3A_69, %dma_wait3A_70] : memref<10000x64xf32, #tpu.memory_space<hbm>> -> memref<10000x64xf32, #tpu.memory_space<hbm>>
      tpu.wait_indirect_dma semaphore(%arg14 : memref<!tpu.dma_semaphore, #tpu.memory_space<semaphore_mem>>) src(%dma_wait3A_71 : memref<10000x64xf32, #tpu.memory_space<hbm>>) dst(%arg11 : memref<640x64xf32, #tpu.memory_space<vmem>>)
      %dma_start3A_72 = arith.constant 0 : i32
      %dma_start3A_73 = arith.constant 0 : i32
      %dma_start3A_74 = tpu.memref_slice %arg2[%dma_start3A_72, %dma_start3A_73] : memref<10000x64xf32, #tpu.memory_space<hbm>> -> memref<10000x64xf32, #tpu.memory_space<hbm>>
      tpu.enqueue_indirect_dma source(%dma_start3A_74 : memref<10000x64xf32, #tpu.memory_space<hbm>>) target(%arg12 : memref<640x64xf32, #tpu.memory_space<vmem>>) offsets(%arg8 : memref<640xi32, #tpu.memory_space<vmem>>) semaphore(%arg15 : memref<!tpu.dma_semaphore, #tpu.memory_space<semaphore_mem>>)
      "tpu.region"() ({
        %run_scoped3A_124 = tpu.sem_alloc : memref<!tpu.dma_semaphore, #tpu.memory_space<semaphore_mem>>
        %dma_start3A_125 = arith.constant 0 : i32
        %dma_start3A_126 = arith.constant 0 : i32
        %dma_start3A_127 = tpu.memref_slice %arg13[%dma_start3A_125, %dma_start3A_126] : memref<10112x64xf32, #tpu.memory_space<vmem_shared>> -> memref<10112x64xf32, #tpu.memory_space<vmem_shared>>
        tpu.enqueue_indirect_dma source(%arg11 : memref<640x64xf32, #tpu.memory_space<vmem>>) target(%dma_start3A_127 : memref<10112x64xf32, #tpu.memory_space<vmem_shared>>) offsets(%arg9 : memref<640xi32, #tpu.memory_space<vmem>>) semaphore(%run_scoped3A_124 : memref<!tpu.dma_semaphore, #tpu.memory_space<semaphore_mem>>) {add = true}
        %dma_wait3A_128 = arith.constant 0 : i32
        %dma_wait3A_129 = arith.constant 0 : i32
        %dma_wait3A_130 = tpu.memref_slice %arg13[%dma_wait3A_128, %dma_wait3A_129] : memref<10112x64xf32, #tpu.memory_space<vmem_shared>> -> memref<10112x64xf32, #tpu.memory_space<vmem_shared>>
        tpu.wait_indirect_dma semaphore(%run_scoped3A_124 : memref<!tpu.dma_semaphore, #tpu.memory_space<semaphore_mem>>) src(%arg11 : memref<640x64xf32, #tpu.memory_space<vmem>>) dst(%dma_wait3A_130 : memref<10112x64xf32, #tpu.memory_space<vmem_shared>>)
        tpu.yield
      }) : () -> ()
      %add3A_75 = arith.constant 2 : i32
      %add3A_76 = arith.addi %mul3A_52, %add3A_75 : i32
      %min3A = arith.constant 31 : i32
      %min3A_77 = arith.minsi %add3A_76, %min3A : i32
      %dma_start3A_78 = arith.constant 0 : i32
      %dma_start3A_79 = tpu.memref_slice %arg3[%add3A, %min3A_77, %dma_start3A_78] : memref<32x32x640xi32, #tpu.memory_space<hbm>> -> memref<1x1x640xi32, #tpu.memory_space<hbm>>
      %dma_start3A_80 = tpu.memref_squeeze %dma_start3A_79 : memref<1x1x640xi32, #tpu.memory_space<hbm>> -> memref<640xi32, #tpu.memory_space<hbm>>
      %dma_start3A_81 = arith.constant 0 : i32
      %dma_start3A_82 = tpu.memref_slice %arg3[%add3A, %min3A_77, %dma_start3A_81] : memref<32x32x640xi32, #tpu.memory_space<hbm>> -> memref<1x1x640xi32, #tpu.memory_space<hbm>>
      %dma_start3A_83 = tpu.memref_squeeze %dma_start3A_82 : memref<1x1x640xi32, #tpu.memory_space<hbm>> -> memref<640xi32, #tpu.memory_space<hbm>>
      tpu.enqueue_dma source(%dma_start3A_83 : memref<640xi32, #tpu.memory_space<hbm>>) target(%arg7 : memref<640xi32, #tpu.memory_space<vmem>>) target_semaphore(%arg17 : memref<!tpu.dma_semaphore, #tpu.memory_space<semaphore_mem>>)
      %dma_start3A_84 = arith.constant 0 : i32
      %dma_start3A_85 = tpu.memref_slice %arg4[%add3A, %min3A_77, %dma_start3A_84] : memref<32x32x640xi32, #tpu.memory_space<hbm>> -> memref<1x1x640xi32, #tpu.memory_space<hbm>>
      %dma_start3A_86 = tpu.memref_squeeze %dma_start3A_85 : memref<1x1x640xi32, #tpu.memory_space<hbm>> -> memref<640xi32, #tpu.memory_space<hbm>>
      %dma_start3A_87 = arith.constant 0 : i32
      %dma_start3A_88 = tpu.memref_slice %arg4[%add3A, %min3A_77, %dma_start3A_87] : memref<32x32x640xi32, #tpu.memory_space<hbm>> -> memref<1x1x640xi32, #tpu.memory_space<hbm>>
      %dma_start3A_89 = tpu.memref_squeeze %dma_start3A_88 : memref<1x1x640xi32, #tpu.memory_space<hbm>> -> memref<640xi32, #tpu.memory_space<hbm>>
      tpu.enqueue_dma source(%dma_start3A_89 : memref<640xi32, #tpu.memory_space<hbm>>) target(%arg9 : memref<640xi32, #tpu.memory_space<vmem>>) target_semaphore(%arg17 : memref<!tpu.dma_semaphore, #tpu.memory_space<semaphore_mem>>)
      %dma_wait3A_90 = arith.constant 0 : i32
      %dma_wait3A_91 = arith.constant 0 : i32
      %dma_wait3A_92 = tpu.memref_slice %arg2[%dma_wait3A_90, %dma_wait3A_91] : memref<10000x64xf32, #tpu.memory_space<hbm>> -> memref<10000x64xf32, #tpu.memory_space<hbm>>
      tpu.wait_indirect_dma semaphore(%arg15 : memref<!tpu.dma_semaphore, #tpu.memory_space<semaphore_mem>>) src(%dma_wait3A_92 : memref<10000x64xf32, #tpu.memory_space<hbm>>) dst(%arg12 : memref<640x64xf32, #tpu.memory_space<vmem>>)
      %dma_wait3A_93 = arith.constant 0 : i32
      %dma_wait3A_94 = tpu.memref_slice %arg3[%add3A, %min3A_77, %dma_wait3A_93] : memref<32x32x640xi32, #tpu.memory_space<hbm>> -> memref<1x1x640xi32, #tpu.memory_space<hbm>>
      %dma_wait3A_95 = tpu.memref_squeeze %dma_wait3A_94 : memref<1x1x640xi32, #tpu.memory_space<hbm>> -> memref<640xi32, #tpu.memory_space<hbm>>
      %dma_wait3A_96 = arith.constant 0 : i32
      %dma_wait3A_97 = tpu.memref_slice %arg3[%add3A, %min3A_77, %dma_wait3A_96] : memref<32x32x640xi32, #tpu.memory_space<hbm>> -> memref<1x1x640xi32, #tpu.memory_space<hbm>>
      %dma_wait3A_98 = tpu.memref_squeeze %dma_wait3A_97 : memref<1x1x640xi32, #tpu.memory_space<hbm>> -> memref<640xi32, #tpu.memory_space<hbm>>
      tpu.wait_dma2 semaphore(%arg17 : memref<!tpu.dma_semaphore, #tpu.memory_space<semaphore_mem>>) src(%dma_wait3A_98 : memref<640xi32, #tpu.memory_space<hbm>>) dst(%arg7 : memref<640xi32, #tpu.memory_space<vmem>>)
      %dma_wait3A_99 = arith.constant 0 : i32
      %dma_wait3A_100 = tpu.memref_slice %arg4[%add3A, %min3A_77, %dma_wait3A_99] : memref<32x32x640xi32, #tpu.memory_space<hbm>> -> memref<1x1x640xi32, #tpu.memory_space<hbm>>
      %dma_wait3A_101 = tpu.memref_squeeze %dma_wait3A_100 : memref<1x1x640xi32, #tpu.memory_space<hbm>> -> memref<640xi32, #tpu.memory_space<hbm>>
      %dma_wait3A_102 = arith.constant 0 : i32
      %dma_wait3A_103 = tpu.memref_slice %arg4[%add3A, %min3A_77, %dma_wait3A_102] : memref<32x32x640xi32, #tpu.memory_space<hbm>> -> memref<1x1x640xi32, #tpu.memory_space<hbm>>
      %dma_wait3A_104 = tpu.memref_squeeze %dma_wait3A_103 : memref<1x1x640xi32, #tpu.memory_space<hbm>> -> memref<640xi32, #tpu.memory_space<hbm>>
      tpu.wait_dma2 semaphore(%arg17 : memref<!tpu.dma_semaphore, #tpu.memory_space<semaphore_mem>>) src(%dma_wait3A_104 : memref<640xi32, #tpu.memory_space<hbm>>) dst(%arg9 : memref<640xi32, #tpu.memory_space<vmem>>)
      %dma_start3A_105 = arith.constant 0 : i32
      %dma_start3A_106 = arith.constant 0 : i32
      %dma_start3A_107 = tpu.memref_slice %arg2[%dma_start3A_105, %dma_start3A_106] : memref<10000x64xf32, #tpu.memory_space<hbm>> -> memref<10000x64xf32, #tpu.memory_space<hbm>>
      tpu.enqueue_indirect_dma source(%dma_start3A_107 : memref<10000x64xf32, #tpu.memory_space<hbm>>) target(%arg11 : memref<640x64xf32, #tpu.memory_space<vmem>>) offsets(%arg7 : memref<640xi32, #tpu.memory_space<vmem>>) semaphore(%arg14 : memref<!tpu.dma_semaphore, #tpu.memory_space<semaphore_mem>>)
      "tpu.region"() ({
        %run_scoped3A_124 = tpu.sem_alloc : memref<!tpu.dma_semaphore, #tpu.memory_space<semaphore_mem>>
        %dma_start3A_125 = arith.constant 0 : i32
        %dma_start3A_126 = arith.constant 0 : i32
        %dma_start3A_127 = tpu.memref_slice %arg13[%dma_start3A_125, %dma_start3A_126] : memref<10112x64xf32, #tpu.memory_space<vmem_shared>> -> memref<10112x64xf32, #tpu.memory_space<vmem_shared>>
        tpu.enqueue_indirect_dma source(%arg12 : memref<640x64xf32, #tpu.memory_space<vmem>>) target(%dma_start3A_127 : memref<10112x64xf32, #tpu.memory_space<vmem_shared>>) offsets(%arg10 : memref<640xi32, #tpu.memory_space<vmem>>) semaphore(%run_scoped3A_124 : memref<!tpu.dma_semaphore, #tpu.memory_space<semaphore_mem>>) {add = true}
        %dma_wait3A_128 = arith.constant 0 : i32
        %dma_wait3A_129 = arith.constant 0 : i32
        %dma_wait3A_130 = tpu.memref_slice %arg13[%dma_wait3A_128, %dma_wait3A_129] : memref<10112x64xf32, #tpu.memory_space<vmem_shared>> -> memref<10112x64xf32, #tpu.memory_space<vmem_shared>>
        tpu.wait_indirect_dma semaphore(%run_scoped3A_124 : memref<!tpu.dma_semaphore, #tpu.memory_space<semaphore_mem>>) src(%arg12 : memref<640x64xf32, #tpu.memory_space<vmem>>) dst(%dma_wait3A_130 : memref<10112x64xf32, #tpu.memory_space<vmem_shared>>)
        tpu.yield
      }) : () -> ()
      %add3A_108 = arith.constant 2 : i32
      %add3A_109 = arith.addi %add3A_56, %add3A_108 : i32
      %min3A_110 = arith.constant 31 : i32
      %min3A_111 = arith.minsi %add3A_109, %min3A_110 : i32
      %dma_start3A_112 = arith.constant 0 : i32
      %dma_start3A_113 = tpu.memref_slice %arg3[%add3A, %min3A_111, %dma_start3A_112] : memref<32x32x640xi32, #tpu.memory_space<hbm>> -> memref<1x1x640xi32, #tpu.memory_space<hbm>>
      %dma_start3A_114 = tpu.memref_squeeze %dma_start3A_113 : memref<1x1x640xi32, #tpu.memory_space<hbm>> -> memref<640xi32, #tpu.memory_space<hbm>>
      %dma_start3A_115 = arith.constant 0 : i32
      %dma_start3A_116 = tpu.memref_slice %arg3[%add3A, %min3A_111, %dma_start3A_115] : memref<32x32x640xi32, #tpu.memory_space<hbm>> -> memref<1x1x640xi32, #tpu.memory_space<hbm>>
      %dma_start3A_117 = tpu.memref_squeeze %dma_start3A_116 : memref<1x1x640xi32, #tpu.memory_space<hbm>> -> memref<640xi32, #tpu.memory_space<hbm>>
      tpu.enqueue_dma source(%dma_start3A_117 : memref<640xi32, #tpu.memory_space<hbm>>) target(%arg8 : memref<640xi32, #tpu.memory_space<vmem>>) target_semaphore(%arg16 : memref<!tpu.dma_semaphore, #tpu.memory_space<semaphore_mem>>)
      %dma_start3A_118 = arith.constant 0 : i32
      %dma_start3A_119 = tpu.memref_slice %arg4[%add3A, %min3A_111, %dma_start3A_118] : memref<32x32x640xi32, #tpu.memory_space<hbm>> -> memref<1x1x640xi32, #tpu.memory_space<hbm>>
      %dma_start3A_120 = tpu.memref_squeeze %dma_start3A_119 : memref<1x1x640xi32, #tpu.memory_space<hbm>> -> memref<640xi32, #tpu.memory_space<hbm>>
      %dma_start3A_121 = arith.constant 0 : i32
      %dma_start3A_122 = tpu.memref_slice %arg4[%add3A, %min3A_111, %dma_start3A_121] : memref<32x32x640xi32, #tpu.memory_space<hbm>> -> memref<1x1x640xi32, #tpu.memory_space<hbm>>
      %dma_start3A_123 = tpu.memref_squeeze %dma_start3A_122 : memref<1x1x640xi32, #tpu.memory_space<hbm>> -> memref<640xi32, #tpu.memory_space<hbm>>
      tpu.enqueue_dma source(%dma_start3A_123 : memref<640xi32, #tpu.memory_space<hbm>>) target(%arg10 : memref<640xi32, #tpu.memory_space<vmem>>) target_semaphore(%arg16 : memref<!tpu.dma_semaphore, #tpu.memory_space<semaphore_mem>>)
    }
    %scan3A_26 = arith.constant 16 : i32
    %dma_wait3A = arith.constant 31 : i32
    %dma_wait3A_27 = arith.constant 0 : i32
    %dma_wait3A_28 = tpu.memref_slice %arg3[%add3A, %dma_wait3A, %dma_wait3A_27] : memref<32x32x640xi32, #tpu.memory_space<hbm>> -> memref<1x1x640xi32, #tpu.memory_space<hbm>>
    %dma_wait3A_29 = tpu.memref_squeeze %dma_wait3A_28 : memref<1x1x640xi32, #tpu.memory_space<hbm>> -> memref<640xi32, #tpu.memory_space<hbm>>
    %dma_wait3A_30 = arith.constant 0 : i32
    %dma_wait3A_31 = tpu.memref_slice %arg3[%add3A, %dma_wait3A, %dma_wait3A_30] : memref<32x32x640xi32, #tpu.memory_space<hbm>> -> memref<1x1x640xi32, #tpu.memory_space<hbm>>
    %dma_wait3A_32 = tpu.memref_squeeze %dma_wait3A_31 : memref<1x1x640xi32, #tpu.memory_space<hbm>> -> memref<640xi32, #tpu.memory_space<hbm>>
    tpu.wait_dma2 semaphore(%arg16 : memref<!tpu.dma_semaphore, #tpu.memory_space<semaphore_mem>>) src(%dma_wait3A_32 : memref<640xi32, #tpu.memory_space<hbm>>) dst(%arg8 : memref<640xi32, #tpu.memory_space<vmem>>)
    %dma_wait3A_33 = arith.constant 31 : i32
    %dma_wait3A_34 = arith.constant 0 : i32
    %dma_wait3A_35 = tpu.memref_slice %arg4[%add3A, %dma_wait3A_33, %dma_wait3A_34] : memref<32x32x640xi32, #tpu.memory_space<hbm>> -> memref<1x1x640xi32, #tpu.memory_space<hbm>>
    %dma_wait3A_36 = tpu.memref_squeeze %dma_wait3A_35 : memref<1x1x640xi32, #tpu.memory_space<hbm>> -> memref<640xi32, #tpu.memory_space<hbm>>
    %dma_wait3A_37 = arith.constant 0 : i32
    %dma_wait3A_38 = tpu.memref_slice %arg4[%add3A, %dma_wait3A_33, %dma_wait3A_37] : memref<32x32x640xi32, #tpu.memory_space<hbm>> -> memref<1x1x640xi32, #tpu.memory_space<hbm>>
    %dma_wait3A_39 = tpu.memref_squeeze %dma_wait3A_38 : memref<1x1x640xi32, #tpu.memory_space<hbm>> -> memref<640xi32, #tpu.memory_space<hbm>>
    tpu.wait_dma2 semaphore(%arg16 : memref<!tpu.dma_semaphore, #tpu.memory_space<semaphore_mem>>) src(%dma_wait3A_39 : memref<640xi32, #tpu.memory_space<hbm>>) dst(%arg10 : memref<640xi32, #tpu.memory_space<vmem>>)
    %dma_wait3A_40 = arith.constant 0 : i32
    %dma_wait3A_41 = arith.constant 0 : i32
    %dma_wait3A_42 = tpu.memref_slice %arg2[%dma_wait3A_40, %dma_wait3A_41] : memref<10000x64xf32, #tpu.memory_space<hbm>> -> memref<10000x64xf32, #tpu.memory_space<hbm>>
    tpu.wait_indirect_dma semaphore(%arg14 : memref<!tpu.dma_semaphore, #tpu.memory_space<semaphore_mem>>) src(%dma_wait3A_42 : memref<10000x64xf32, #tpu.memory_space<hbm>>) dst(%arg11 : memref<640x64xf32, #tpu.memory_space<vmem>>)
    %barrier3A_43 = arith.constant 0 : index
    tpu.barrier barrier_id(%barrier3A_43)
    %lt3A = arith.constant 15 : i32
    %lt3A_44 = arith.cmpi slt, %arg1, %lt3A : i32
    %convert_element_type3A = arith.extui %lt3A_44 : i1 to i32
    %cond3A = arith.constant 0 : i32
    %cond3A_45 = arith.cmpi ne, %convert_element_type3A, %cond3A : i32
    scf.if %cond3A_45 {
      %mul3A_50 = arith.constant 632 : i32
      %mul3A_51 = arith.muli %arg1, %mul3A_50 : i32
      %mul3A_52 = arith.constant 632 : i32
      %mul3A_53 = arith.muli %arg1, %mul3A_52 : i32
      "tpu.region"() ({
        %run_scoped3A_54 = tpu.sem_alloc : memref<!tpu.dma_semaphore, #tpu.memory_space<semaphore_mem>>
        %dma_start3A_55 = arith.constant 0 : i32
        %dma_start3A_56 = tpu.memref_slice %arg6[%arg0, %mul3A_53, %dma_start3A_55] : memref<2x10000x64xf32, #tpu.memory_space<hbm>> -> memref<1x632x64xf32, #tpu.memory_space<hbm>>
        %dma_start3A_57 = tpu.memref_squeeze %dma_start3A_56 : memref<1x632x64xf32, #tpu.memory_space<hbm>> -> memref<632x64xf32, #tpu.memory_space<hbm>>
        %dma_start3A_58 = arith.constant 0 : i32
        %dma_start3A_59 = tpu.memref_slice %arg13[%mul3A_51, %dma_start3A_58] : memref<10112x64xf32, #tpu.memory_space<vmem_shared>> -> memref<632x64xf32, #tpu.memory_space<vmem_shared>>
        tpu.enqueue_dma source(%dma_start3A_59 : memref<632x64xf32, #tpu.memory_space<vmem_shared>>) target(%dma_start3A_57 : memref<632x64xf32, #tpu.memory_space<hbm>>) target_semaphore(%run_scoped3A_54 : memref<!tpu.dma_semaphore, #tpu.memory_space<semaphore_mem>>)
        %dma_wait3A_60 = arith.constant 0 : i32
        %dma_wait3A_61 = tpu.memref_slice %arg6[%arg0, %mul3A_53, %dma_wait3A_60] : memref<2x10000x64xf32, #tpu.memory_space<hbm>> -> memref<1x632x64xf32, #tpu.memory_space<hbm>>
        %dma_wait3A_62 = tpu.memref_squeeze %dma_wait3A_61 : memref<1x632x64xf32, #tpu.memory_space<hbm>> -> memref<632x64xf32, #tpu.memory_space<hbm>>
        %dma_wait3A_63 = arith.constant 0 : i32
        %dma_wait3A_64 = tpu.memref_slice %arg13[%mul3A_51, %dma_wait3A_63] : memref<10112x64xf32, #tpu.memory_space<vmem_shared>> -> memref<632x64xf32, #tpu.memory_space<vmem_shared>>
        tpu.wait_dma2 semaphore(%run_scoped3A_54 : memref<!tpu.dma_semaphore, #tpu.memory_space<semaphore_mem>>) src(%dma_wait3A_64 : memref<632x64xf32, #tpu.memory_space<vmem_shared>>) dst(%dma_wait3A_62 : memref<632x64xf32, #tpu.memory_space<hbm>>)
        tpu.yield
      }) : () -> ()
    } else {
    }
    %eq3A = arith.constant 15 : i32
    %eq3A_46 = arith.cmpi eq, %arg1, %eq3A : i32
    %convert_element_type3A_47 = arith.extui %eq3A_46 : i1 to i32
    %cond3A_48 = arith.constant 0 : i32
    %cond3A_49 = arith.cmpi ne, %convert_element_type3A_47, %cond3A_48 : i32
    scf.if %cond3A_49 {
      "tpu.region"() ({
        %run_scoped3A_50 = tpu.sem_alloc : memref<!tpu.dma_semaphore, #tpu.memory_space<semaphore_mem>>
        %dma_start3A_51 = arith.constant 9480 : i32
        %dma_start3A_52 = arith.constant 0 : i32
        %dma_start3A_53 = tpu.memref_slice %arg6[%arg0, %dma_start3A_51, %dma_start3A_52] : memref<2x10000x64xf32, #tpu.memory_space<hbm>> -> memref<1x520x64xf32, #tpu.memory_space<hbm>>
        %dma_start3A_54 = tpu.memref_squeeze %dma_start3A_53 : memref<1x520x64xf32, #tpu.memory_space<hbm>> -> memref<520x64xf32, #tpu.memory_space<hbm>>
        %dma_start3A_55 = arith.constant 9480 : i32
        %dma_start3A_56 = arith.constant 0 : i32
        %dma_start3A_57 = tpu.memref_slice %arg13[%dma_start3A_55, %dma_start3A_56] : memref<10112x64xf32, #tpu.memory_space<vmem_shared>> -> memref<520x64xf32, #tpu.memory_space<vmem_shared>>
        tpu.enqueue_dma source(%dma_start3A_57 : memref<520x64xf32, #tpu.memory_space<vmem_shared>>) target(%dma_start3A_54 : memref<520x64xf32, #tpu.memory_space<hbm>>) target_semaphore(%run_scoped3A_50 : memref<!tpu.dma_semaphore, #tpu.memory_space<semaphore_mem>>)
        %dma_wait3A_58 = arith.constant 9480 : i32
        %dma_wait3A_59 = arith.constant 0 : i32
        %dma_wait3A_60 = tpu.memref_slice %arg6[%arg0, %dma_wait3A_58, %dma_wait3A_59] : memref<2x10000x64xf32, #tpu.memory_space<hbm>> -> memref<1x520x64xf32, #tpu.memory_space<hbm>>
        %dma_wait3A_61 = tpu.memref_squeeze %dma_wait3A_60 : memref<1x520x64xf32, #tpu.memory_space<hbm>> -> memref<520x64xf32, #tpu.memory_space<hbm>>
        %dma_wait3A_62 = arith.constant 9480 : i32
        %dma_wait3A_63 = arith.constant 0 : i32
        %dma_wait3A_64 = tpu.memref_slice %arg13[%dma_wait3A_62, %dma_wait3A_63] : memref<10112x64xf32, #tpu.memory_space<vmem_shared>> -> memref<520x64xf32, #tpu.memory_space<vmem_shared>>
        tpu.wait_dma2 semaphore(%run_scoped3A_50 : memref<!tpu.dma_semaphore, #tpu.memory_space<semaphore_mem>>) src(%dma_wait3A_64 : memref<520x64xf32, #tpu.memory_space<vmem_shared>>) dst(%dma_wait3A_61 : memref<520x64xf32, #tpu.memory_space<hbm>>)
        tpu.yield
      }) : () -> ()
    } else {
    }
    return
  }
}

#map = affine_map<(d0, d1) -> (0, 0, 0)>
#map1 = affine_map<(d0, d1) -> (0, 0)>
module attributes {stable_mosaic.version = 14 : i64} {
  func.func @_deg_body(%arg0: i32, %arg1: i32, %arg2: memref<32x32x640xi32, #tpu.memory_space<hbm>>, %arg3: memref<640x16xf32, #tpu.memory_space<hbm>>, %arg4: memref<10112x16xf32, #tpu.memory_space<hbm>>, %arg5: memref<2x10000x16xf32, #tpu.memory_space<hbm>>, %arg6: memref<32x640xi32, #tpu.memory_space<vmem>>, %arg7: memref<640x16xf32, #tpu.memory_space<vmem>>, %arg8: memref<10112x16xf32, #tpu.memory_space<vmem_shared>>) attributes {dimension_semantics = [#tpu.dimension_semantics<core_parallel>, #tpu.dimension_semantics<subcore_parallel>], iteration_bounds = array<i64: 2, 16>, scalar_prefetch = 0 : i64, scratch_operands = 3 : i64, tpu.core_type = #tpu.core_type<sc_vector_subcore>, window_params = [{transform_indices = #map}, {transform_indices = #map1}, {transform_indices = #map1}, {transform_indices = #map}]} {
    %mul3A = arith.constant 16 : i32
    %mul3A_0 = arith.muli %arg0, %mul3A : i32
    %add3A = arith.addi %mul3A_0, %arg1 : i32
    "tpu.region"() ({
      %run_scoped3A = tpu.sem_alloc : memref<!tpu.dma_semaphore, #tpu.memory_space<semaphore_mem>>
      %dma_start3A = arith.constant 0 : i32
      %dma_start3A_17 = arith.constant 0 : i32
      %dma_start3A_18 = tpu.memref_slice %arg2[%add3A, %dma_start3A, %dma_start3A_17] : memref<32x32x640xi32, #tpu.memory_space<hbm>> -> memref<1x32x640xi32, #tpu.memory_space<hbm>>
      %dma_start3A_19 = tpu.memref_squeeze %dma_start3A_18 : memref<1x32x640xi32, #tpu.memory_space<hbm>> -> memref<32x640xi32, #tpu.memory_space<hbm>>
      %dma_start3A_20 = arith.constant 0 : i32
      %dma_start3A_21 = arith.constant 0 : i32
      %dma_start3A_22 = tpu.memref_slice %arg2[%add3A, %dma_start3A_20, %dma_start3A_21] : memref<32x32x640xi32, #tpu.memory_space<hbm>> -> memref<1x32x640xi32, #tpu.memory_space<hbm>>
      %dma_start3A_23 = tpu.memref_squeeze %dma_start3A_22 : memref<1x32x640xi32, #tpu.memory_space<hbm>> -> memref<32x640xi32, #tpu.memory_space<hbm>>
      tpu.enqueue_dma source(%dma_start3A_23 : memref<32x640xi32, #tpu.memory_space<hbm>>) target(%arg6 : memref<32x640xi32, #tpu.memory_space<vmem>>) target_semaphore(%run_scoped3A : memref<!tpu.dma_semaphore, #tpu.memory_space<semaphore_mem>>)
      %dma_wait3A = arith.constant 0 : i32
      %dma_wait3A_24 = arith.constant 0 : i32
      %dma_wait3A_25 = tpu.memref_slice %arg2[%add3A, %dma_wait3A, %dma_wait3A_24] : memref<32x32x640xi32, #tpu.memory_space<hbm>> -> memref<1x32x640xi32, #tpu.memory_space<hbm>>
      %dma_wait3A_26 = tpu.memref_squeeze %dma_wait3A_25 : memref<1x32x640xi32, #tpu.memory_space<hbm>> -> memref<32x640xi32, #tpu.memory_space<hbm>>
      %dma_wait3A_27 = arith.constant 0 : i32
      %dma_wait3A_28 = arith.constant 0 : i32
      %dma_wait3A_29 = tpu.memref_slice %arg2[%add3A, %dma_wait3A_27, %dma_wait3A_28] : memref<32x32x640xi32, #tpu.memory_space<hbm>> -> memref<1x32x640xi32, #tpu.memory_space<hbm>>
      %dma_wait3A_30 = tpu.memref_squeeze %dma_wait3A_29 : memref<1x32x640xi32, #tpu.memory_space<hbm>> -> memref<32x640xi32, #tpu.memory_space<hbm>>
      tpu.wait_dma2 semaphore(%run_scoped3A : memref<!tpu.dma_semaphore, #tpu.memory_space<semaphore_mem>>) src(%dma_wait3A_30 : memref<32x640xi32, #tpu.memory_space<hbm>>) dst(%arg6 : memref<32x640xi32, #tpu.memory_space<vmem>>)
      tpu.yield
    }) : () -> ()
    "tpu.region"() ({
      %run_scoped3A = tpu.sem_alloc : memref<!tpu.dma_semaphore, #tpu.memory_space<semaphore_mem>>
      tpu.enqueue_dma source(%arg3 : memref<640x16xf32, #tpu.memory_space<hbm>>) target(%arg7 : memref<640x16xf32, #tpu.memory_space<vmem>>) target_semaphore(%run_scoped3A : memref<!tpu.dma_semaphore, #tpu.memory_space<semaphore_mem>>)
      tpu.wait_dma2 semaphore(%run_scoped3A : memref<!tpu.dma_semaphore, #tpu.memory_space<semaphore_mem>>) src(%arg3 : memref<640x16xf32, #tpu.memory_space<hbm>>) dst(%arg7 : memref<640x16xf32, #tpu.memory_space<vmem>>)
      tpu.yield
    }) : () -> ()
    %mul3A_1 = arith.constant 632 : i32
    %mul3A_2 = arith.muli %arg1, %mul3A_1 : i32
    %mul3A_3 = arith.constant 632 : i32
    %mul3A_4 = arith.muli %arg1, %mul3A_3 : i32
    "tpu.region"() ({
      %run_scoped3A = tpu.sem_alloc : memref<!tpu.dma_semaphore, #tpu.memory_space<semaphore_mem>>
      %dma_start3A = arith.constant 0 : i32
      %dma_start3A_17 = tpu.memref_slice %arg8[%mul3A_4, %dma_start3A] : memref<10112x16xf32, #tpu.memory_space<vmem_shared>> -> memref<632x16xf32, #tpu.memory_space<vmem_shared>>
      %dma_start3A_18 = arith.constant 0 : i32
      %dma_start3A_19 = tpu.memref_slice %arg4[%mul3A_2, %dma_start3A_18] : memref<10112x16xf32, #tpu.memory_space<hbm>> -> memref<632x16xf32, #tpu.memory_space<hbm>>
      tpu.enqueue_dma source(%dma_start3A_19 : memref<632x16xf32, #tpu.memory_space<hbm>>) target(%dma_start3A_17 : memref<632x16xf32, #tpu.memory_space<vmem_shared>>) target_semaphore(%run_scoped3A : memref<!tpu.dma_semaphore, #tpu.memory_space<semaphore_mem>>)
      %dma_wait3A = arith.constant 0 : i32
      %dma_wait3A_20 = tpu.memref_slice %arg8[%mul3A_4, %dma_wait3A] : memref<10112x16xf32, #tpu.memory_space<vmem_shared>> -> memref<632x16xf32, #tpu.memory_space<vmem_shared>>
      %dma_wait3A_21 = arith.constant 0 : i32
      %dma_wait3A_22 = tpu.memref_slice %arg4[%mul3A_2, %dma_wait3A_21] : memref<10112x16xf32, #tpu.memory_space<hbm>> -> memref<632x16xf32, #tpu.memory_space<hbm>>
      tpu.wait_dma2 semaphore(%run_scoped3A : memref<!tpu.dma_semaphore, #tpu.memory_space<semaphore_mem>>) src(%dma_wait3A_22 : memref<632x16xf32, #tpu.memory_space<hbm>>) dst(%dma_wait3A_20 : memref<632x16xf32, #tpu.memory_space<vmem_shared>>)
      tpu.yield
    }) : () -> ()
    %barrier3A = arith.constant 0 : index
    tpu.barrier barrier_id(%barrier3A)
    %scan3A = arith.constant 0 : i32
    %scan3A_5 = arith.constant 0 : i32
    %scan3A_6 = arith.constant 32 : i32
    %scan3A_7 = arith.addi %scan3A_5, %scan3A_6 : i32
    %scan3A_8 = arith.constant 1 : i32
    scf.for %scan3A_17 = %scan3A_5 to %scan3A_7 step %scan3A_8  : i32 {
      "tpu.region"() ({
        %run_scoped3A = tpu.sem_alloc : memref<!tpu.dma_semaphore, #tpu.memory_space<semaphore_mem>>
        %dma_start3A = arith.constant 0 : i32
        %dma_start3A_18 = tpu.memref_slice %arg6[%scan3A_17, %dma_start3A] : memref<32x640xi32, #tpu.memory_space<vmem>> -> memref<1x640xi32, #tpu.memory_space<vmem>>
        %dma_start3A_19 = tpu.memref_squeeze %dma_start3A_18 : memref<1x640xi32, #tpu.memory_space<vmem>> -> memref<640xi32, #tpu.memory_space<vmem>>
        %dma_start3A_20 = arith.constant 0 : i32
        %dma_start3A_21 = arith.constant 0 : i32
        %dma_start3A_22 = tpu.memref_slice %arg8[%dma_start3A_20, %dma_start3A_21] : memref<10112x16xf32, #tpu.memory_space<vmem_shared>> -> memref<10112x16xf32, #tpu.memory_space<vmem_shared>>
        tpu.enqueue_indirect_dma source(%arg7 : memref<640x16xf32, #tpu.memory_space<vmem>>) target(%dma_start3A_22 : memref<10112x16xf32, #tpu.memory_space<vmem_shared>>) offsets(%dma_start3A_19 : memref<640xi32, #tpu.memory_space<vmem>>) semaphore(%run_scoped3A : memref<!tpu.dma_semaphore, #tpu.memory_space<semaphore_mem>>) {add = true}
        %dma_wait3A = arith.constant 0 : i32
        %dma_wait3A_23 = tpu.memref_slice %arg6[%scan3A_17, %dma_wait3A] : memref<32x640xi32, #tpu.memory_space<vmem>> -> memref<1x640xi32, #tpu.memory_space<vmem>>
        %dma_wait3A_24 = tpu.memref_squeeze %dma_wait3A_23 : memref<1x640xi32, #tpu.memory_space<vmem>> -> memref<640xi32, #tpu.memory_space<vmem>>
        %dma_wait3A_25 = arith.constant 0 : i32
        %dma_wait3A_26 = arith.constant 0 : i32
        %dma_wait3A_27 = tpu.memref_slice %arg8[%dma_wait3A_25, %dma_wait3A_26] : memref<10112x16xf32, #tpu.memory_space<vmem_shared>> -> memref<10112x16xf32, #tpu.memory_space<vmem_shared>>
        tpu.wait_indirect_dma semaphore(%run_scoped3A : memref<!tpu.dma_semaphore, #tpu.memory_space<semaphore_mem>>) src(%arg7 : memref<640x16xf32, #tpu.memory_space<vmem>>) dst(%dma_wait3A_27 : memref<10112x16xf32, #tpu.memory_space<vmem_shared>>)
        tpu.yield
      }) : () -> ()
    }
    %scan3A_9 = arith.constant 32 : i32
    %barrier3A_10 = arith.constant 0 : index
    tpu.barrier barrier_id(%barrier3A_10)
    %lt3A = arith.constant 15 : i32
    %lt3A_11 = arith.cmpi slt, %arg1, %lt3A : i32
    %convert_element_type3A = arith.extui %lt3A_11 : i1 to i32
    %cond3A = arith.constant 0 : i32
    %cond3A_12 = arith.cmpi ne, %convert_element_type3A, %cond3A : i32
    scf.if %cond3A_12 {
      %mul3A_17 = arith.constant 632 : i32
      %mul3A_18 = arith.muli %arg1, %mul3A_17 : i32
      %mul3A_19 = arith.constant 632 : i32
      %mul3A_20 = arith.muli %arg1, %mul3A_19 : i32
      "tpu.region"() ({
        %run_scoped3A = tpu.sem_alloc : memref<!tpu.dma_semaphore, #tpu.memory_space<semaphore_mem>>
        %dma_start3A = arith.constant 0 : i32
        %dma_start3A_21 = tpu.memref_slice %arg5[%arg0, %mul3A_20, %dma_start3A] : memref<2x10000x16xf32, #tpu.memory_space<hbm>> -> memref<1x632x16xf32, #tpu.memory_space<hbm>>
        %dma_start3A_22 = tpu.memref_squeeze %dma_start3A_21 : memref<1x632x16xf32, #tpu.memory_space<hbm>> -> memref<632x16xf32, #tpu.memory_space<hbm>>
        %dma_start3A_23 = arith.constant 0 : i32
        %dma_start3A_24 = tpu.memref_slice %arg8[%mul3A_18, %dma_start3A_23] : memref<10112x16xf32, #tpu.memory_space<vmem_shared>> -> memref<632x16xf32, #tpu.memory_space<vmem_shared>>
        tpu.enqueue_dma source(%dma_start3A_24 : memref<632x16xf32, #tpu.memory_space<vmem_shared>>) target(%dma_start3A_22 : memref<632x16xf32, #tpu.memory_space<hbm>>) target_semaphore(%run_scoped3A : memref<!tpu.dma_semaphore, #tpu.memory_space<semaphore_mem>>)
        %dma_wait3A = arith.constant 0 : i32
        %dma_wait3A_25 = tpu.memref_slice %arg5[%arg0, %mul3A_20, %dma_wait3A] : memref<2x10000x16xf32, #tpu.memory_space<hbm>> -> memref<1x632x16xf32, #tpu.memory_space<hbm>>
        %dma_wait3A_26 = tpu.memref_squeeze %dma_wait3A_25 : memref<1x632x16xf32, #tpu.memory_space<hbm>> -> memref<632x16xf32, #tpu.memory_space<hbm>>
        %dma_wait3A_27 = arith.constant 0 : i32
        %dma_wait3A_28 = tpu.memref_slice %arg8[%mul3A_18, %dma_wait3A_27] : memref<10112x16xf32, #tpu.memory_space<vmem_shared>> -> memref<632x16xf32, #tpu.memory_space<vmem_shared>>
        tpu.wait_dma2 semaphore(%run_scoped3A : memref<!tpu.dma_semaphore, #tpu.memory_space<semaphore_mem>>) src(%dma_wait3A_28 : memref<632x16xf32, #tpu.memory_space<vmem_shared>>) dst(%dma_wait3A_26 : memref<632x16xf32, #tpu.memory_space<hbm>>)
        tpu.yield
      }) : () -> ()
    } else {
    }
    %eq3A = arith.constant 15 : i32
    %eq3A_13 = arith.cmpi eq, %arg1, %eq3A : i32
    %convert_element_type3A_14 = arith.extui %eq3A_13 : i1 to i32
    %cond3A_15 = arith.constant 0 : i32
    %cond3A_16 = arith.cmpi ne, %convert_element_type3A_14, %cond3A_15 : i32
    scf.if %cond3A_16 {
      "tpu.region"() ({
        %run_scoped3A = tpu.sem_alloc : memref<!tpu.dma_semaphore, #tpu.memory_space<semaphore_mem>>
        %dma_start3A = arith.constant 9480 : i32
        %dma_start3A_17 = arith.constant 0 : i32
        %dma_start3A_18 = tpu.memref_slice %arg5[%arg0, %dma_start3A, %dma_start3A_17] : memref<2x10000x16xf32, #tpu.memory_space<hbm>> -> memref<1x520x16xf32, #tpu.memory_space<hbm>>
        %dma_start3A_19 = tpu.memref_squeeze %dma_start3A_18 : memref<1x520x16xf32, #tpu.memory_space<hbm>> -> memref<520x16xf32, #tpu.memory_space<hbm>>
        %dma_start3A_20 = arith.constant 9480 : i32
        %dma_start3A_21 = arith.constant 0 : i32
        %dma_start3A_22 = tpu.memref_slice %arg8[%dma_start3A_20, %dma_start3A_21] : memref<10112x16xf32, #tpu.memory_space<vmem_shared>> -> memref<520x16xf32, #tpu.memory_space<vmem_shared>>
        tpu.enqueue_dma source(%dma_start3A_22 : memref<520x16xf32, #tpu.memory_space<vmem_shared>>) target(%dma_start3A_19 : memref<520x16xf32, #tpu.memory_space<hbm>>) target_semaphore(%run_scoped3A : memref<!tpu.dma_semaphore, #tpu.memory_space<semaphore_mem>>)
        %dma_wait3A = arith.constant 9480 : i32
        %dma_wait3A_23 = arith.constant 0 : i32
        %dma_wait3A_24 = tpu.memref_slice %arg5[%arg0, %dma_wait3A, %dma_wait3A_23] : memref<2x10000x16xf32, #tpu.memory_space<hbm>> -> memref<1x520x16xf32, #tpu.memory_space<hbm>>
        %dma_wait3A_25 = tpu.memref_squeeze %dma_wait3A_24 : memref<1x520x16xf32, #tpu.memory_space<hbm>> -> memref<520x16xf32, #tpu.memory_space<hbm>>
        %dma_wait3A_26 = arith.constant 9480 : i32
        %dma_wait3A_27 = arith.constant 0 : i32
        %dma_wait3A_28 = tpu.memref_slice %arg8[%dma_wait3A_26, %dma_wait3A_27] : memref<10112x16xf32, #tpu.memory_space<vmem_shared>> -> memref<520x16xf32, #tpu.memory_space<vmem_shared>>
        tpu.wait_dma2 semaphore(%run_scoped3A : memref<!tpu.dma_semaphore, #tpu.memory_space<semaphore_mem>>) src(%dma_wait3A_28 : memref<520x16xf32, #tpu.memory_space<vmem_shared>>) dst(%dma_wait3A_25 : memref<520x16xf32, #tpu.memory_space<hbm>>)
        tpu.yield
      }) : () -> ()
    } else {
    }
    return
  }
}

#map = affine_map<(d0, d1) -> (0, 0)>
#map1 = affine_map<(d0, d1) -> (0, 0, 0)>
module attributes {stable_mosaic.version = 14 : i64} {
  func.func @_agg_body(%arg0: i32, %arg1: i32, %arg2: memref<10000x64xf32, #tpu.memory_space<hbm>>, %arg3: memref<32x32x640xi32, #tpu.memory_space<hbm>>, %arg4: memref<32x32x640xi32, #tpu.memory_space<hbm>>, %arg5: memref<10112x64xf32, #tpu.memory_space<hbm>>, %arg6: memref<2x10000x64xf32, #tpu.memory_space<hbm>>, %arg7: memref<640xi32, #tpu.memory_space<vmem>>, %arg8: memref<640xi32, #tpu.memory_space<vmem>>, %arg9: memref<640xi32, #tpu.memory_space<vmem>>, %arg10: memref<640xi32, #tpu.memory_space<vmem>>, %arg11: memref<640x64xf32, #tpu.memory_space<vmem>>, %arg12: memref<640x64xf32, #tpu.memory_space<vmem>>, %arg13: memref<10112x64xf32, #tpu.memory_space<vmem_shared>>, %arg14: memref<!tpu.dma_semaphore, #tpu.memory_space<semaphore_mem>>, %arg15: memref<!tpu.dma_semaphore, #tpu.memory_space<semaphore_mem>>, %arg16: memref<!tpu.dma_semaphore, #tpu.memory_space<semaphore_mem>>, %arg17: memref<!tpu.dma_semaphore, #tpu.memory_space<semaphore_mem>>) attributes {dimension_semantics = [#tpu.dimension_semantics<core_parallel>, #tpu.dimension_semantics<subcore_parallel>], iteration_bounds = array<i64: 2, 16>, scalar_prefetch = 0 : i64, scratch_operands = 11 : i64, tpu.core_type = #tpu.core_type<sc_vector_subcore>, window_params = [{transform_indices = #map}, {transform_indices = #map1}, {transform_indices = #map1}, {transform_indices = #map}, {transform_indices = #map1}]} {
    %mul3A = arith.constant 16 : i32
    %mul3A_0 = arith.muli %arg0, %mul3A : i32
    %add3A = arith.addi %mul3A_0, %arg1 : i32
    %mul3A_1 = arith.constant 632 : i32
    %mul3A_2 = arith.muli %arg1, %mul3A_1 : i32
    %mul3A_3 = arith.constant 632 : i32
    %mul3A_4 = arith.muli %arg1, %mul3A_3 : i32
    "tpu.region"() ({
      %run_scoped3A_50 = tpu.sem_alloc : memref<!tpu.dma_semaphore, #tpu.memory_space<semaphore_mem>>
      %dma_start3A_51 = arith.constant 0 : i32
      %dma_start3A_52 = tpu.memref_slice %arg13[%mul3A_4, %dma_start3A_51] : memref<10112x64xf32, #tpu.memory_space<vmem_shared>> -> memref<632x64xf32, #tpu.memory_space<vmem_shared>>
      %dma_start3A_53 = arith.constant 0 : i32
      %dma_start3A_54 = tpu.memref_slice %arg5[%mul3A_2, %dma_start3A_53] : memref<10112x64xf32, #tpu.memory_space<hbm>> -> memref<632x64xf32, #tpu.memory_space<hbm>>
      tpu.enqueue_dma source(%dma_start3A_54 : memref<632x64xf32, #tpu.memory_space<hbm>>) target(%dma_start3A_52 : memref<632x64xf32, #tpu.memory_space<vmem_shared>>) target_semaphore(%run_scoped3A_50 : memref<!tpu.dma_semaphore, #tpu.memory_space<semaphore_mem>>)
      %dma_wait3A_55 = arith.constant 0 : i32
      %dma_wait3A_56 = tpu.memref_slice %arg13[%mul3A_4, %dma_wait3A_55] : memref<10112x64xf32, #tpu.memory_space<vmem_shared>> -> memref<632x64xf32, #tpu.memory_space<vmem_shared>>
      %dma_wait3A_57 = arith.constant 0 : i32
      %dma_wait3A_58 = tpu.memref_slice %arg5[%mul3A_2, %dma_wait3A_57] : memref<10112x64xf32, #tpu.memory_space<hbm>> -> memref<632x64xf32, #tpu.memory_space<hbm>>
      tpu.wait_dma2 semaphore(%run_scoped3A_50 : memref<!tpu.dma_semaphore, #tpu.memory_space<semaphore_mem>>) src(%dma_wait3A_58 : memref<632x64xf32, #tpu.memory_space<hbm>>) dst(%dma_wait3A_56 : memref<632x64xf32, #tpu.memory_space<vmem_shared>>)
      tpu.yield
    }) : () -> ()
    %run_scoped3A = arith.constant 0 : i32
    "tpu.region"() ({
      %run_scoped3A_50 = tpu.sem_alloc : memref<!tpu.dma_semaphore, #tpu.memory_space<semaphore_mem>>
      %dma_start3A_51 = arith.constant 0 : i32
      %dma_start3A_52 = tpu.memref_slice %arg3[%add3A, %run_scoped3A, %dma_start3A_51] : memref<32x32x640xi32, #tpu.memory_space<hbm>> -> memref<1x1x640xi32, #tpu.memory_space<hbm>>
      %dma_start3A_53 = tpu.memref_squeeze %dma_start3A_52 : memref<1x1x640xi32, #tpu.memory_space<hbm>> -> memref<640xi32, #tpu.memory_space<hbm>>
      %dma_start3A_54 = arith.constant 0 : i32
      %dma_start3A_55 = tpu.memref_slice %arg3[%add3A, %run_scoped3A, %dma_start3A_54] : memref<32x32x640xi32, #tpu.memory_space<hbm>> -> memref<1x1x640xi32, #tpu.memory_space<hbm>>
      %dma_start3A_56 = tpu.memref_squeeze %dma_start3A_55 : memref<1x1x640xi32, #tpu.memory_space<hbm>> -> memref<640xi32, #tpu.memory_space<hbm>>
      tpu.enqueue_dma source(%dma_start3A_56 : memref<640xi32, #tpu.memory_space<hbm>>) target(%arg7 : memref<640xi32, #tpu.memory_space<vmem>>) target_semaphore(%run_scoped3A_50 : memref<!tpu.dma_semaphore, #tpu.memory_space<semaphore_mem>>)
      %dma_wait3A_57 = arith.constant 0 : i32
      %dma_wait3A_58 = tpu.memref_slice %arg3[%add3A, %run_scoped3A, %dma_wait3A_57] : memref<32x32x640xi32, #tpu.memory_space<hbm>> -> memref<1x1x640xi32, #tpu.memory_space<hbm>>
      %dma_wait3A_59 = tpu.memref_squeeze %dma_wait3A_58 : memref<1x1x640xi32, #tpu.memory_space<hbm>> -> memref<640xi32, #tpu.memory_space<hbm>>
      %dma_wait3A_60 = arith.constant 0 : i32
      %dma_wait3A_61 = tpu.memref_slice %arg3[%add3A, %run_scoped3A, %dma_wait3A_60] : memref<32x32x640xi32, #tpu.memory_space<hbm>> -> memref<1x1x640xi32, #tpu.memory_space<hbm>>
      %dma_wait3A_62 = tpu.memref_squeeze %dma_wait3A_61 : memref<1x1x640xi32, #tpu.memory_space<hbm>> -> memref<640xi32, #tpu.memory_space<hbm>>
      tpu.wait_dma2 semaphore(%run_scoped3A_50 : memref<!tpu.dma_semaphore, #tpu.memory_space<semaphore_mem>>) src(%dma_wait3A_62 : memref<640xi32, #tpu.memory_space<hbm>>) dst(%arg7 : memref<640xi32, #tpu.memory_space<vmem>>)
      tpu.yield
    }) : () -> ()
    %run_scoped3A_5 = arith.constant 0 : i32
    "tpu.region"() ({
      %run_scoped3A_50 = tpu.sem_alloc : memref<!tpu.dma_semaphore, #tpu.memory_space<semaphore_mem>>
      %dma_start3A_51 = arith.constant 0 : i32
      %dma_start3A_52 = tpu.memref_slice %arg4[%add3A, %run_scoped3A_5, %dma_start3A_51] : memref<32x32x640xi32, #tpu.memory_space<hbm>> -> memref<1x1x640xi32, #tpu.memory_space<hbm>>
      %dma_start3A_53 = tpu.memref_squeeze %dma_start3A_52 : memref<1x1x640xi32, #tpu.memory_space<hbm>> -> memref<640xi32, #tpu.memory_space<hbm>>
      %dma_start3A_54 = arith.constant 0 : i32
      %dma_start3A_55 = tpu.memref_slice %arg4[%add3A, %run_scoped3A_5, %dma_start3A_54] : memref<32x32x640xi32, #tpu.memory_space<hbm>> -> memref<1x1x640xi32, #tpu.memory_space<hbm>>
      %dma_start3A_56 = tpu.memref_squeeze %dma_start3A_55 : memref<1x1x640xi32, #tpu.memory_space<hbm>> -> memref<640xi32, #tpu.memory_space<hbm>>
      tpu.enqueue_dma source(%dma_start3A_56 : memref<640xi32, #tpu.memory_space<hbm>>) target(%arg9 : memref<640xi32, #tpu.memory_space<vmem>>) target_semaphore(%run_scoped3A_50 : memref<!tpu.dma_semaphore, #tpu.memory_space<semaphore_mem>>)
      %dma_wait3A_57 = arith.constant 0 : i32
      %dma_wait3A_58 = tpu.memref_slice %arg4[%add3A, %run_scoped3A_5, %dma_wait3A_57] : memref<32x32x640xi32, #tpu.memory_space<hbm>> -> memref<1x1x640xi32, #tpu.memory_space<hbm>>
      %dma_wait3A_59 = tpu.memref_squeeze %dma_wait3A_58 : memref<1x1x640xi32, #tpu.memory_space<hbm>> -> memref<640xi32, #tpu.memory_space<hbm>>
      %dma_wait3A_60 = arith.constant 0 : i32
      %dma_wait3A_61 = tpu.memref_slice %arg4[%add3A, %run_scoped3A_5, %dma_wait3A_60] : memref<32x32x640xi32, #tpu.memory_space<hbm>> -> memref<1x1x640xi32, #tpu.memory_space<hbm>>
      %dma_wait3A_62 = tpu.memref_squeeze %dma_wait3A_61 : memref<1x1x640xi32, #tpu.memory_space<hbm>> -> memref<640xi32, #tpu.memory_space<hbm>>
      tpu.wait_dma2 semaphore(%run_scoped3A_50 : memref<!tpu.dma_semaphore, #tpu.memory_space<semaphore_mem>>) src(%dma_wait3A_62 : memref<640xi32, #tpu.memory_space<hbm>>) dst(%arg9 : memref<640xi32, #tpu.memory_space<vmem>>)
      tpu.yield
    }) : () -> ()
    %barrier3A = arith.constant 0 : index
    tpu.barrier barrier_id(%barrier3A)
    %dma_start3A = arith.constant 0 : i32
    %dma_start3A_6 = arith.constant 0 : i32
    %dma_start3A_7 = tpu.memref_slice %arg2[%dma_start3A, %dma_start3A_6] : memref<10000x64xf32, #tpu.memory_space<hbm>> -> memref<10000x64xf32, #tpu.memory_space<hbm>>
    tpu.enqueue_indirect_dma source(%dma_start3A_7 : memref<10000x64xf32, #tpu.memory_space<hbm>>) target(%arg11 : memref<640x64xf32, #tpu.memory_space<vmem>>) offsets(%arg7 : memref<640xi32, #tpu.memory_space<vmem>>) semaphore(%arg14 : memref<!tpu.dma_semaphore, #tpu.memory_space<semaphore_mem>>)
    %dma_start3A_8 = arith.constant 1 : i32
    %dma_start3A_9 = arith.constant 0 : i32
    %dma_start3A_10 = tpu.memref_slice %arg3[%add3A, %dma_start3A_8, %dma_start3A_9] : memref<32x32x640xi32, #tpu.memory_space<hbm>> -> memref<1x1x640xi32, #tpu.memory_space<hbm>>
    %dma_start3A_11 = tpu.memref_squeeze %dma_start3A_10 : memref<1x1x640xi32, #tpu.memory_space<hbm>> -> memref<640xi32, #tpu.memory_space<hbm>>
    %dma_start3A_12 = arith.constant 0 : i32
    %dma_start3A_13 = tpu.memref_slice %arg3[%add3A, %dma_start3A_8, %dma_start3A_12] : memref<32x32x640xi32, #tpu.memory_space<hbm>> -> memref<1x1x640xi32, #tpu.memory_space<hbm>>
    %dma_start3A_14 = tpu.memref_squeeze %dma_start3A_13 : memref<1x1x640xi32, #tpu.memory_space<hbm>> -> memref<640xi32, #tpu.memory_space<hbm>>
    tpu.enqueue_dma source(%dma_start3A_14 : memref<640xi32, #tpu.memory_space<hbm>>) target(%arg8 : memref<640xi32, #tpu.memory_space<vmem>>) target_semaphore(%arg16 : memref<!tpu.dma_semaphore, #tpu.memory_space<semaphore_mem>>)
    %dma_start3A_15 = arith.constant 1 : i32
    %dma_start3A_16 = arith.constant 0 : i32
    %dma_start3A_17 = tpu.memref_slice %arg4[%add3A, %dma_start3A_15, %dma_start3A_16] : memref<32x32x640xi32, #tpu.memory_space<hbm>> -> memref<1x1x640xi32, #tpu.memory_space<hbm>>
    %dma_start3A_18 = tpu.memref_squeeze %dma_start3A_17 : memref<1x1x640xi32, #tpu.memory_space<hbm>> -> memref<640xi32, #tpu.memory_space<hbm>>
    %dma_start3A_19 = arith.constant 0 : i32
    %dma_start3A_20 = tpu.memref_slice %arg4[%add3A, %dma_start3A_15, %dma_start3A_19] : memref<32x32x640xi32, #tpu.memory_space<hbm>> -> memref<1x1x640xi32, #tpu.memory_space<hbm>>
    %dma_start3A_21 = tpu.memref_squeeze %dma_start3A_20 : memref<1x1x640xi32, #tpu.memory_space<hbm>> -> memref<640xi32, #tpu.memory_space<hbm>>
    tpu.enqueue_dma source(%dma_start3A_21 : memref<640xi32, #tpu.memory_space<hbm>>) target(%arg10 : memref<640xi32, #tpu.memory_space<vmem>>) target_semaphore(%arg16 : memref<!tpu.dma_semaphore, #tpu.memory_space<semaphore_mem>>)
    %scan3A = arith.constant 0 : i32
    %scan3A_22 = arith.constant 0 : i32
    %scan3A_23 = arith.constant 16 : i32
    %scan3A_24 = arith.addi %scan3A_22, %scan3A_23 : i32
    %scan3A_25 = arith.constant 1 : i32
    scf.for %scan3A_50 = %scan3A_22 to %scan3A_24 step %scan3A_25  : i32 {
      %mul3A_51 = arith.constant 2 : i32
      %mul3A_52 = arith.muli %mul3A_51, %scan3A_50 : i32
      %mul3A_53 = arith.constant 2 : i32
      %mul3A_54 = arith.muli %mul3A_53, %scan3A_50 : i32
      %add3A_55 = arith.constant 1 : i32
      %add3A_56 = arith.addi %mul3A_54, %add3A_55 : i32
      %dma_wait3A_57 = arith.constant 0 : i32
      %dma_wait3A_58 = tpu.memref_slice %arg3[%add3A, %add3A_56, %dma_wait3A_57] : memref<32x32x640xi32, #tpu.memory_space<hbm>> -> memref<1x1x640xi32, #tpu.memory_space<hbm>>
      %dma_wait3A_59 = tpu.memref_squeeze %dma_wait3A_58 : memref<1x1x640xi32, #tpu.memory_space<hbm>> -> memref<640xi32, #tpu.memory_space<hbm>>
      %dma_wait3A_60 = arith.constant 0 : i32
      %dma_wait3A_61 = tpu.memref_slice %arg3[%add3A, %add3A_56, %dma_wait3A_60] : memref<32x32x640xi32, #tpu.memory_space<hbm>> -> memref<1x1x640xi32, #tpu.memory_space<hbm>>
      %dma_wait3A_62 = tpu.memref_squeeze %dma_wait3A_61 : memref<1x1x640xi32, #tpu.memory_space<hbm>> -> memref<640xi32, #tpu.memory_space<hbm>>
      tpu.wait_dma2 semaphore(%arg16 : memref<!tpu.dma_semaphore, #tpu.memory_space<semaphore_mem>>) src(%dma_wait3A_62 : memref<640xi32, #tpu.memory_space<hbm>>) dst(%arg8 : memref<640xi32, #tpu.memory_space<vmem>>)
      %dma_wait3A_63 = arith.constant 0 : i32
      %dma_wait3A_64 = tpu.memref_slice %arg4[%add3A, %add3A_56, %dma_wait3A_63] : memref<32x32x640xi32, #tpu.memory_space<hbm>> -> memref<1x1x640xi32, #tpu.memory_space<hbm>>
      %dma_wait3A_65 = tpu.memref_squeeze %dma_wait3A_64 : memref<1x1x640xi32, #tpu.memory_space<hbm>> -> memref<640xi32, #tpu.memory_space<hbm>>
      %dma_wait3A_66 = arith.constant 0 : i32
      %dma_wait3A_67 = tpu.memref_slice %arg4[%add3A, %add3A_56, %dma_wait3A_66] : memref<32x32x640xi32, #tpu.memory_space<hbm>> -> memref<1x1x640xi32, #tpu.memory_space<hbm>>
      %dma_wait3A_68 = tpu.memref_squeeze %dma_wait3A_67 : memref<1x1x640xi32, #tpu.memory_space<hbm>> -> memref<640xi32, #tpu.memory_space<hbm>>
      tpu.wait_dma2 semaphore(%arg16 : memref<!tpu.dma_semaphore, #tpu.memory_space<semaphore_mem>>) src(%dma_wait3A_68 : memref<640xi32, #tpu.memory_space<hbm>>) dst(%arg10 : memref<640xi32, #tpu.memory_space<vmem>>)
      %dma_wait3A_69 = arith.constant 0 : i32
      %dma_wait3A_70 = arith.constant 0 : i32
      %dma_wait3A_71 = tpu.memref_slice %arg2[%dma_wait3A_69, %dma_wait3A_70] : memref<10000x64xf32, #tpu.memory_space<hbm>> -> memref<10000x64xf32, #tpu.memory_space<hbm>>
      tpu.wait_indirect_dma semaphore(%arg14 : memref<!tpu.dma_semaphore, #tpu.memory_space<semaphore_mem>>) src(%dma_wait3A_71 : memref<10000x64xf32, #tpu.memory_space<hbm>>) dst(%arg11 : memref<640x64xf32, #tpu.memory_space<vmem>>)
      %dma_start3A_72 = arith.constant 0 : i32
      %dma_start3A_73 = arith.constant 0 : i32
      %dma_start3A_74 = tpu.memref_slice %arg2[%dma_start3A_72, %dma_start3A_73] : memref<10000x64xf32, #tpu.memory_space<hbm>> -> memref<10000x64xf32, #tpu.memory_space<hbm>>
      tpu.enqueue_indirect_dma source(%dma_start3A_74 : memref<10000x64xf32, #tpu.memory_space<hbm>>) target(%arg12 : memref<640x64xf32, #tpu.memory_space<vmem>>) offsets(%arg8 : memref<640xi32, #tpu.memory_space<vmem>>) semaphore(%arg15 : memref<!tpu.dma_semaphore, #tpu.memory_space<semaphore_mem>>)
      "tpu.region"() ({
        %run_scoped3A_124 = tpu.sem_alloc : memref<!tpu.dma_semaphore, #tpu.memory_space<semaphore_mem>>
        %dma_start3A_125 = arith.constant 0 : i32
        %dma_start3A_126 = arith.constant 0 : i32
        %dma_start3A_127 = tpu.memref_slice %arg13[%dma_start3A_125, %dma_start3A_126] : memref<10112x64xf32, #tpu.memory_space<vmem_shared>> -> memref<10112x64xf32, #tpu.memory_space<vmem_shared>>
        tpu.enqueue_indirect_dma source(%arg11 : memref<640x64xf32, #tpu.memory_space<vmem>>) target(%dma_start3A_127 : memref<10112x64xf32, #tpu.memory_space<vmem_shared>>) offsets(%arg9 : memref<640xi32, #tpu.memory_space<vmem>>) semaphore(%run_scoped3A_124 : memref<!tpu.dma_semaphore, #tpu.memory_space<semaphore_mem>>) {add = true}
        %dma_wait3A_128 = arith.constant 0 : i32
        %dma_wait3A_129 = arith.constant 0 : i32
        %dma_wait3A_130 = tpu.memref_slice %arg13[%dma_wait3A_128, %dma_wait3A_129] : memref<10112x64xf32, #tpu.memory_space<vmem_shared>> -> memref<10112x64xf32, #tpu.memory_space<vmem_shared>>
        tpu.wait_indirect_dma semaphore(%run_scoped3A_124 : memref<!tpu.dma_semaphore, #tpu.memory_space<semaphore_mem>>) src(%arg11 : memref<640x64xf32, #tpu.memory_space<vmem>>) dst(%dma_wait3A_130 : memref<10112x64xf32, #tpu.memory_space<vmem_shared>>)
        tpu.yield
      }) : () -> ()
      %add3A_75 = arith.constant 2 : i32
      %add3A_76 = arith.addi %mul3A_52, %add3A_75 : i32
      %min3A = arith.constant 31 : i32
      %min3A_77 = arith.minsi %add3A_76, %min3A : i32
      %dma_start3A_78 = arith.constant 0 : i32
      %dma_start3A_79 = tpu.memref_slice %arg3[%add3A, %min3A_77, %dma_start3A_78] : memref<32x32x640xi32, #tpu.memory_space<hbm>> -> memref<1x1x640xi32, #tpu.memory_space<hbm>>
      %dma_start3A_80 = tpu.memref_squeeze %dma_start3A_79 : memref<1x1x640xi32, #tpu.memory_space<hbm>> -> memref<640xi32, #tpu.memory_space<hbm>>
      %dma_start3A_81 = arith.constant 0 : i32
      %dma_start3A_82 = tpu.memref_slice %arg3[%add3A, %min3A_77, %dma_start3A_81] : memref<32x32x640xi32, #tpu.memory_space<hbm>> -> memref<1x1x640xi32, #tpu.memory_space<hbm>>
      %dma_start3A_83 = tpu.memref_squeeze %dma_start3A_82 : memref<1x1x640xi32, #tpu.memory_space<hbm>> -> memref<640xi32, #tpu.memory_space<hbm>>
      tpu.enqueue_dma source(%dma_start3A_83 : memref<640xi32, #tpu.memory_space<hbm>>) target(%arg7 : memref<640xi32, #tpu.memory_space<vmem>>) target_semaphore(%arg17 : memref<!tpu.dma_semaphore, #tpu.memory_space<semaphore_mem>>)
      %dma_start3A_84 = arith.constant 0 : i32
      %dma_start3A_85 = tpu.memref_slice %arg4[%add3A, %min3A_77, %dma_start3A_84] : memref<32x32x640xi32, #tpu.memory_space<hbm>> -> memref<1x1x640xi32, #tpu.memory_space<hbm>>
      %dma_start3A_86 = tpu.memref_squeeze %dma_start3A_85 : memref<1x1x640xi32, #tpu.memory_space<hbm>> -> memref<640xi32, #tpu.memory_space<hbm>>
      %dma_start3A_87 = arith.constant 0 : i32
      %dma_start3A_88 = tpu.memref_slice %arg4[%add3A, %min3A_77, %dma_start3A_87] : memref<32x32x640xi32, #tpu.memory_space<hbm>> -> memref<1x1x640xi32, #tpu.memory_space<hbm>>
      %dma_start3A_89 = tpu.memref_squeeze %dma_start3A_88 : memref<1x1x640xi32, #tpu.memory_space<hbm>> -> memref<640xi32, #tpu.memory_space<hbm>>
      tpu.enqueue_dma source(%dma_start3A_89 : memref<640xi32, #tpu.memory_space<hbm>>) target(%arg9 : memref<640xi32, #tpu.memory_space<vmem>>) target_semaphore(%arg17 : memref<!tpu.dma_semaphore, #tpu.memory_space<semaphore_mem>>)
      %dma_wait3A_90 = arith.constant 0 : i32
      %dma_wait3A_91 = arith.constant 0 : i32
      %dma_wait3A_92 = tpu.memref_slice %arg2[%dma_wait3A_90, %dma_wait3A_91] : memref<10000x64xf32, #tpu.memory_space<hbm>> -> memref<10000x64xf32, #tpu.memory_space<hbm>>
      tpu.wait_indirect_dma semaphore(%arg15 : memref<!tpu.dma_semaphore, #tpu.memory_space<semaphore_mem>>) src(%dma_wait3A_92 : memref<10000x64xf32, #tpu.memory_space<hbm>>) dst(%arg12 : memref<640x64xf32, #tpu.memory_space<vmem>>)
      %dma_wait3A_93 = arith.constant 0 : i32
      %dma_wait3A_94 = tpu.memref_slice %arg3[%add3A, %min3A_77, %dma_wait3A_93] : memref<32x32x640xi32, #tpu.memory_space<hbm>> -> memref<1x1x640xi32, #tpu.memory_space<hbm>>
      %dma_wait3A_95 = tpu.memref_squeeze %dma_wait3A_94 : memref<1x1x640xi32, #tpu.memory_space<hbm>> -> memref<640xi32, #tpu.memory_space<hbm>>
      %dma_wait3A_96 = arith.constant 0 : i32
      %dma_wait3A_97 = tpu.memref_slice %arg3[%add3A, %min3A_77, %dma_wait3A_96] : memref<32x32x640xi32, #tpu.memory_space<hbm>> -> memref<1x1x640xi32, #tpu.memory_space<hbm>>
      %dma_wait3A_98 = tpu.memref_squeeze %dma_wait3A_97 : memref<1x1x640xi32, #tpu.memory_space<hbm>> -> memref<640xi32, #tpu.memory_space<hbm>>
      tpu.wait_dma2 semaphore(%arg17 : memref<!tpu.dma_semaphore, #tpu.memory_space<semaphore_mem>>) src(%dma_wait3A_98 : memref<640xi32, #tpu.memory_space<hbm>>) dst(%arg7 : memref<640xi32, #tpu.memory_space<vmem>>)
      %dma_wait3A_99 = arith.constant 0 : i32
      %dma_wait3A_100 = tpu.memref_slice %arg4[%add3A, %min3A_77, %dma_wait3A_99] : memref<32x32x640xi32, #tpu.memory_space<hbm>> -> memref<1x1x640xi32, #tpu.memory_space<hbm>>
      %dma_wait3A_101 = tpu.memref_squeeze %dma_wait3A_100 : memref<1x1x640xi32, #tpu.memory_space<hbm>> -> memref<640xi32, #tpu.memory_space<hbm>>
      %dma_wait3A_102 = arith.constant 0 : i32
      %dma_wait3A_103 = tpu.memref_slice %arg4[%add3A, %min3A_77, %dma_wait3A_102] : memref<32x32x640xi32, #tpu.memory_space<hbm>> -> memref<1x1x640xi32, #tpu.memory_space<hbm>>
      %dma_wait3A_104 = tpu.memref_squeeze %dma_wait3A_103 : memref<1x1x640xi32, #tpu.memory_space<hbm>> -> memref<640xi32, #tpu.memory_space<hbm>>
      tpu.wait_dma2 semaphore(%arg17 : memref<!tpu.dma_semaphore, #tpu.memory_space<semaphore_mem>>) src(%dma_wait3A_104 : memref<640xi32, #tpu.memory_space<hbm>>) dst(%arg9 : memref<640xi32, #tpu.memory_space<vmem>>)
      %dma_start3A_105 = arith.constant 0 : i32
      %dma_start3A_106 = arith.constant 0 : i32
      %dma_start3A_107 = tpu.memref_slice %arg2[%dma_start3A_105, %dma_start3A_106] : memref<10000x64xf32, #tpu.memory_space<hbm>> -> memref<10000x64xf32, #tpu.memory_space<hbm>>
      tpu.enqueue_indirect_dma source(%dma_start3A_107 : memref<10000x64xf32, #tpu.memory_space<hbm>>) target(%arg11 : memref<640x64xf32, #tpu.memory_space<vmem>>) offsets(%arg7 : memref<640xi32, #tpu.memory_space<vmem>>) semaphore(%arg14 : memref<!tpu.dma_semaphore, #tpu.memory_space<semaphore_mem>>)
      "tpu.region"() ({
        %run_scoped3A_124 = tpu.sem_alloc : memref<!tpu.dma_semaphore, #tpu.memory_space<semaphore_mem>>
        %dma_start3A_125 = arith.constant 0 : i32
        %dma_start3A_126 = arith.constant 0 : i32
        %dma_start3A_127 = tpu.memref_slice %arg13[%dma_start3A_125, %dma_start3A_126] : memref<10112x64xf32, #tpu.memory_space<vmem_shared>> -> memref<10112x64xf32, #tpu.memory_space<vmem_shared>>
        tpu.enqueue_indirect_dma source(%arg12 : memref<640x64xf32, #tpu.memory_space<vmem>>) target(%dma_start3A_127 : memref<10112x64xf32, #tpu.memory_space<vmem_shared>>) offsets(%arg10 : memref<640xi32, #tpu.memory_space<vmem>>) semaphore(%run_scoped3A_124 : memref<!tpu.dma_semaphore, #tpu.memory_space<semaphore_mem>>) {add = true}
        %dma_wait3A_128 = arith.constant 0 : i32
        %dma_wait3A_129 = arith.constant 0 : i32
        %dma_wait3A_130 = tpu.memref_slice %arg13[%dma_wait3A_128, %dma_wait3A_129] : memref<10112x64xf32, #tpu.memory_space<vmem_shared>> -> memref<10112x64xf32, #tpu.memory_space<vmem_shared>>
        tpu.wait_indirect_dma semaphore(%run_scoped3A_124 : memref<!tpu.dma_semaphore, #tpu.memory_space<semaphore_mem>>) src(%arg12 : memref<640x64xf32, #tpu.memory_space<vmem>>) dst(%dma_wait3A_130 : memref<10112x64xf32, #tpu.memory_space<vmem_shared>>)
        tpu.yield
      }) : () -> ()
      %add3A_108 = arith.constant 2 : i32
      %add3A_109 = arith.addi %add3A_56, %add3A_108 : i32
      %min3A_110 = arith.constant 31 : i32
      %min3A_111 = arith.minsi %add3A_109, %min3A_110 : i32
      %dma_start3A_112 = arith.constant 0 : i32
      %dma_start3A_113 = tpu.memref_slice %arg3[%add3A, %min3A_111, %dma_start3A_112] : memref<32x32x640xi32, #tpu.memory_space<hbm>> -> memref<1x1x640xi32, #tpu.memory_space<hbm>>
      %dma_start3A_114 = tpu.memref_squeeze %dma_start3A_113 : memref<1x1x640xi32, #tpu.memory_space<hbm>> -> memref<640xi32, #tpu.memory_space<hbm>>
      %dma_start3A_115 = arith.constant 0 : i32
      %dma_start3A_116 = tpu.memref_slice %arg3[%add3A, %min3A_111, %dma_start3A_115] : memref<32x32x640xi32, #tpu.memory_space<hbm>> -> memref<1x1x640xi32, #tpu.memory_space<hbm>>
      %dma_start3A_117 = tpu.memref_squeeze %dma_start3A_116 : memref<1x1x640xi32, #tpu.memory_space<hbm>> -> memref<640xi32, #tpu.memory_space<hbm>>
      tpu.enqueue_dma source(%dma_start3A_117 : memref<640xi32, #tpu.memory_space<hbm>>) target(%arg8 : memref<640xi32, #tpu.memory_space<vmem>>) target_semaphore(%arg16 : memref<!tpu.dma_semaphore, #tpu.memory_space<semaphore_mem>>)
      %dma_start3A_118 = arith.constant 0 : i32
      %dma_start3A_119 = tpu.memref_slice %arg4[%add3A, %min3A_111, %dma_start3A_118] : memref<32x32x640xi32, #tpu.memory_space<hbm>> -> memref<1x1x640xi32, #tpu.memory_space<hbm>>
      %dma_start3A_120 = tpu.memref_squeeze %dma_start3A_119 : memref<1x1x640xi32, #tpu.memory_space<hbm>> -> memref<640xi32, #tpu.memory_space<hbm>>
      %dma_start3A_121 = arith.constant 0 : i32
      %dma_start3A_122 = tpu.memref_slice %arg4[%add3A, %min3A_111, %dma_start3A_121] : memref<32x32x640xi32, #tpu.memory_space<hbm>> -> memref<1x1x640xi32, #tpu.memory_space<hbm>>
      %dma_start3A_123 = tpu.memref_squeeze %dma_start3A_122 : memref<1x1x640xi32, #tpu.memory_space<hbm>> -> memref<640xi32, #tpu.memory_space<hbm>>
      tpu.enqueue_dma source(%dma_start3A_123 : memref<640xi32, #tpu.memory_space<hbm>>) target(%arg10 : memref<640xi32, #tpu.memory_space<vmem>>) target_semaphore(%arg16 : memref<!tpu.dma_semaphore, #tpu.memory_space<semaphore_mem>>)
    }
    %scan3A_26 = arith.constant 16 : i32
    %dma_wait3A = arith.constant 31 : i32
    %dma_wait3A_27 = arith.constant 0 : i32
    %dma_wait3A_28 = tpu.memref_slice %arg3[%add3A, %dma_wait3A, %dma_wait3A_27] : memref<32x32x640xi32, #tpu.memory_space<hbm>> -> memref<1x1x640xi32, #tpu.memory_space<hbm>>
    %dma_wait3A_29 = tpu.memref_squeeze %dma_wait3A_28 : memref<1x1x640xi32, #tpu.memory_space<hbm>> -> memref<640xi32, #tpu.memory_space<hbm>>
    %dma_wait3A_30 = arith.constant 0 : i32
    %dma_wait3A_31 = tpu.memref_slice %arg3[%add3A, %dma_wait3A, %dma_wait3A_30] : memref<32x32x640xi32, #tpu.memory_space<hbm>> -> memref<1x1x640xi32, #tpu.memory_space<hbm>>
    %dma_wait3A_32 = tpu.memref_squeeze %dma_wait3A_31 : memref<1x1x640xi32, #tpu.memory_space<hbm>> -> memref<640xi32, #tpu.memory_space<hbm>>
    tpu.wait_dma2 semaphore(%arg16 : memref<!tpu.dma_semaphore, #tpu.memory_space<semaphore_mem>>) src(%dma_wait3A_32 : memref<640xi32, #tpu.memory_space<hbm>>) dst(%arg8 : memref<640xi32, #tpu.memory_space<vmem>>)
    %dma_wait3A_33 = arith.constant 31 : i32
    %dma_wait3A_34 = arith.constant 0 : i32
    %dma_wait3A_35 = tpu.memref_slice %arg4[%add3A, %dma_wait3A_33, %dma_wait3A_34] : memref<32x32x640xi32, #tpu.memory_space<hbm>> -> memref<1x1x640xi32, #tpu.memory_space<hbm>>
    %dma_wait3A_36 = tpu.memref_squeeze %dma_wait3A_35 : memref<1x1x640xi32, #tpu.memory_space<hbm>> -> memref<640xi32, #tpu.memory_space<hbm>>
    %dma_wait3A_37 = arith.constant 0 : i32
    %dma_wait3A_38 = tpu.memref_slice %arg4[%add3A, %dma_wait3A_33, %dma_wait3A_37] : memref<32x32x640xi32, #tpu.memory_space<hbm>> -> memref<1x1x640xi32, #tpu.memory_space<hbm>>
    %dma_wait3A_39 = tpu.memref_squeeze %dma_wait3A_38 : memref<1x1x640xi32, #tpu.memory_space<hbm>> -> memref<640xi32, #tpu.memory_space<hbm>>
    tpu.wait_dma2 semaphore(%arg16 : memref<!tpu.dma_semaphore, #tpu.memory_space<semaphore_mem>>) src(%dma_wait3A_39 : memref<640xi32, #tpu.memory_space<hbm>>) dst(%arg10 : memref<640xi32, #tpu.memory_space<vmem>>)
    %dma_wait3A_40 = arith.constant 0 : i32
    %dma_wait3A_41 = arith.constant 0 : i32
    %dma_wait3A_42 = tpu.memref_slice %arg2[%dma_wait3A_40, %dma_wait3A_41] : memref<10000x64xf32, #tpu.memory_space<hbm>> -> memref<10000x64xf32, #tpu.memory_space<hbm>>
    tpu.wait_indirect_dma semaphore(%arg14 : memref<!tpu.dma_semaphore, #tpu.memory_space<semaphore_mem>>) src(%dma_wait3A_42 : memref<10000x64xf32, #tpu.memory_space<hbm>>) dst(%arg11 : memref<640x64xf32, #tpu.memory_space<vmem>>)
    %barrier3A_43 = arith.constant 0 : index
    tpu.barrier barrier_id(%barrier3A_43)
    %lt3A = arith.constant 15 : i32
    %lt3A_44 = arith.cmpi slt, %arg1, %lt3A : i32
    %convert_element_type3A = arith.extui %lt3A_44 : i1 to i32
    %cond3A = arith.constant 0 : i32
    %cond3A_45 = arith.cmpi ne, %convert_element_type3A, %cond3A : i32
    scf.if %cond3A_45 {
      %mul3A_50 = arith.constant 632 : i32
      %mul3A_51 = arith.muli %arg1, %mul3A_50 : i32
      %mul3A_52 = arith.constant 632 : i32
      %mul3A_53 = arith.muli %arg1, %mul3A_52 : i32
      "tpu.region"() ({
        %run_scoped3A_54 = tpu.sem_alloc : memref<!tpu.dma_semaphore, #tpu.memory_space<semaphore_mem>>
        %dma_start3A_55 = arith.constant 0 : i32
        %dma_start3A_56 = tpu.memref_slice %arg6[%arg0, %mul3A_53, %dma_start3A_55] : memref<2x10000x64xf32, #tpu.memory_space<hbm>> -> memref<1x632x64xf32, #tpu.memory_space<hbm>>
        %dma_start3A_57 = tpu.memref_squeeze %dma_start3A_56 : memref<1x632x64xf32, #tpu.memory_space<hbm>> -> memref<632x64xf32, #tpu.memory_space<hbm>>
        %dma_start3A_58 = arith.constant 0 : i32
        %dma_start3A_59 = tpu.memref_slice %arg13[%mul3A_51, %dma_start3A_58] : memref<10112x64xf32, #tpu.memory_space<vmem_shared>> -> memref<632x64xf32, #tpu.memory_space<vmem_shared>>
        tpu.enqueue_dma source(%dma_start3A_59 : memref<632x64xf32, #tpu.memory_space<vmem_shared>>) target(%dma_start3A_57 : memref<632x64xf32, #tpu.memory_space<hbm>>) target_semaphore(%run_scoped3A_54 : memref<!tpu.dma_semaphore, #tpu.memory_space<semaphore_mem>>)
        %dma_wait3A_60 = arith.constant 0 : i32
        %dma_wait3A_61 = tpu.memref_slice %arg6[%arg0, %mul3A_53, %dma_wait3A_60] : memref<2x10000x64xf32, #tpu.memory_space<hbm>> -> memref<1x632x64xf32, #tpu.memory_space<hbm>>
        %dma_wait3A_62 = tpu.memref_squeeze %dma_wait3A_61 : memref<1x632x64xf32, #tpu.memory_space<hbm>> -> memref<632x64xf32, #tpu.memory_space<hbm>>
        %dma_wait3A_63 = arith.constant 0 : i32
        %dma_wait3A_64 = tpu.memref_slice %arg13[%mul3A_51, %dma_wait3A_63] : memref<10112x64xf32, #tpu.memory_space<vmem_shared>> -> memref<632x64xf32, #tpu.memory_space<vmem_shared>>
        tpu.wait_dma2 semaphore(%run_scoped3A_54 : memref<!tpu.dma_semaphore, #tpu.memory_space<semaphore_mem>>) src(%dma_wait3A_64 : memref<632x64xf32, #tpu.memory_space<vmem_shared>>) dst(%dma_wait3A_62 : memref<632x64xf32, #tpu.memory_space<hbm>>)
        tpu.yield
      }) : () -> ()
    } else {
    }
    %eq3A = arith.constant 15 : i32
    %eq3A_46 = arith.cmpi eq, %arg1, %eq3A : i32
    %convert_element_type3A_47 = arith.extui %eq3A_46 : i1 to i32
    %cond3A_48 = arith.constant 0 : i32
    %cond3A_49 = arith.cmpi ne, %convert_element_type3A_47, %cond3A_48 : i32
    scf.if %cond3A_49 {
      "tpu.region"() ({
        %run_scoped3A_50 = tpu.sem_alloc : memref<!tpu.dma_semaphore, #tpu.memory_space<semaphore_mem>>
        %dma_start3A_51 = arith.constant 9480 : i32
        %dma_start3A_52 = arith.constant 0 : i32
        %dma_start3A_53 = tpu.memref_slice %arg6[%arg0, %dma_start3A_51, %dma_start3A_52] : memref<2x10000x64xf32, #tpu.memory_space<hbm>> -> memref<1x520x64xf32, #tpu.memory_space<hbm>>
        %dma_start3A_54 = tpu.memref_squeeze %dma_start3A_53 : memref<1x520x64xf32, #tpu.memory_space<hbm>> -> memref<520x64xf32, #tpu.memory_space<hbm>>
        %dma_start3A_55 = arith.constant 9480 : i32
        %dma_start3A_56 = arith.constant 0 : i32
        %dma_start3A_57 = tpu.memref_slice %arg13[%dma_start3A_55, %dma_start3A_56] : memref<10112x64xf32, #tpu.memory_space<vmem_shared>> -> memref<520x64xf32, #tpu.memory_space<vmem_shared>>
        tpu.enqueue_dma source(%dma_start3A_57 : memref<520x64xf32, #tpu.memory_space<vmem_shared>>) target(%dma_start3A_54 : memref<520x64xf32, #tpu.memory_space<hbm>>) target_semaphore(%run_scoped3A_50 : memref<!tpu.dma_semaphore, #tpu.memory_space<semaphore_mem>>)
        %dma_wait3A_58 = arith.constant 9480 : i32
        %dma_wait3A_59 = arith.constant 0 : i32
        %dma_wait3A_60 = tpu.memref_slice %arg6[%arg0, %dma_wait3A_58, %dma_wait3A_59] : memref<2x10000x64xf32, #tpu.memory_space<hbm>> -> memref<1x520x64xf32, #tpu.memory_space<hbm>>
        %dma_wait3A_61 = tpu.memref_squeeze %dma_wait3A_60 : memref<1x520x64xf32, #tpu.memory_space<hbm>> -> memref<520x64xf32, #tpu.memory_space<hbm>>
        %dma_wait3A_62 = arith.constant 9480 : i32
        %dma_wait3A_63 = arith.constant 0 : i32
        %dma_wait3A_64 = tpu.memref_slice %arg13[%dma_wait3A_62, %dma_wait3A_63] : memref<10112x64xf32, #tpu.memory_space<vmem_shared>> -> memref<520x64xf32, #tpu.memory_space<vmem_shared>>
        tpu.wait_dma2 semaphore(%run_scoped3A_50 : memref<!tpu.dma_semaphore, #tpu.memory_space<semaphore_mem>>) src(%dma_wait3A_64 : memref<520x64xf32, #tpu.memory_space<vmem_shared>>) dst(%dma_wait3A_61 : memref<520x64xf32, #tpu.memory_space<hbm>>)
        tpu.yield
      }) : () -> ()
    } else {
    }
    return
  }
}

module attributes {stable_mosaic.version = 14 : i64} {
  func.func @_proj_body(%arg0: i32, %arg1: memref<2000x128xf32, #tpu.memory_space<vmem>>, %arg2: memref<128x64xf32, #tpu.memory_space<vmem>>, %arg3: memref<1x64xf32, #tpu.memory_space<vmem>>, %arg4: memref<2000x64xf32, #tpu.memory_space<vmem>>) attributes {dimension_semantics = [#tpu.dimension_semantics<arbitrary>], iteration_bounds = array<i64: 5>, scalar_prefetch = 0 : i64, scratch_operands = 0 : i64, tpu.core_type = #tpu.core_type<tc>, window_params = [{transform_indices = @transform_0, window_bounds = array<i64: 2000, 128>}, {pipeline_mode = #tpu.pipeline_mode<synchronous>, transform_indices = @transform_1, window_bounds = array<i64: 128, 64>}, {pipeline_mode = #tpu.pipeline_mode<synchronous>, transform_indices = @transform_2, window_bounds = array<i64: 1, 64>}, {transform_indices = @transform_3, window_bounds = array<i64: 2000, 64>}]} {
    %get3A = arith.constant 0 : index
    %get3A_0 = arith.constant 0 : index
    %get3A_1 = vector.load %arg1[%get3A, %get3A_0] : memref<2000x128xf32, #tpu.memory_space<vmem>>, vector<2000x128xf32>
    %get3A_2 = arith.constant 0 : index
    %get3A_3 = arith.constant 0 : index
    %get3A_4 = vector.load %arg2[%get3A_2, %get3A_3] : memref<128x64xf32, #tpu.memory_space<vmem>>, vector<128x64xf32>
    %dot_general3A = arith.constant dense<0.000000e+00> : vector<2000x64xf32>
    %dot_general3A_5 = tpu.matmul %get3A_1, %get3A_4, %dot_general3A {dimension_numbers = #tpu.dot_dimension_numbers<[1], [0], [0], [1], [0, 0, 1, 1], [], []>, transpose_lhs_hint = false} : vector<2000x128xf32>, vector<128x64xf32>, vector<2000x64xf32> -> vector<2000x64xf32>
    %get3A_6 = arith.constant 0 : index
    %get3A_7 = arith.constant 0 : index
    %get3A_8 = vector.load %arg3[%get3A_6, %get3A_7] : memref<1x64xf32, #tpu.memory_space<vmem>>, vector<1x64xf32>
    %add3A = vector.broadcast %get3A_8 : vector<1x64xf32> to vector<2000x64xf32>
    %add3A_9 = arith.addf %dot_general3A_5, %add3A : vector<2000x64xf32>
    %swap3A = arith.constant 0 : index
    %swap3A_10 = arith.constant 0 : index
    %swap3A_11 = vector.load %arg4[%swap3A, %swap3A_10] : memref<2000x64xf32, #tpu.memory_space<vmem>>, vector<2000x64xf32>
    tpu.vector_store %arg4[%swap3A, %swap3A_10], %add3A_9 {strides = array<i32>} : memref<2000x64xf32, #tpu.memory_space<vmem>>, vector<2000x64xf32>,
    return
  }
  func.func @transform_0(%arg0: i32) -> (i32, i32) {
    %c0_i32 = arith.constant 0 : i32
    %c0_i32_0 = arith.constant 0 : i32
    return %arg0, %c0_i32 : i32, i32
  }
  func.func @transform_1(%arg0: i32) -> (i32, i32) {
    %c0_i32 = arith.constant 0 : i32
    %c0_i32_0 = arith.constant 0 : i32
    %c0_i32_1 = arith.constant 0 : i32
    return %c0_i32, %c0_i32_0 : i32, i32
  }
  func.func @transform_2(%arg0: i32) -> (i32, i32) {
    %c0_i32 = arith.constant 0 : i32
    %c0_i32_0 = arith.constant 0 : i32
    %c0_i32_1 = arith.constant 0 : i32
    return %c0_i32, %c0_i32_0 : i32, i32
  }
  func.func @transform_3(%arg0: i32) -> (i32, i32) {
    %c0_i32 = arith.constant 0 : i32
    %c0_i32_0 = arith.constant 0 : i32
    return %arg0, %c0_i32 : i32, i32
  }
}

module attributes {stable_mosaic.version = 14 : i64} {
  func.func @_layer_body(%arg0: i32, %arg1: memref<2000x64xf32, #tpu.memory_space<vmem>>, %arg2: memref<2x2000x64xf32, #tpu.memory_space<vmem>>, %arg3: memref<2x2000x16xf32, #tpu.memory_space<vmem>>, %arg4: memref<2000x1xi32, #tpu.memory_space<vmem>>, %arg5: memref<64x64xf32, #tpu.memory_space<vmem>>, %arg6: memref<64x64xf32, #tpu.memory_space<vmem>>, %arg7: memref<1x64xf32, #tpu.memory_space<vmem>>, %arg8: memref<1x64xf32, #tpu.memory_space<vmem>>, %arg9: memref<1x64xf32, #tpu.memory_space<vmem>>, %arg10: memref<64x64xf32, #tpu.memory_space<vmem>>, %arg11: memref<2000x64xf32, #tpu.memory_space<vmem>>, %arg12: memref<64x64xf32, #tpu.memory_space<vmem>>) attributes {dimension_semantics = [#tpu.dimension_semantics<arbitrary>], iteration_bounds = array<i64: 5>, scalar_prefetch = 0 : i64, scratch_operands = 0 : i64, tpu.core_type = #tpu.core_type<tc>, window_params = [{transform_indices = @transform_0, window_bounds = array<i64: 2000, 64>}, {transform_indices = @transform_1, window_bounds = array<i64: 2, 2000, 64>}, {transform_indices = @transform_2, window_bounds = array<i64: 2, 2000, 16>}, {transform_indices = @transform_3, window_bounds = array<i64: 2000, 1>}, {pipeline_mode = #tpu.pipeline_mode<synchronous>, transform_indices = @transform_4, window_bounds = array<i64: 64, 64>}, {pipeline_mode = #tpu.pipeline_mode<synchronous>, transform_indices = @transform_5, window_bounds = array<i64: 64, 64>}, {pipeline_mode = #tpu.pipeline_mode<synchronous>, transform_indices = @transform_6, window_bounds = array<i64: 1, 64>}, {pipeline_mode = #tpu.pipeline_mode<synchronous>, transform_indices = @transform_7, window_bounds = array<i64: 1, 64>}, {pipeline_mode = #tpu.pipeline_mode<synchronous>, transform_indices = @transform_8, window_bounds = array<i64: 1, 64>}, {pipeline_mode = #tpu.pipeline_mode<synchronous>, transform_indices = @transform_9, window_bounds = array<i64: 64, 64>}, {transform_indices = @transform_10, window_bounds = array<i64: 2000, 64>}, {pipeline_mode = #tpu.pipeline_mode<synchronous>, transform_indices = @transform_11, window_bounds = array<i64: 64, 64>}]} {
    %get3A = arith.constant 0 : index
    %get3A_0 = arith.constant 0 : index
    %get3A_1 = vector.load %arg1[%get3A, %get3A_0] : memref<2000x64xf32, #tpu.memory_space<vmem>>, vector<2000x64xf32>
    %get3A_2 = arith.constant 0 : index
    %get3A_3 = arith.constant 0 : index
    %get3A_4 = arith.constant 0 : index
    %get3A_5 = vector.load %arg2[%get3A_2, %get3A_3, %get3A_4] : memref<2x2000x64xf32, #tpu.memory_space<vmem>>, vector<1x2000x64xf32>
    %get3A_6 = vector.shape_cast %get3A_5 : vector<1x2000x64xf32> to vector<2000x64xf32>
    %get3A_7 = arith.constant 1 : index
    %get3A_8 = arith.constant 0 : index
    %get3A_9 = arith.constant 0 : index
    %get3A_10 = vector.load %arg2[%get3A_7, %get3A_8, %get3A_9] : memref<2x2000x64xf32, #tpu.memory_space<vmem>>, vector<1x2000x64xf32>
    %get3A_11 = vector.shape_cast %get3A_10 : vector<1x2000x64xf32> to vector<2000x64xf32>
    %add3A = arith.addf %get3A_6, %get3A_11 : vector<2000x64xf32>
    %get3A_12 = arith.constant 0 : index
    %get3A_13 = arith.constant 0 : index
    %get3A_14 = arith.constant 0 : index
    %get3A_15 = vector.load %arg3[%get3A_12, %get3A_13, %get3A_14] : memref<2x2000x16xf32, #tpu.memory_space<vmem>>, vector<1x2000x1xf32>
    %get3A_16 = vector.shape_cast %get3A_15 : vector<1x2000x1xf32> to vector<2000x1xf32>
    %get3A_17 = arith.constant 1 : index
    %get3A_18 = arith.constant 0 : index
    %get3A_19 = arith.constant 0 : index
    %get3A_20 = vector.load %arg3[%get3A_17, %get3A_18, %get3A_19] : memref<2x2000x16xf32, #tpu.memory_space<vmem>>, vector<1x2000x1xf32>
    %get3A_21 = vector.shape_cast %get3A_20 : vector<1x2000x1xf32> to vector<2000x1xf32>
    %add3A_22 = arith.addf %get3A_16, %get3A_21 : vector<2000x1xf32>
    %max3A = arith.constant 1.000000e+00 : f32
    %max3A_23 = vector.broadcast %max3A : f32 to vector<2000x1xf32>
    %max3A_24 = arith.maximumf %add3A_22, %max3A_23 : vector<2000x1xf32>
    %div3A = arith.constant 1.000000e+00 : f32
    %div3A_25 = vector.broadcast %div3A : f32 to vector<2000x1xf32>
    %div3A_26 = arith.divf %div3A_25, %max3A_24 : vector<2000x1xf32>
    %get3A_27 = arith.constant 0 : index
    %get3A_28 = arith.constant 0 : index
    %get3A_29 = vector.load %arg5[%get3A_27, %get3A_28] : memref<64x64xf32, #tpu.memory_space<vmem>>, vector<64x64xf32>
    %dot_general3A = arith.constant dense<0.000000e+00> : vector<2000x64xf32>
    %dot_general3A_30 = tpu.matmul %get3A_1, %get3A_29, %dot_general3A {dimension_numbers = #tpu.dot_dimension_numbers<[1], [0], [0], [1], [0, 0, 1, 1], [], []>, transpose_lhs_hint = false} : vector<2000x64xf32>, vector<64x64xf32>, vector<2000x64xf32> -> vector<2000x64xf32>
    %mul3A = vector.broadcast %div3A_26 : vector<2000x1xf32> to vector<2000x64xf32>
    %mul3A_31 = arith.mulf %add3A, %mul3A : vector<2000x64xf32>
    %get3A_32 = arith.constant 0 : index
    %get3A_33 = arith.constant 0 : index
    %get3A_34 = vector.load %arg6[%get3A_32, %get3A_33] : memref<64x64xf32, #tpu.memory_space<vmem>>, vector<64x64xf32>
    %dot_general3A_35 = arith.constant dense<0.000000e+00> : vector<2000x64xf32>
    %dot_general3A_36 = tpu.matmul %mul3A_31, %get3A_34, %dot_general3A_35 {dimension_numbers = #tpu.dot_dimension_numbers<[1], [0], [0], [1], [0, 0, 1, 1], [], []>, transpose_lhs_hint = false} : vector<2000x64xf32>, vector<64x64xf32>, vector<2000x64xf32> -> vector<2000x64xf32>
    %add3A_37 = arith.addf %dot_general3A_30, %dot_general3A_36 : vector<2000x64xf32>
    %get3A_38 = arith.constant 0 : index
    %get3A_39 = arith.constant 0 : index
    %get3A_40 = vector.load %arg7[%get3A_38, %get3A_39] : memref<1x64xf32, #tpu.memory_space<vmem>>, vector<1x64xf32>
    %add3A_41 = vector.broadcast %get3A_40 : vector<1x64xf32> to vector<2000x64xf32>
    %add3A_42 = arith.addf %add3A_37, %add3A_41 : vector<2000x64xf32>
    %iota3A = tpu.iota {dimensions = array<i32: 1>} : vector<2000x64xi32>
    %get3A_43 = arith.constant 0 : index
    %get3A_44 = arith.constant 0 : index
    %get3A_45 = vector.load %arg4[%get3A_43, %get3A_44] : memref<2000x1xi32, #tpu.memory_space<vmem>>, vector<2000x1xi32>
    %eq3A = vector.broadcast %get3A_45 : vector<2000x1xi32> to vector<2000x64xi32>
    %eq3A_46 = arith.cmpi eq, %eq3A, %iota3A : vector<2000x64xi32>
    %convert_element_type3A = arith.extui %eq3A_46 : vector<2000x64xi1> to vector<2000x64xi32>
    %convert_element_type3A_47 = arith.sitofp %convert_element_type3A : vector<2000x64xi32> to vector<2000x64xf32>
    %dot_general3A_48 = arith.constant dense<0.000000e+00> : vector<64x64xf32>
    %dot_general3A_49 = tpu.matmul %convert_element_type3A_47, %add3A_42, %dot_general3A_48 {dimension_numbers = #tpu.dot_dimension_numbers<[0], [0], [1], [1], [0, 1, 1, 1], [], []>, transpose_lhs_hint = false} : vector<2000x64xf32>, vector<2000x64xf32>, vector<64x64xf32> -> vector<64x64xf32>
    %eq3A_50 = arith.constant 0 : i32
    %eq3A_51 = arith.cmpi eq, %arg0, %eq3A_50 : i32
    %convert_element_type3A_52 = arith.extui %eq3A_51 : i1 to i32
    %cond3A = arith.constant 0 : i32
    %cond3A_53 = arith.cmpi ne, %convert_element_type3A_52, %cond3A : i32
    scf.if %cond3A_53 {
      %swap3A_100 = arith.constant 0 : index
      %swap3A_101 = arith.constant 0 : index
      %swap3A_102 = vector.load %arg12[%swap3A_100, %swap3A_101] : memref<64x64xf32, #tpu.memory_space<vmem>>, vector<64x64xf32>
      tpu.vector_store %arg12[%swap3A_100, %swap3A_101], %dot_general3A_49 {strides = array<i32>} : memref<64x64xf32, #tpu.memory_space<vmem>>, vector<64x64xf32>,
    } else {
    }
    %gt3A = arith.constant 0 : i32
    %gt3A_54 = arith.cmpi sgt, %arg0, %gt3A : i32
    %convert_element_type3A_55 = arith.extui %gt3A_54 : i1 to i32
    %cond3A_56 = arith.constant 0 : i32
    %cond3A_57 = arith.cmpi ne, %convert_element_type3A_55, %cond3A_56 : i32
    scf.if %cond3A_57 {
      %get3A_100 = arith.constant 0 : index
      %get3A_101 = arith.constant 0 : index
      %get3A_102 = vector.load %arg12[%get3A_100, %get3A_101] : memref<64x64xf32, #tpu.memory_space<vmem>>, vector<64x64xf32>
      %add3A_103 = arith.addf %get3A_102, %dot_general3A_49 : vector<64x64xf32>
      %swap3A_104 = arith.constant 0 : index
      %swap3A_105 = arith.constant 0 : index
      %swap3A_106 = vector.load %arg12[%swap3A_104, %swap3A_105] : memref<64x64xf32, #tpu.memory_space<vmem>>, vector<64x64xf32>
      tpu.vector_store %arg12[%swap3A_104, %swap3A_105], %add3A_103 {strides = array<i32>} : memref<64x64xf32, #tpu.memory_space<vmem>>, vector<64x64xf32>,
    } else {
    }
    %add3A_58 = arith.addf %add3A_42, %get3A_1 : vector<2000x64xf32>
    %get3A_59 = arith.constant 0 : index
    %get3A_60 = arith.constant 0 : index
    %get3A_61 = vector.load %arg8[%get3A_59, %get3A_60] : memref<1x64xf32, #tpu.memory_space<vmem>>, vector<1x64xf32>
    %get3A_62 = arith.constant 0 : index
    %get3A_63 = arith.constant 0 : index
    %get3A_64 = vector.load %arg9[%get3A_62, %get3A_63] : memref<1x64xf32, #tpu.memory_space<vmem>>, vector<1x64xf32>
    %reduce_sum3A = arith.constant dense<0.000000e+00> : vector<2000xf32>
    %reduce_sum3A_65 = vector.multi_reduction <add>, %add3A_58, %reduce_sum3A [1] : vector<2000x64xf32> to vector<2000xf32>
    %broadcast_in_dim3A = vector.shape_cast %reduce_sum3A_65 : vector<2000xf32> to vector<2000x1xf32>
    %div3A_66 = arith.constant 6.400000e+01 : f32
    %div3A_67 = vector.broadcast %div3A_66 : f32 to vector<2000x1xf32>
    %div3A_68 = arith.divf %broadcast_in_dim3A, %div3A_67 : vector<2000x1xf32>
    %sub3A = vector.broadcast %div3A_68 : vector<2000x1xf32> to vector<2000x64xf32>
    %sub3A_69 = arith.subf %add3A_58, %sub3A : vector<2000x64xf32>
    %sub3A_70 = vector.broadcast %div3A_68 : vector<2000x1xf32> to vector<2000x64xf32>
    %sub3A_71 = arith.subf %add3A_58, %sub3A_70 : vector<2000x64xf32>
    %mul3A_72 = arith.mulf %sub3A_69, %sub3A_71 : vector<2000x64xf32>
    %reduce_sum3A_73 = arith.constant dense<0.000000e+00> : vector<2000xf32>
    %reduce_sum3A_74 = vector.multi_reduction <add>, %mul3A_72, %reduce_sum3A_73 [1] : vector<2000x64xf32> to vector<2000xf32>
    %broadcast_in_dim3A_75 = vector.shape_cast %reduce_sum3A_74 : vector<2000xf32> to vector<2000x1xf32>
    %div3A_76 = arith.constant 6.400000e+01 : f32
    %div3A_77 = vector.broadcast %div3A_76 : f32 to vector<2000x1xf32>
    %div3A_78 = arith.divf %broadcast_in_dim3A_75, %div3A_77 : vector<2000x1xf32>
    %sub3A_79 = vector.broadcast %div3A_68 : vector<2000x1xf32> to vector<2000x64xf32>
    %sub3A_80 = arith.subf %add3A_58, %sub3A_79 : vector<2000x64xf32>
    %add3A_81 = arith.constant 9.99999974E-6 : f32
    %add3A_82 = vector.broadcast %add3A_81 : f32 to vector<2000x1xf32>
    %add3A_83 = arith.addf %div3A_78, %add3A_82 : vector<2000x1xf32>
    %sqrt3A = math.sqrt %add3A_83 : vector<2000x1xf32>
    %div3A_84 = vector.broadcast %sqrt3A : vector<2000x1xf32> to vector<2000x64xf32>
    %div3A_85 = arith.divf %sub3A_80, %div3A_84 : vector<2000x64xf32>
    %mul3A_86 = vector.broadcast %get3A_61 : vector<1x64xf32> to vector<2000x64xf32>
    %mul3A_87 = arith.mulf %div3A_85, %mul3A_86 : vector<2000x64xf32>
    %add3A_88 = vector.broadcast %get3A_64 : vector<1x64xf32> to vector<2000x64xf32>
    %add3A_89 = arith.addf %mul3A_87, %add3A_88 : vector<2000x64xf32>
    %max3A_90 = arith.constant 0.000000e+00 : f32
    %max3A_91 = vector.broadcast %max3A_90 : f32 to vector<2000x64xf32>
    %max3A_92 = arith.maximumf %add3A_89, %max3A_91 : vector<2000x64xf32>
    %swap3A = arith.constant 0 : index
    %swap3A_93 = arith.constant 0 : index
    %swap3A_94 = vector.load %arg11[%swap3A, %swap3A_93] : memref<2000x64xf32, #tpu.memory_space<vmem>>, vector<2000x64xf32>
    tpu.vector_store %arg11[%swap3A, %swap3A_93], %max3A_92 {strides = array<i32>} : memref<2000x64xf32, #tpu.memory_space<vmem>>, vector<2000x64xf32>,
    %eq3A_95 = arith.constant 4 : i32
    %eq3A_96 = arith.cmpi eq, %arg0, %eq3A_95 : i32
    %convert_element_type3A_97 = arith.extui %eq3A_96 : i1 to i32
    %cond3A_98 = arith.constant 0 : i32
    %cond3A_99 = arith.cmpi ne, %convert_element_type3A_97, %cond3A_98 : i32
    scf.if %cond3A_99 {
      %get3A_100 = arith.constant 0 : index
      %get3A_101 = arith.constant 0 : index
      %get3A_102 = vector.load %arg12[%get3A_100, %get3A_101] : memref<64x64xf32, #tpu.memory_space<vmem>>, vector<64x64xf32>
      %get3A_103 = arith.constant 0 : index
      %get3A_104 = arith.constant 0 : index
      %get3A_105 = vector.load %arg10[%get3A_103, %get3A_104] : memref<64x64xf32, #tpu.memory_space<vmem>>, vector<64x64xf32>
      %add3A_106 = arith.addf %get3A_102, %get3A_105 : vector<64x64xf32>
      %get3A_107 = arith.constant 0 : index
      %get3A_108 = arith.constant 0 : index
      %get3A_109 = vector.load %arg8[%get3A_107, %get3A_108] : memref<1x64xf32, #tpu.memory_space<vmem>>, vector<1x64xf32>
      %get3A_110 = arith.constant 0 : index
      %get3A_111 = arith.constant 0 : index
      %get3A_112 = vector.load %arg9[%get3A_110, %get3A_111] : memref<1x64xf32, #tpu.memory_space<vmem>>, vector<1x64xf32>
      %reduce_sum3A_113 = arith.constant dense<0.000000e+00> : vector<64xf32>
      %reduce_sum3A_114 = vector.multi_reduction <add>, %add3A_106, %reduce_sum3A_113 [1] : vector<64x64xf32> to vector<64xf32>
      %broadcast_in_dim3A_115 = vector.shape_cast %reduce_sum3A_114 : vector<64xf32> to vector<64x1xf32>
      %div3A_116 = arith.constant 6.400000e+01 : f32
      %div3A_117 = vector.broadcast %div3A_116 : f32 to vector<64x1xf32>
      %div3A_118 = arith.divf %broadcast_in_dim3A_115, %div3A_117 : vector<64x1xf32>
      %sub3A_119 = vector.broadcast %div3A_118 : vector<64x1xf32> to vector<64x64xf32>
      %sub3A_120 = arith.subf %add3A_106, %sub3A_119 : vector<64x64xf32>
      %sub3A_121 = vector.broadcast %div3A_118 : vector<64x1xf32> to vector<64x64xf32>
      %sub3A_122 = arith.subf %add3A_106, %sub3A_121 : vector<64x64xf32>
      %mul3A_123 = arith.mulf %sub3A_120, %sub3A_122 : vector<64x64xf32>
      %reduce_sum3A_124 = arith.constant dense<0.000000e+00> : vector<64xf32>
      %reduce_sum3A_125 = vector.multi_reduction <add>, %mul3A_123, %reduce_sum3A_124 [1] : vector<64x64xf32> to vector<64xf32>
      %broadcast_in_dim3A_126 = vector.shape_cast %reduce_sum3A_125 : vector<64xf32> to vector<64x1xf32>
      %div3A_127 = arith.constant 6.400000e+01 : f32
      %div3A_128 = vector.broadcast %div3A_127 : f32 to vector<64x1xf32>
      %div3A_129 = arith.divf %broadcast_in_dim3A_126, %div3A_128 : vector<64x1xf32>
      %sub3A_130 = vector.broadcast %div3A_118 : vector<64x1xf32> to vector<64x64xf32>
      %sub3A_131 = arith.subf %add3A_106, %sub3A_130 : vector<64x64xf32>
      %add3A_132 = arith.constant 9.99999974E-6 : f32
      %add3A_133 = vector.broadcast %add3A_132 : f32 to vector<64x1xf32>
      %add3A_134 = arith.addf %div3A_129, %add3A_133 : vector<64x1xf32>
      %sqrt3A_135 = math.sqrt %add3A_134 : vector<64x1xf32>
      %div3A_136 = vector.broadcast %sqrt3A_135 : vector<64x1xf32> to vector<64x64xf32>
      %div3A_137 = arith.divf %sub3A_131, %div3A_136 : vector<64x64xf32>
      %mul3A_138 = vector.broadcast %get3A_109 : vector<1x64xf32> to vector<64x64xf32>
      %mul3A_139 = arith.mulf %div3A_137, %mul3A_138 : vector<64x64xf32>
      %add3A_140 = vector.broadcast %get3A_112 : vector<1x64xf32> to vector<64x64xf32>
      %add3A_141 = arith.addf %mul3A_139, %add3A_140 : vector<64x64xf32>
      %get3A_142 = arith.constant 0 : index
      %get3A_143 = arith.constant 0 : index
      %get3A_144 = vector.load %arg8[%get3A_142, %get3A_143] : memref<1x64xf32, #tpu.memory_space<vmem>>, vector<1x64xf32>
      %get3A_145 = arith.constant 0 : index
      %get3A_146 = arith.constant 0 : index
      %get3A_147 = vector.load %arg9[%get3A_145, %get3A_146] : memref<1x64xf32, #tpu.memory_space<vmem>>, vector<1x64xf32>
      %reduce_sum3A_148 = arith.constant dense<0.000000e+00> : vector<64xf32>
      %reduce_sum3A_149 = vector.multi_reduction <add>, %add3A_141, %reduce_sum3A_148 [1] : vector<64x64xf32> to vector<64xf32>
      %broadcast_in_dim3A_150 = vector.shape_cast %reduce_sum3A_149 : vector<64xf32> to vector<64x1xf32>
      %div3A_151 = arith.constant 6.400000e+01 : f32
      %div3A_152 = vector.broadcast %div3A_151 : f32 to vector<64x1xf32>
      %div3A_153 = arith.divf %broadcast_in_dim3A_150, %div3A_152 : vector<64x1xf32>
      %sub3A_154 = vector.broadcast %div3A_153 : vector<64x1xf32> to vector<64x64xf32>
      %sub3A_155 = arith.subf %add3A_141, %sub3A_154 : vector<64x64xf32>
      %sub3A_156 = vector.broadcast %div3A_153 : vector<64x1xf32> to vector<64x64xf32>
      %sub3A_157 = arith.subf %add3A_141, %sub3A_156 : vector<64x64xf32>
      %mul3A_158 = arith.mulf %sub3A_155, %sub3A_157 : vector<64x64xf32>
      %reduce_sum3A_159 = arith.constant dense<0.000000e+00> : vector<64xf32>
      %reduce_sum3A_160 = vector.multi_reduction <add>, %mul3A_158, %reduce_sum3A_159 [1] : vector<64x64xf32> to vector<64xf32>
      %broadcast_in_dim3A_161 = vector.shape_cast %reduce_sum3A_160 : vector<64xf32> to vector<64x1xf32>
      %div3A_162 = arith.constant 6.400000e+01 : f32
      %div3A_163 = vector.broadcast %div3A_162 : f32 to vector<64x1xf32>
      %div3A_164 = arith.divf %broadcast_in_dim3A_161, %div3A_163 : vector<64x1xf32>
      %sub3A_165 = vector.broadcast %div3A_153 : vector<64x1xf32> to vector<64x64xf32>
      %sub3A_166 = arith.subf %add3A_141, %sub3A_165 : vector<64x64xf32>
      %add3A_167 = arith.constant 9.99999974E-6 : f32
      %add3A_168 = vector.broadcast %add3A_167 : f32 to vector<64x1xf32>
      %add3A_169 = arith.addf %div3A_164, %add3A_168 : vector<64x1xf32>
      %sqrt3A_170 = math.sqrt %add3A_169 : vector<64x1xf32>
      %div3A_171 = vector.broadcast %sqrt3A_170 : vector<64x1xf32> to vector<64x64xf32>
      %div3A_172 = arith.divf %sub3A_166, %div3A_171 : vector<64x64xf32>
      %mul3A_173 = vector.broadcast %get3A_144 : vector<1x64xf32> to vector<64x64xf32>
      %mul3A_174 = arith.mulf %div3A_172, %mul3A_173 : vector<64x64xf32>
      %add3A_175 = vector.broadcast %get3A_147 : vector<1x64xf32> to vector<64x64xf32>
      %add3A_176 = arith.addf %mul3A_174, %add3A_175 : vector<64x64xf32>
      %swap3A_177 = arith.constant 0 : index
      %swap3A_178 = arith.constant 0 : index
      %swap3A_179 = vector.load %arg12[%swap3A_177, %swap3A_178] : memref<64x64xf32, #tpu.memory_space<vmem>>, vector<64x64xf32>
      tpu.vector_store %arg12[%swap3A_177, %swap3A_178], %add3A_176 {strides = array<i32>} : memref<64x64xf32, #tpu.memory_space<vmem>>, vector<64x64xf32>,
    } else {
    }
    return
  }
  func.func @transform_0(%arg0: i32) -> (i32, i32) {
    %c0_i32 = arith.constant 0 : i32
    %c0_i32_0 = arith.constant 0 : i32
    return %arg0, %c0_i32 : i32, i32
  }
  func.func @transform_1(%arg0: i32) -> (i32, i32, i32) {
    %c0_i32 = arith.constant 0 : i32
    %c0_i32_0 = arith.constant 0 : i32
    %c0_i32_1 = arith.constant 0 : i32
    return %c0_i32, %arg0, %c0_i32_0 : i32, i32, i32
  }
  func.func @transform_2(%arg0: i32) -> (i32, i32, i32) {
    %c0_i32 = arith.constant 0 : i32
    %c0_i32_0 = arith.constant 0 : i32
    %c0_i32_1 = arith.constant 0 : i32
    return %c0_i32, %arg0, %c0_i32_0 : i32, i32, i32
  }
  func.func @transform_3(%arg0: i32) -> (i32, i32) {
    %c0_i32 = arith.constant 0 : i32
    %c0_i32_0 = arith.constant 0 : i32
    return %arg0, %c0_i32 : i32, i32
  }
  func.func @transform_4(%arg0: i32) -> (i32, i32) {
    %c0_i32 = arith.constant 0 : i32
    %c0_i32_0 = arith.constant 0 : i32
    %c0_i32_1 = arith.constant 0 : i32
    return %c0_i32, %c0_i32_0 : i32, i32
  }
  func.func @transform_5(%arg0: i32) -> (i32, i32) {
    %c0_i32 = arith.constant 0 : i32
    %c0_i32_0 = arith.constant 0 : i32
    %c0_i32_1 = arith.constant 0 : i32
    return %c0_i32, %c0_i32_0 : i32, i32
  }
  func.func @transform_6(%arg0: i32) -> (i32, i32) {
    %c0_i32 = arith.constant 0 : i32
    %c0_i32_0 = arith.constant 0 : i32
    %c0_i32_1 = arith.constant 0 : i32
    return %c0_i32, %c0_i32_0 : i32, i32
  }
  func.func @transform_7(%arg0: i32) -> (i32, i32) {
    %c0_i32 = arith.constant 0 : i32
    %c0_i32_0 = arith.constant 0 : i32
    %c0_i32_1 = arith.constant 0 : i32
    return %c0_i32, %c0_i32_0 : i32, i32
  }
  func.func @transform_8(%arg0: i32) -> (i32, i32) {
    %c0_i32 = arith.constant 0 : i32
    %c0_i32_0 = arith.constant 0 : i32
    %c0_i32_1 = arith.constant 0 : i32
    return %c0_i32, %c0_i32_0 : i32, i32
  }
  func.func @transform_9(%arg0: i32) -> (i32, i32) {
    %c0_i32 = arith.constant 0 : i32
    %c0_i32_0 = arith.constant 0 : i32
    %c0_i32_1 = arith.constant 0 : i32
    return %c0_i32, %c0_i32_0 : i32, i32
  }
  func.func @transform_10(%arg0: i32) -> (i32, i32) {
    %c0_i32 = arith.constant 0 : i32
    %c0_i32_0 = arith.constant 0 : i32
    return %arg0, %c0_i32 : i32, i32
  }
  func.func @transform_11(%arg0: i32) -> (i32, i32) {
    %c0_i32 = arith.constant 0 : i32
    %c0_i32_0 = arith.constant 0 : i32
    %c0_i32_1 = arith.constant 0 : i32
    return %c0_i32, %c0_i32_0 : i32, i32
  }
}

module attributes {stable_mosaic.version = 14 : i64} {
  func.func @_layer_body(%arg0: i32, %arg1: memref<2000x64xf32, #tpu.memory_space<vmem>>, %arg2: memref<2x2000x64xf32, #tpu.memory_space<vmem>>, %arg3: memref<2x2000x16xf32, #tpu.memory_space<vmem>>, %arg4: memref<2000x1xi32, #tpu.memory_space<vmem>>, %arg5: memref<64x64xf32, #tpu.memory_space<vmem>>, %arg6: memref<64x64xf32, #tpu.memory_space<vmem>>, %arg7: memref<1x64xf32, #tpu.memory_space<vmem>>, %arg8: memref<1x64xf32, #tpu.memory_space<vmem>>, %arg9: memref<1x64xf32, #tpu.memory_space<vmem>>, %arg10: memref<64x64xf32, #tpu.memory_space<vmem>>, %arg11: memref<2000x64xf32, #tpu.memory_space<vmem>>, %arg12: memref<64x64xf32, #tpu.memory_space<vmem>>) attributes {dimension_semantics = [#tpu.dimension_semantics<arbitrary>], iteration_bounds = array<i64: 5>, scalar_prefetch = 0 : i64, scratch_operands = 0 : i64, tpu.core_type = #tpu.core_type<tc>, window_params = [{transform_indices = @transform_0, window_bounds = array<i64: 2000, 64>}, {transform_indices = @transform_1, window_bounds = array<i64: 2, 2000, 64>}, {transform_indices = @transform_2, window_bounds = array<i64: 2, 2000, 16>}, {transform_indices = @transform_3, window_bounds = array<i64: 2000, 1>}, {pipeline_mode = #tpu.pipeline_mode<synchronous>, transform_indices = @transform_4, window_bounds = array<i64: 64, 64>}, {pipeline_mode = #tpu.pipeline_mode<synchronous>, transform_indices = @transform_5, window_bounds = array<i64: 64, 64>}, {pipeline_mode = #tpu.pipeline_mode<synchronous>, transform_indices = @transform_6, window_bounds = array<i64: 1, 64>}, {pipeline_mode = #tpu.pipeline_mode<synchronous>, transform_indices = @transform_7, window_bounds = array<i64: 1, 64>}, {pipeline_mode = #tpu.pipeline_mode<synchronous>, transform_indices = @transform_8, window_bounds = array<i64: 1, 64>}, {pipeline_mode = #tpu.pipeline_mode<synchronous>, transform_indices = @transform_9, window_bounds = array<i64: 64, 64>}, {transform_indices = @transform_10, window_bounds = array<i64: 2000, 64>}, {pipeline_mode = #tpu.pipeline_mode<synchronous>, transform_indices = @transform_11, window_bounds = array<i64: 64, 64>}]} {
    %get3A = arith.constant 0 : index
    %get3A_0 = arith.constant 0 : index
    %get3A_1 = vector.load %arg1[%get3A, %get3A_0] : memref<2000x64xf32, #tpu.memory_space<vmem>>, vector<2000x64xf32>
    %get3A_2 = arith.constant 0 : index
    %get3A_3 = arith.constant 0 : index
    %get3A_4 = arith.constant 0 : index
    %get3A_5 = vector.load %arg2[%get3A_2, %get3A_3, %get3A_4] : memref<2x2000x64xf32, #tpu.memory_space<vmem>>, vector<1x2000x64xf32>
    %get3A_6 = vector.shape_cast %get3A_5 : vector<1x2000x64xf32> to vector<2000x64xf32>
    %get3A_7 = arith.constant 1 : index
    %get3A_8 = arith.constant 0 : index
    %get3A_9 = arith.constant 0 : index
    %get3A_10 = vector.load %arg2[%get3A_7, %get3A_8, %get3A_9] : memref<2x2000x64xf32, #tpu.memory_space<vmem>>, vector<1x2000x64xf32>
    %get3A_11 = vector.shape_cast %get3A_10 : vector<1x2000x64xf32> to vector<2000x64xf32>
    %add3A = arith.addf %get3A_6, %get3A_11 : vector<2000x64xf32>
    %get3A_12 = arith.constant 0 : index
    %get3A_13 = arith.constant 0 : index
    %get3A_14 = arith.constant 0 : index
    %get3A_15 = vector.load %arg3[%get3A_12, %get3A_13, %get3A_14] : memref<2x2000x16xf32, #tpu.memory_space<vmem>>, vector<1x2000x1xf32>
    %get3A_16 = vector.shape_cast %get3A_15 : vector<1x2000x1xf32> to vector<2000x1xf32>
    %get3A_17 = arith.constant 1 : index
    %get3A_18 = arith.constant 0 : index
    %get3A_19 = arith.constant 0 : index
    %get3A_20 = vector.load %arg3[%get3A_17, %get3A_18, %get3A_19] : memref<2x2000x16xf32, #tpu.memory_space<vmem>>, vector<1x2000x1xf32>
    %get3A_21 = vector.shape_cast %get3A_20 : vector<1x2000x1xf32> to vector<2000x1xf32>
    %add3A_22 = arith.addf %get3A_16, %get3A_21 : vector<2000x1xf32>
    %max3A = arith.constant 1.000000e+00 : f32
    %max3A_23 = vector.broadcast %max3A : f32 to vector<2000x1xf32>
    %max3A_24 = arith.maximumf %add3A_22, %max3A_23 : vector<2000x1xf32>
    %div3A = arith.constant 1.000000e+00 : f32
    %div3A_25 = vector.broadcast %div3A : f32 to vector<2000x1xf32>
    %div3A_26 = arith.divf %div3A_25, %max3A_24 : vector<2000x1xf32>
    %get3A_27 = arith.constant 0 : index
    %get3A_28 = arith.constant 0 : index
    %get3A_29 = vector.load %arg5[%get3A_27, %get3A_28] : memref<64x64xf32, #tpu.memory_space<vmem>>, vector<64x64xf32>
    %dot_general3A = arith.constant dense<0.000000e+00> : vector<2000x64xf32>
    %dot_general3A_30 = tpu.matmul %get3A_1, %get3A_29, %dot_general3A {dimension_numbers = #tpu.dot_dimension_numbers<[1], [0], [0], [1], [0, 0, 1, 1], [], []>, transpose_lhs_hint = false} : vector<2000x64xf32>, vector<64x64xf32>, vector<2000x64xf32> -> vector<2000x64xf32>
    %mul3A = vector.broadcast %div3A_26 : vector<2000x1xf32> to vector<2000x64xf32>
    %mul3A_31 = arith.mulf %add3A, %mul3A : vector<2000x64xf32>
    %get3A_32 = arith.constant 0 : index
    %get3A_33 = arith.constant 0 : index
    %get3A_34 = vector.load %arg6[%get3A_32, %get3A_33] : memref<64x64xf32, #tpu.memory_space<vmem>>, vector<64x64xf32>
    %dot_general3A_35 = arith.constant dense<0.000000e+00> : vector<2000x64xf32>
    %dot_general3A_36 = tpu.matmul %mul3A_31, %get3A_34, %dot_general3A_35 {dimension_numbers = #tpu.dot_dimension_numbers<[1], [0], [0], [1], [0, 0, 1, 1], [], []>, transpose_lhs_hint = false} : vector<2000x64xf32>, vector<64x64xf32>, vector<2000x64xf32> -> vector<2000x64xf32>
    %add3A_37 = arith.addf %dot_general3A_30, %dot_general3A_36 : vector<2000x64xf32>
    %get3A_38 = arith.constant 0 : index
    %get3A_39 = arith.constant 0 : index
    %get3A_40 = vector.load %arg7[%get3A_38, %get3A_39] : memref<1x64xf32, #tpu.memory_space<vmem>>, vector<1x64xf32>
    %add3A_41 = vector.broadcast %get3A_40 : vector<1x64xf32> to vector<2000x64xf32>
    %add3A_42 = arith.addf %add3A_37, %add3A_41 : vector<2000x64xf32>
    %iota3A = tpu.iota {dimensions = array<i32: 1>} : vector<2000x64xi32>
    %get3A_43 = arith.constant 0 : index
    %get3A_44 = arith.constant 0 : index
    %get3A_45 = vector.load %arg4[%get3A_43, %get3A_44] : memref<2000x1xi32, #tpu.memory_space<vmem>>, vector<2000x1xi32>
    %eq3A = vector.broadcast %get3A_45 : vector<2000x1xi32> to vector<2000x64xi32>
    %eq3A_46 = arith.cmpi eq, %eq3A, %iota3A : vector<2000x64xi32>
    %convert_element_type3A = arith.extui %eq3A_46 : vector<2000x64xi1> to vector<2000x64xi32>
    %convert_element_type3A_47 = arith.sitofp %convert_element_type3A : vector<2000x64xi32> to vector<2000x64xf32>
    %dot_general3A_48 = arith.constant dense<0.000000e+00> : vector<64x64xf32>
    %dot_general3A_49 = tpu.matmul %convert_element_type3A_47, %add3A_42, %dot_general3A_48 {dimension_numbers = #tpu.dot_dimension_numbers<[0], [0], [1], [1], [0, 1, 1, 1], [], []>, transpose_lhs_hint = false} : vector<2000x64xf32>, vector<2000x64xf32>, vector<64x64xf32> -> vector<64x64xf32>
    %eq3A_50 = arith.constant 0 : i32
    %eq3A_51 = arith.cmpi eq, %arg0, %eq3A_50 : i32
    %convert_element_type3A_52 = arith.extui %eq3A_51 : i1 to i32
    %cond3A = arith.constant 0 : i32
    %cond3A_53 = arith.cmpi ne, %convert_element_type3A_52, %cond3A : i32
    scf.if %cond3A_53 {
      %swap3A_100 = arith.constant 0 : index
      %swap3A_101 = arith.constant 0 : index
      %swap3A_102 = vector.load %arg12[%swap3A_100, %swap3A_101] : memref<64x64xf32, #tpu.memory_space<vmem>>, vector<64x64xf32>
      tpu.vector_store %arg12[%swap3A_100, %swap3A_101], %dot_general3A_49 {strides = array<i32>} : memref<64x64xf32, #tpu.memory_space<vmem>>, vector<64x64xf32>,
    } else {
    }
    %gt3A = arith.constant 0 : i32
    %gt3A_54 = arith.cmpi sgt, %arg0, %gt3A : i32
    %convert_element_type3A_55 = arith.extui %gt3A_54 : i1 to i32
    %cond3A_56 = arith.constant 0 : i32
    %cond3A_57 = arith.cmpi ne, %convert_element_type3A_55, %cond3A_56 : i32
    scf.if %cond3A_57 {
      %get3A_100 = arith.constant 0 : index
      %get3A_101 = arith.constant 0 : index
      %get3A_102 = vector.load %arg12[%get3A_100, %get3A_101] : memref<64x64xf32, #tpu.memory_space<vmem>>, vector<64x64xf32>
      %add3A_103 = arith.addf %get3A_102, %dot_general3A_49 : vector<64x64xf32>
      %swap3A_104 = arith.constant 0 : index
      %swap3A_105 = arith.constant 0 : index
      %swap3A_106 = vector.load %arg12[%swap3A_104, %swap3A_105] : memref<64x64xf32, #tpu.memory_space<vmem>>, vector<64x64xf32>
      tpu.vector_store %arg12[%swap3A_104, %swap3A_105], %add3A_103 {strides = array<i32>} : memref<64x64xf32, #tpu.memory_space<vmem>>, vector<64x64xf32>,
    } else {
    }
    %add3A_58 = arith.addf %add3A_42, %get3A_1 : vector<2000x64xf32>
    %get3A_59 = arith.constant 0 : index
    %get3A_60 = arith.constant 0 : index
    %get3A_61 = vector.load %arg8[%get3A_59, %get3A_60] : memref<1x64xf32, #tpu.memory_space<vmem>>, vector<1x64xf32>
    %get3A_62 = arith.constant 0 : index
    %get3A_63 = arith.constant 0 : index
    %get3A_64 = vector.load %arg9[%get3A_62, %get3A_63] : memref<1x64xf32, #tpu.memory_space<vmem>>, vector<1x64xf32>
    %reduce_sum3A = arith.constant dense<0.000000e+00> : vector<2000xf32>
    %reduce_sum3A_65 = vector.multi_reduction <add>, %add3A_58, %reduce_sum3A [1] : vector<2000x64xf32> to vector<2000xf32>
    %broadcast_in_dim3A = vector.shape_cast %reduce_sum3A_65 : vector<2000xf32> to vector<2000x1xf32>
    %div3A_66 = arith.constant 6.400000e+01 : f32
    %div3A_67 = vector.broadcast %div3A_66 : f32 to vector<2000x1xf32>
    %div3A_68 = arith.divf %broadcast_in_dim3A, %div3A_67 : vector<2000x1xf32>
    %sub3A = vector.broadcast %div3A_68 : vector<2000x1xf32> to vector<2000x64xf32>
    %sub3A_69 = arith.subf %add3A_58, %sub3A : vector<2000x64xf32>
    %sub3A_70 = vector.broadcast %div3A_68 : vector<2000x1xf32> to vector<2000x64xf32>
    %sub3A_71 = arith.subf %add3A_58, %sub3A_70 : vector<2000x64xf32>
    %mul3A_72 = arith.mulf %sub3A_69, %sub3A_71 : vector<2000x64xf32>
    %reduce_sum3A_73 = arith.constant dense<0.000000e+00> : vector<2000xf32>
    %reduce_sum3A_74 = vector.multi_reduction <add>, %mul3A_72, %reduce_sum3A_73 [1] : vector<2000x64xf32> to vector<2000xf32>
    %broadcast_in_dim3A_75 = vector.shape_cast %reduce_sum3A_74 : vector<2000xf32> to vector<2000x1xf32>
    %div3A_76 = arith.constant 6.400000e+01 : f32
    %div3A_77 = vector.broadcast %div3A_76 : f32 to vector<2000x1xf32>
    %div3A_78 = arith.divf %broadcast_in_dim3A_75, %div3A_77 : vector<2000x1xf32>
    %sub3A_79 = vector.broadcast %div3A_68 : vector<2000x1xf32> to vector<2000x64xf32>
    %sub3A_80 = arith.subf %add3A_58, %sub3A_79 : vector<2000x64xf32>
    %add3A_81 = arith.constant 9.99999974E-6 : f32
    %add3A_82 = vector.broadcast %add3A_81 : f32 to vector<2000x1xf32>
    %add3A_83 = arith.addf %div3A_78, %add3A_82 : vector<2000x1xf32>
    %sqrt3A = math.sqrt %add3A_83 : vector<2000x1xf32>
    %div3A_84 = vector.broadcast %sqrt3A : vector<2000x1xf32> to vector<2000x64xf32>
    %div3A_85 = arith.divf %sub3A_80, %div3A_84 : vector<2000x64xf32>
    %mul3A_86 = vector.broadcast %get3A_61 : vector<1x64xf32> to vector<2000x64xf32>
    %mul3A_87 = arith.mulf %div3A_85, %mul3A_86 : vector<2000x64xf32>
    %add3A_88 = vector.broadcast %get3A_64 : vector<1x64xf32> to vector<2000x64xf32>
    %add3A_89 = arith.addf %mul3A_87, %add3A_88 : vector<2000x64xf32>
    %max3A_90 = arith.constant 0.000000e+00 : f32
    %max3A_91 = vector.broadcast %max3A_90 : f32 to vector<2000x64xf32>
    %max3A_92 = arith.maximumf %add3A_89, %max3A_91 : vector<2000x64xf32>
    %swap3A = arith.constant 0 : index
    %swap3A_93 = arith.constant 0 : index
    %swap3A_94 = vector.load %arg11[%swap3A, %swap3A_93] : memref<2000x64xf32, #tpu.memory_space<vmem>>, vector<2000x64xf32>
    tpu.vector_store %arg11[%swap3A, %swap3A_93], %max3A_92 {strides = array<i32>} : memref<2000x64xf32, #tpu.memory_space<vmem>>, vector<2000x64xf32>,
    %eq3A_95 = arith.constant 4 : i32
    %eq3A_96 = arith.cmpi eq, %arg0, %eq3A_95 : i32
    %convert_element_type3A_97 = arith.extui %eq3A_96 : i1 to i32
    %cond3A_98 = arith.constant 0 : i32
    %cond3A_99 = arith.cmpi ne, %convert_element_type3A_97, %cond3A_98 : i32
    scf.if %cond3A_99 {
      %get3A_100 = arith.constant 0 : index
      %get3A_101 = arith.constant 0 : index
      %get3A_102 = vector.load %arg12[%get3A_100, %get3A_101] : memref<64x64xf32, #tpu.memory_space<vmem>>, vector<64x64xf32>
      %get3A_103 = arith.constant 0 : index
      %get3A_104 = arith.constant 0 : index
      %get3A_105 = vector.load %arg10[%get3A_103, %get3A_104] : memref<64x64xf32, #tpu.memory_space<vmem>>, vector<64x64xf32>
      %add3A_106 = arith.addf %get3A_102, %get3A_105 : vector<64x64xf32>
      %get3A_107 = arith.constant 0 : index
      %get3A_108 = arith.constant 0 : index
      %get3A_109 = vector.load %arg8[%get3A_107, %get3A_108] : memref<1x64xf32, #tpu.memory_space<vmem>>, vector<1x64xf32>
      %get3A_110 = arith.constant 0 : index
      %get3A_111 = arith.constant 0 : index
      %get3A_112 = vector.load %arg9[%get3A_110, %get3A_111] : memref<1x64xf32, #tpu.memory_space<vmem>>, vector<1x64xf32>
      %reduce_sum3A_113 = arith.constant dense<0.000000e+00> : vector<64xf32>
      %reduce_sum3A_114 = vector.multi_reduction <add>, %add3A_106, %reduce_sum3A_113 [1] : vector<64x64xf32> to vector<64xf32>
      %broadcast_in_dim3A_115 = vector.shape_cast %reduce_sum3A_114 : vector<64xf32> to vector<64x1xf32>
      %div3A_116 = arith.constant 6.400000e+01 : f32
      %div3A_117 = vector.broadcast %div3A_116 : f32 to vector<64x1xf32>
      %div3A_118 = arith.divf %broadcast_in_dim3A_115, %div3A_117 : vector<64x1xf32>
      %sub3A_119 = vector.broadcast %div3A_118 : vector<64x1xf32> to vector<64x64xf32>
      %sub3A_120 = arith.subf %add3A_106, %sub3A_119 : vector<64x64xf32>
      %sub3A_121 = vector.broadcast %div3A_118 : vector<64x1xf32> to vector<64x64xf32>
      %sub3A_122 = arith.subf %add3A_106, %sub3A_121 : vector<64x64xf32>
      %mul3A_123 = arith.mulf %sub3A_120, %sub3A_122 : vector<64x64xf32>
      %reduce_sum3A_124 = arith.constant dense<0.000000e+00> : vector<64xf32>
      %reduce_sum3A_125 = vector.multi_reduction <add>, %mul3A_123, %reduce_sum3A_124 [1] : vector<64x64xf32> to vector<64xf32>
      %broadcast_in_dim3A_126 = vector.shape_cast %reduce_sum3A_125 : vector<64xf32> to vector<64x1xf32>
      %div3A_127 = arith.constant 6.400000e+01 : f32
      %div3A_128 = vector.broadcast %div3A_127 : f32 to vector<64x1xf32>
      %div3A_129 = arith.divf %broadcast_in_dim3A_126, %div3A_128 : vector<64x1xf32>
      %sub3A_130 = vector.broadcast %div3A_118 : vector<64x1xf32> to vector<64x64xf32>
      %sub3A_131 = arith.subf %add3A_106, %sub3A_130 : vector<64x64xf32>
      %add3A_132 = arith.constant 9.99999974E-6 : f32
      %add3A_133 = vector.broadcast %add3A_132 : f32 to vector<64x1xf32>
      %add3A_134 = arith.addf %div3A_129, %add3A_133 : vector<64x1xf32>
      %sqrt3A_135 = math.sqrt %add3A_134 : vector<64x1xf32>
      %div3A_136 = vector.broadcast %sqrt3A_135 : vector<64x1xf32> to vector<64x64xf32>
      %div3A_137 = arith.divf %sub3A_131, %div3A_136 : vector<64x64xf32>
      %mul3A_138 = vector.broadcast %get3A_109 : vector<1x64xf32> to vector<64x64xf32>
      %mul3A_139 = arith.mulf %div3A_137, %mul3A_138 : vector<64x64xf32>
      %add3A_140 = vector.broadcast %get3A_112 : vector<1x64xf32> to vector<64x64xf32>
      %add3A_141 = arith.addf %mul3A_139, %add3A_140 : vector<64x64xf32>
      %get3A_142 = arith.constant 0 : index
      %get3A_143 = arith.constant 0 : index
      %get3A_144 = vector.load %arg8[%get3A_142, %get3A_143] : memref<1x64xf32, #tpu.memory_space<vmem>>, vector<1x64xf32>
      %get3A_145 = arith.constant 0 : index
      %get3A_146 = arith.constant 0 : index
      %get3A_147 = vector.load %arg9[%get3A_145, %get3A_146] : memref<1x64xf32, #tpu.memory_space<vmem>>, vector<1x64xf32>
      %reduce_sum3A_148 = arith.constant dense<0.000000e+00> : vector<64xf32>
      %reduce_sum3A_149 = vector.multi_reduction <add>, %add3A_141, %reduce_sum3A_148 [1] : vector<64x64xf32> to vector<64xf32>
      %broadcast_in_dim3A_150 = vector.shape_cast %reduce_sum3A_149 : vector<64xf32> to vector<64x1xf32>
      %div3A_151 = arith.constant 6.400000e+01 : f32
      %div3A_152 = vector.broadcast %div3A_151 : f32 to vector<64x1xf32>
      %div3A_153 = arith.divf %broadcast_in_dim3A_150, %div3A_152 : vector<64x1xf32>
      %sub3A_154 = vector.broadcast %div3A_153 : vector<64x1xf32> to vector<64x64xf32>
      %sub3A_155 = arith.subf %add3A_141, %sub3A_154 : vector<64x64xf32>
      %sub3A_156 = vector.broadcast %div3A_153 : vector<64x1xf32> to vector<64x64xf32>
      %sub3A_157 = arith.subf %add3A_141, %sub3A_156 : vector<64x64xf32>
      %mul3A_158 = arith.mulf %sub3A_155, %sub3A_157 : vector<64x64xf32>
      %reduce_sum3A_159 = arith.constant dense<0.000000e+00> : vector<64xf32>
      %reduce_sum3A_160 = vector.multi_reduction <add>, %mul3A_158, %reduce_sum3A_159 [1] : vector<64x64xf32> to vector<64xf32>
      %broadcast_in_dim3A_161 = vector.shape_cast %reduce_sum3A_160 : vector<64xf32> to vector<64x1xf32>
      %div3A_162 = arith.constant 6.400000e+01 : f32
      %div3A_163 = vector.broadcast %div3A_162 : f32 to vector<64x1xf32>
      %div3A_164 = arith.divf %broadcast_in_dim3A_161, %div3A_163 : vector<64x1xf32>
      %sub3A_165 = vector.broadcast %div3A_153 : vector<64x1xf32> to vector<64x64xf32>
      %sub3A_166 = arith.subf %add3A_141, %sub3A_165 : vector<64x64xf32>
      %add3A_167 = arith.constant 9.99999974E-6 : f32
      %add3A_168 = vector.broadcast %add3A_167 : f32 to vector<64x1xf32>
      %add3A_169 = arith.addf %div3A_164, %add3A_168 : vector<64x1xf32>
      %sqrt3A_170 = math.sqrt %add3A_169 : vector<64x1xf32>
      %div3A_171 = vector.broadcast %sqrt3A_170 : vector<64x1xf32> to vector<64x64xf32>
      %div3A_172 = arith.divf %sub3A_166, %div3A_171 : vector<64x64xf32>
      %mul3A_173 = vector.broadcast %get3A_144 : vector<1x64xf32> to vector<64x64xf32>
      %mul3A_174 = arith.mulf %div3A_172, %mul3A_173 : vector<64x64xf32>
      %add3A_175 = vector.broadcast %get3A_147 : vector<1x64xf32> to vector<64x64xf32>
      %add3A_176 = arith.addf %mul3A_174, %add3A_175 : vector<64x64xf32>
      %swap3A_177 = arith.constant 0 : index
      %swap3A_178 = arith.constant 0 : index
      %swap3A_179 = vector.load %arg12[%swap3A_177, %swap3A_178] : memref<64x64xf32, #tpu.memory_space<vmem>>, vector<64x64xf32>
      tpu.vector_store %arg12[%swap3A_177, %swap3A_178], %add3A_176 {strides = array<i32>} : memref<64x64xf32, #tpu.memory_space<vmem>>, vector<64x64xf32>,
    } else {
    }
    return
  }
  func.func @transform_0(%arg0: i32) -> (i32, i32) {
    %c0_i32 = arith.constant 0 : i32
    %c0_i32_0 = arith.constant 0 : i32
    return %arg0, %c0_i32 : i32, i32
  }
  func.func @transform_1(%arg0: i32) -> (i32, i32, i32) {
    %c0_i32 = arith.constant 0 : i32
    %c0_i32_0 = arith.constant 0 : i32
    %c0_i32_1 = arith.constant 0 : i32
    return %c0_i32, %arg0, %c0_i32_0 : i32, i32, i32
  }
  func.func @transform_2(%arg0: i32) -> (i32, i32, i32) {
    %c0_i32 = arith.constant 0 : i32
    %c0_i32_0 = arith.constant 0 : i32
    %c0_i32_1 = arith.constant 0 : i32
    return %c0_i32, %arg0, %c0_i32_0 : i32, i32, i32
  }
  func.func @transform_3(%arg0: i32) -> (i32, i32) {
    %c0_i32 = arith.constant 0 : i32
    %c0_i32_0 = arith.constant 0 : i32
    return %arg0, %c0_i32 : i32, i32
  }
  func.func @transform_4(%arg0: i32) -> (i32, i32) {
    %c0_i32 = arith.constant 0 : i32
    %c0_i32_0 = arith.constant 0 : i32
    %c0_i32_1 = arith.constant 0 : i32
    return %c0_i32, %c0_i32_0 : i32, i32
  }
  func.func @transform_5(%arg0: i32) -> (i32, i32) {
    %c0_i32 = arith.constant 0 : i32
    %c0_i32_0 = arith.constant 0 : i32
    %c0_i32_1 = arith.constant 0 : i32
    return %c0_i32, %c0_i32_0 : i32, i32
  }
  func.func @transform_6(%arg0: i32) -> (i32, i32) {
    %c0_i32 = arith.constant 0 : i32
    %c0_i32_0 = arith.constant 0 : i32
    %c0_i32_1 = arith.constant 0 : i32
    return %c0_i32, %c0_i32_0 : i32, i32
  }
  func.func @transform_7(%arg0: i32) -> (i32, i32) {
    %c0_i32 = arith.constant 0 : i32
    %c0_i32_0 = arith.constant 0 : i32
    %c0_i32_1 = arith.constant 0 : i32
    return %c0_i32, %c0_i32_0 : i32, i32
  }
  func.func @transform_8(%arg0: i32) -> (i32, i32) {
    %c0_i32 = arith.constant 0 : i32
    %c0_i32_0 = arith.constant 0 : i32
    %c0_i32_1 = arith.constant 0 : i32
    return %c0_i32, %c0_i32_0 : i32, i32
  }
  func.func @transform_9(%arg0: i32) -> (i32, i32) {
    %c0_i32 = arith.constant 0 : i32
    %c0_i32_0 = arith.constant 0 : i32
    %c0_i32_1 = arith.constant 0 : i32
    return %c0_i32, %c0_i32_0 : i32, i32
  }
  func.func @transform_10(%arg0: i32) -> (i32, i32) {
    %c0_i32 = arith.constant 0 : i32
    %c0_i32_0 = arith.constant 0 : i32
    return %arg0, %c0_i32 : i32, i32
  }
  func.func @transform_11(%arg0: i32) -> (i32, i32) {
    %c0_i32 = arith.constant 0 : i32
    %c0_i32_0 = arith.constant 0 : i32
    %c0_i32_1 = arith.constant 0 : i32
    return %c0_i32, %c0_i32_0 : i32, i32
  }
}

</mosaic_0001>

<sc_bundles>
// kernel: kernel.10.cloned.1.call-start
scs
__scs_entry_jumppad:
0x0: {  	(pc) =	sbr.rel $0x88, $3  }
0x1: {  	(tag) =	ssettag $0x0;
	lr =	simm.s32 $0x1  }
0x2: {  	[smem:$0x3F97] =	sst lr;
	_ =	strace $0xD0000000  }
0x3: {  	_ = 	snop  }
0x4: {  	_ = 	snop  }
0x5: {  	_ = 	snop  }
0x6: {  	_ = 	snop  }
0x7: {  	_ = 	snop  }
__scs_overlays_trampoline_lowered:
0x8: {  	[smem:$0x3FA6] =	sst s0  }
0x9: {  	[smem:$0x3FA7] =	sst s1  }
0xa: {  	[smem:$0x3FA8] =	sst s2  }
0xb: {  	[smem:$0x3FA9] =	sst s3  }
0xc: {  	[smem:$0x3FAA] =	sst s4  }
0xd: {  	[smem:$0x3FAB] =	sst s5  }
0xe: {  	[smem:$0x3FAC] =	sst s6  }
0xf: {  	[smem:$0x3FAD] =	sst s7  }
0x10: {  	[smem:$0x3FAE] =	sst s8  }
0x11: {  	[smem:$0x3FAF] =	sst s9;
	s0 =	simm.s32 @!p0 $0x0  }
0x12: {  	s1 =	sld [smem:$0x3F95];
	s0 =	simm.s32 @p0 $0x1  }
0x13: {  	[smem:$0x3FB0] =	sst s0;
	s0 =	simm.s32 @!p1 $0x0  }
0x14: {  	s2 =	sld [smem:$0x3F94];
	s0 =	simm.s32 @p1 $0x1  }
0x15: {  	[smem:$0x3FB1] =	sst s0;
	s0 =	simm.s32 @!p2 $0x0  }
0x16: {  	s3 =	sld [smem:$0x3FDB];
	s0 =	simm.s32 @p2 $0x1  }
0x17: {  	s4 =	simm.s32 $0x1BF5;
	[smem:$0x3FB3] =	sst s0  }
0x18: {  	s0 =	sld [smem:$0x3F96];
	_ =	swait.ge [sflag:s4], $0x0  }
0x19: {  	s7 =	sld [smem:$0x3F97]  }
0x1a: {  	s8 =	sadd.s32 $0xFFFFE003, lr  }
0x1b: {  	s9 =	sadd.s32 $0xFFFFFEF7, lr;
	s5 =	simm.s32 $0xFFFFFFFF;
	p2 =	slt.u32 s8, $0xFFFFF086  }
0x1c: {  	p1 =	slt.u32 s9, $0xF7A;
	s5 =	simm.s32 @!p2 $0x0  }
0x1d: {  	s5 =	simm.s32 @p1 $0x1;
	p0 =	seq.s32 s7, s2  }
0x1e: {  	s7 =	smul.u32 @!p0 $0xF7A, s2;
	p2 =	seq.s32 @!p0 s5, $0x0  }
0x1f: {  	s9 =	smul.u32 $0xF7A, s1;
	s8 =	simm.s32 @!p0 $0x1BF5;
	p2 =	por !p2, p0  }
0x20: {  	[sflag:s8] =	ssyncset.s32 @!p0 $0xFFFFF086;
	s6 =	sadd.s32 @!p0 s3, s7;
	s7 =	simm.s32 @!p0 $0x108  }
0x21: {  	s3 =	sadd.s32 s3, s9;
	s6 =	sadd.s32 @!p0 $0x88, s6;
	s7 =	simm.s32 @p2 $0x1082  }
0x22: {  	[simem:s7], [sflag:s8] =	dma.local @!p0 [hbm:s6], $0xF7A  }
0x23: {  	s9 =	sor.u32 $0xD0000000, s2;
	s6 =	simm.s32 $0x108;
	_ =	swait.ge @!p0 [sflag:s8], $0x0  }
0x24: {  	s3 =	sadd.s32 $0x88, s3;
	s6 =	simm.s32 @!p1 $0x1082;
	[sflag:s4] =	ssyncset.s32 $0xFFFFF086  }
0x25: {  	[simem:s6], [sflag:s4] =	dma.local [hbm:s3], $0xF7A  }
0x26: {  	[smem:$0x3F97] =	sst s1;
	(tag) =	ssettag s2;
	_ =	strace s9  }
0x27: {  	s1 =	sld [smem:$0x3FA7]  }
0x28: {  	s2 =	sld [smem:$0x3FA8]  }
0x29: {  	s4 =	sld [smem:$0x3FAA]  }
0x2a: {  	p0 =	seq.s32 s5, $0x0;
	s5 =	sld [smem:$0x3FAB]  }
0x2b: {  	s6 =	sld [smem:$0x3FAC]  }
0x2c: {  	s7 =	sld [smem:$0x3FAD]  }
0x2d: {  	s3 =	simm.s32 $0x108;
	s8 =	sld [smem:$0x3FAE]  }
0x2e: {  	s3 =	simm.s32 @!p0 $0x1082;
	s9 =	sld [smem:$0x3FAF]  }
0x2f: {  	lr =	sadd.s32 s0, s3;
	s0 =	sld [smem:$0x3FA6]  }
0x30: {  	s3 =	sld [smem:$0x3FA9]  }
0x31: {  	[smem:$0x3FB2] =	sst s10  }
0x32: {  	s10 =	sld [smem:$0x3FB0];
	_ =	sdelay $0x3  }
0x33: {  	p0 =	seq.s32 s10, $0x1;
	s10 =	sld [smem:$0x3FB2];
	_ =	sdelay $0x3  }
0x34: {  	[smem:$0x3FB2] =	sst s10  }
0x35: {  	s10 =	sld [smem:$0x3FB1];
	_ =	sdelay $0x3  }
0x36: {  	p1 =	seq.s32 s10, $0x1;
	s10 =	sld [smem:$0x3FB2];
	_ =	sdelay $0x3  }
0x37: {  	[smem:$0x3FB2] =	sst s10  }
0x38: {  	s10 =	sld [smem:$0x3FB3]  }
0x39: {  	_ = 	snop;
	(pc) =	sbr.ind lr, $3  }
0x3a: {  	_ = 	snop  }
0x3b: {  	_ = 	snop  }
0x3c: {  	p2 =	seq.s32 s10, $0x1;
	s10 =	sld [smem:$0x3FB2]  }
0x3d: {  	_ =	shalt  }
0x3e: {  	_ =	shalt  }
0x3f: {  	_ =	shalt  }
0x40: {  	_ =	shalt  }
0x41: {  	_ =	shalt  }
0x42: {  	_ =	shalt  }
0x43: {  	_ =	shalt  }
0x44: {  	_ =	shalt  }
0x45: {  	_ =	shalt  }
0x46: {  	_ =	shalt  }
0x47: {  	_ =	shalt  }
0x48: {  	_ =	shalt  }
0x49: {  	_ =	shalt  }
0x4a: {  	_ =	shalt  }
0x4b: {  	_ =	shalt  }
0x4c: {  	_ =	shalt  }
0x4d: {  	_ =	shalt  }
0x4e: {  	_ =	shalt  }
0x4f: {  	_ =	shalt  }
0x50: {  	_ =	shalt  }
0x51: {  	_ =	shalt  }
0x52: {  	_ =	shalt  }
0x53: {  	_ =	shalt  }
0x54: {  	_ =	shalt  }
0x55: {  	_ =	shalt  }
0x56: {  	_ =	shalt  }
0x57: {  	_ =	shalt  }
0x58: {  	_ =	shalt  }
0x59: {  	_ =	shalt  }
0x5a: {  	_ =	shalt  }
0x5b: {  	_ =	shalt  }
0x5c: {  	_ =	shalt  }
0x5d: {  	_ =	shalt  }
0x5e: {  	_ =	shalt  }
0x5f: {  	_ =	shalt  }
0x60: {  	_ =	shalt  }
0x61: {  	_ =	shalt  }
0x62: {  	_ =	shalt  }
0x63: {  	_ =	shalt  }
0x64: {  	_ =	shalt  }
0x65: {  	_ =	shalt  }
0x66: {  	_ =	shalt  }
0x67: {  	_ =	shalt  }
0x68: {  	_ =	shalt  }
0x69: {  	_ =	shalt  }
0x6a: {  	_ =	shalt  }
0x6b: {  	_ =	shalt  }
0x6c: {  	_ =	shalt  }
0x6d: {  	_ =	shalt  }
0x6e: {  	_ =	shalt  }
0x6f: {  	_ =	shalt  }
0x70: {  	_ =	shalt  }
0x71: {  	_ =	shalt  }
0x72: {  	_ =	shalt  }
0x73: {  	_ =	shalt  }
0x74: {  	_ =	shalt  }
0x75: {  	_ =	shalt  }
0x76: {  	_ =	shalt  }
0x77: {  	_ =	shalt  }
0x78: {  	_ =	shalt  }
0x79: {  	_ =	shalt  }
0x7a: {  	_ =	shalt  }
0x7b: {  	_ =	shalt  }
0x7c: {  	_ =	shalt  }
0x7d: {  	_ =	shalt  }
0x7e: {  	_ =	shalt  }
0x7f: {  	_ =	shalt  }
0x80: {  	_ =	shalt  }
0x81: {  	_ =	shalt  }
0x82: {  	_ =	shalt  }
0x83: {  	_ =	shalt  }
0x84: {  	_ =	shalt  }
0x85: {  	_ =	shalt  }
0x86: {  	_ =	shalt  }
0x87: {  	_ =	shalt  }
.Lfunc_end0:
.L_simem_size_0:
called_computation_lowered:
.L_overlay_start_0:
0x88: {  	s2 =	sld [smem:$0x3FD9]  }
0x89: {  	s3 =	sld [smem:$0x3FFE];
	_ =	sdelay $0x1  }
0x8a: {  	s1 =	srdreg.scid  }
0x8b: {  	s0 =	sand.u32 $0x1, s1  }
0x8c: {  	s17 =	sshll.u32 s0, $0xA;
	s2 =	sadd.s32 s3, s2  }
0x8d: {  	s2 =	sadd.s32 s2, s17  }
0x8e: {  	[smem:$0x3FBE] =	sst s2  }
0x8f: {  	_ = 	snop  }
0x90: {  	(tm) =	ssettm $0x1  }
0x91: {  	s18 =	sld [smem:$0x3FFB];
	_ =	sdelay $0x3  }
0x92: {  	_ =	strace s18  }
0x93: {  	s2 =	sld [smem:$0x3FFC];
	_ =	sdelay $0x3  }
0x94: {  	_ =	strace s2  }
0x95: {  	s2 =	sld [smem:$0x3FFD];
	_ =	sdelay $0x3  }
0x96: {  	_ =	strace s2  }
0x97: {  	_ =	strace $0x8FFFFFFF  }
0x98: {  	s19 =	sld [smem:$0x3FDB];
	_ =	sdelay $0x1  }
0x99: {  	s20 =	simm.s32 $_scs_section_size  }
0x9a: {  	s4 =	simm.s32 $_size__tile_overlayer_lowered;
	s5 =	simm.s32 $_tile_overlayer_lowered  }
0x9b: {  	s6 =	simm.s32 $0x1BFF;
	s21 =	sshll.u32 s5, $0x1;
	s3 =	sadd.s32 s20, s19  }
0x9c: {  	s22 =	simm.s32 $0x0;
	s4 =	sshll.u32 s4, $0x1;
	s5 =	sadd.s32 s21, s3  }
0x9d: {  	[timem:s22], [sflag:s6] =	dma.local [hbm:s5], s4  }
0x9e: {  	_ =	swait.ge [sflag:s6], s4  }
0x9f: {  	s4 =	ssub.s32 $0x0, s4;
	[sflag:s6] =	ssyncset.done $0x0  }
0xa0: {  	[sflag:s6] =	ssyncadd.s32 s4;
	_ =	sdelay $0x1  }
0xa1: {  	s23 =	simm.s32 $0x1B8B  }
0xa2: {  	_ =	swait.ge [sflag:s23], $0x1  }
0xa3: {  	[sflag:s23] =	ssyncset.done $0x0  }
0xa4: {  	[sflag:s23] =	ssyncadd.s32 $0xFFFFFFFF  }
0xa5: {  	s4 =	sld [smem:$0x0]  }
0xa6: {  	s5 =	sand.u32 $0xFFFFFFFE, s1  }
0xa7: {  	p0 =	sne.s32 s1, s5  }
0xa8: {  	s5 =	sshll.u32 @p0 s5, $0xE  }
0xa9: {  	s5 =	sadd.s32 @p0 $0x11B8D, s5;
	s6 =	sshll.u32 @p0 s4, $0x11  }
0xaa: {  	s5 =	sor.u32 @p0 s6, s5  }
0xab: {  	[sflag:s5] =	ssyncadd.remote.s32 @p0 $0x1;
	_ =	sdelay $0x1  }
0xac: {  	s5 =	simm.s32 @p0 $0x1B8D  }
0xad: {  	_ =	swait.eq @p0 [sflag:s5], $0x1  }
0xae: {  	[sflag:s5] =	ssyncadd.s32 @p0 $0xFFFFFFFF  }
0xaf: {  	s6 =	sshll.u32 @!p0 s1, $0xE  }
0xb0: {  	s6 =	sor.u32 @!p0 $0x4000, s6;
	s5 =	simm.s32 @!p0 $0x1B8D  }
0xb1: {  	s4 =	sshll.u32 @!p0 s4, $0x11;
	s6 =	sadd.s32 @!p0 $0x11B8D, s6;
	_ =	swait.eq @!p0 [sflag:s5], $0x1  }
0xb2: {  	s4 =	sor.u32 @!p0 s4, s6;
	[sflag:s5] =	ssyncadd.s32 @!p0 $0xFFFFFFFF  }
0xb3: {  	s25 =	simm.s32 $0x1B8E;
	s24 =	sld [smem:$0x3FFE];
	[sflag:s4] =	ssyncadd.remote.s32 @!p0 $0x1  }
0xb4: {  	s26 =	simm.s32 $execute0_lowered;
	[smem:$0x3FD2] =	sst s25  }
0xb5: {  	s5 =	sshll.u32 s26, $0x1;
	_ =	strace $0x80000049;
	[dreg:$0x1] =	wrdreg $0xFFFFFFFF  }
0xb6: {  	s28 =	simm.s32 $_size_execute0_lowered;
	s3 =	sadd.s32 s3, s5;
	[dreg:$0x0] =	wrdreg $0x0  }
0xb7: {  	s5 =	sshll.u32 s28, $0x1;
	[dreg:$0x2] =	wrdreg s3  }
0xb8: {  	[dreg:$0x3] =	wrdreg s5  }
0xb9: {  	[dreg:$0x4] =	wrdreg $0xC0  }
0xba: {  	_ =	task [dreg:s22], $0x5FFFF  }
0xbb: {  	[dreg:$0x1] =	wrdreg $0xFFFFFFFF  }
0xbc: {  	[dreg:$0x0] =	wrdreg $0x60  }
0xbd: {  	[dreg:$0x2] =	wrdreg s24  }
0xbe: {  	[dreg:$0x3] =	wrdreg $0x78000  }
0xbf: {  	[dreg:$0x4] =	wrdreg $0x9  }
0xc0: {  	_ =	task.clear_ibuf [dreg:s22], $0x5FFFF;
	_ =	strace $0x90000049  }
0xc1: {  	s29 =	simm.s32 $0x9;
	_ =	strace $0x8000004B  }
0xc2: {  	_ =	swait.ge [sflag:s29], $0x1  }
0xc3: {  	[sflag:s29] =	ssyncadd.s32 $0xFFFFFFFF  }
0xc4: {  	_ =	strace $0x9000004B  }
0xc5: {  	_ =	sfence  }
0xc6: {  	s30 =	sld [smem:$0x0];
	_ =	sdelay $0x2  }
0xc7: {  	s31 =	sshll.u32 s1, $0xD;
	s1 =	sshrl.u32 s1, $0x2  }
0xc8: {  	s4 =	sand.u32 $0x4000, s31;
	s1 =	sadd.s32 s1, s30  }
0xc9: {  	s0 =	sor.u32 s4, s0;
	s1 =	sshll.u32 s1, $0x11  }
0xca: {  	s0 =	sor.u32 s1, s0  }
0xcb: {  	s0 =	sadd.s32 $0x8F2B, s0  }
0xcc: {  	[sflag:s0] =	ssyncadd.remote.s32 $0x1  }
0xcd: {  	_ =	sfence.sel $0xFFFF  }
0xce: {  	[dreg:$0x0] =	wrdreg $0xFFFFFFFF;
	(pc) =	sbr.abs _section_cstart, $3  }
0xcf: {  	[dreg:$0x1] =	wrdreg $0xFFFFFFFF  }
0xd0: {  	_ =	task.clear_ibuf [dreg:s22], $0x2FFFF;
	_ =	strace $0x9FFFFFFF  }
0xd1: {  	(tm) =	ssettm $0x7FFFFFFF  }
tec
execute0_lowered:
.L_overlay_start_1:
0x0: {  	(tag) =	ssettag $0x1  }
0x1: {  	s0 =	srdreg.scid;
	s5 =	rddreg [dreg:$0x0]  }
0x2: {  	s2 =	rddreg [dreg:$0x1];
	s1 =	stileid.u32  }
0x3: {  	s3 =	simm.s32 $0x0;
	s6 =	sand.u32 $0x1, s0;
	s0 =	rddreg [dreg:$0x2]  }
0x4: {  	s14 =	simm.s32 $0x280;
	s17 =	simm.s32 $0x0;
	[smem:$0x7FF] =	sst s3  }
0x5: {  	s7 =	smul.u32 $0x2780, s1;
	s12 =	sadd.s32 $0x6B200, s5;
	s15 =	sadd.s32 $0x25080, s2  }
0x6: {  	s31 =	sshll.u32 s1, $0x6;
	p0 =	seq.s32 s1, $0xF;
	s4 =	sshll.u32 s6, $0x4  }
0x7: {  	_ =	strace $0x8000004A;
	s9 =	ssub.s32 $0x2, s6;
	s6 =	smul.u32 $0x27100, s6  }
0x8: {  	s15 =	sshrl.u32 @p0 s15, $0x3;
	s4 =	sor.u32 s1, s4;
	s10 =	sshrl.u32 s7, $0x3  }
0x9: {  	s11 =	sshrl.u32 s9, $0x1;
	s16 =	sadd.s32 s7, s2;
	s4 =	smul.u32 $0xA00, s4  }
0xa: {  	s10 =	sadd.s32 s10, s5;
	s9 =	ssub.s32 s9, s11;
	s28 =	sadd.s32 s7, s6  }
0xb: {  	s6 =	sshrl.u32 s6, $0x3;
	s11 =	simm.s32 $0x5000;
	s13 =	sshrl.u32 s16, $0x3  }
0xc: {  	s16 =	sshrl.u32 @!p0 s16, $0x3;
	s29 =	sshrl.u32 s28, $0x3;
	s30 =	sadd.s32 s12, s6  }
0xd: {  	s6 =	sadd.s32 $0x66200, s10;
	s9 =	smax.u32 s9, $0x1;
	s10 =	simm.s32 $0x1  }
0xe: {  	s8 =	sadd.s32 s4, s5;
	s4 =	sadd.s32 $0x65C00, s5;
	s7 =	sadd.s32 s12, s29  }
0xf: {  	s12 =	sor.u32 $0x1C01, s31;
	s5 =	sadd.s32 $0x16A00, s8;
	s8 =	sadd.s32 $0x4A10, s30  }
.LBB2_1:
0x10: {  	[tilespmem:s3], [sflag:$0x1] =	stream.linear.gather [hbm4b:s5+s3], $0x5000, $0x38;
	[tilespmem:$0x9F80] =	vst v63  }
0x11: {  	_ =	swait.ge [sflag:s10], $0x5000  }
0x12: {  	[sflag:s10] =	ssyncset.done $0x0  }
0x13: {  	[sflag:s10] =	ssyncadd.s32 $0xFFFFB000  }
0x14: {  	[tilespmem:s11], [sflag:$0x1] =	stream.linear.gather [hbm4b:s4+s3], $0x2800, $0x38;
	[tilespmem:$0x9F80] =	vst v63  }
0x15: {  	_ =	swait.ge [sflag:s10], $0x2800  }
0x16: {  	[sflag:s10] =	ssyncset.done $0x0  }
0x17: {  	[sflag:s10] =	ssyncadd.s32 $0xFFFFD800  }
0x18: {  	[spmem:s13], [sflag:s12] =	dma.local [hbm:s6], $0x4F0  }
0x19: {  	_ =	swait.ge [sflag:s10], $0x4F0  }
0x1a: {  	[sflag:s10] =	ssyncset.done $0x0  }
0x1b: {  	[sflag:s10] =	ssyncadd.s32 $0xFFFFFB10  }
0x1c: {  	s18 =	simm.s32 $0x0;
	[bflag:$0x0] =	sbarrier.arrive $0xFFFF  }
0x1d: {  	[spmem:s2] =	stream.indirect.scatter.add.f32 [tilespmem:s11], [sflag:$0x1], $0x10, s18, s14, $0xb8;
	[tilespmem:$0x9F80] =	vst v63  }
0x1e: {  	_ =	swait.ge [sflag:s10], $0x2800  }
0x1f: {  	s18 =	simm.s32 $0xA00;
	[sflag:s10] =	ssyncset.done $0x0  }
.LBB2_2:
0x20: {  	s19 =	sshra.s32 s18, $0x2;
	[sflag:s10] =	ssyncadd.s32 $0xFFFFD800;
	p1 =	sne.s32 s18, $0x13600  }
0x21: {  	[spmem:s2] =	stream.indirect.scatter.add.f32 [tilespmem:s11], [sflag:$0x1], $0x10, s19, s14, $0xb8;
	[tilespmem:$0x9F80] =	vst v63  }
.Ltmp0:
0x22: {  	_ = 	snop;
	(pc) =	sbr.rel @p1 .LBB2_2-.Ltmp0, $4  }
0x23: {  	_ = 	snop  }
0x24: {  	s18 =	sadd.s32 $0xA00, s18  }
0x25: {  	_ =	swait.ge [sflag:s10], $0x2800  }
0x26: {  	[sflag:s10] =	ssyncset.done $0x0  }
0x27: {  	[sflag:s10] =	ssyncadd.s32 $0xFFFFD800  }
0x28: {  	s18 =	simm.s32 @p0 $0x1;
	[bflag:$0x0] =	sbarrier.arrive $0xFFFF  }
0x29: {  	[hbm:s8], [sflag:s12] =	dma.local @p0 [spmem:s15], $0x410  }
0x2a: {  	s17 =	sadd.s32 $0x1, s17;
	_ =	swait.ge @p0 [sflag:s18], $0x410  }
0x2b: {  	p1 =	sne.s32 s17, s9;
	[sflag:s18] =	ssyncset.done @p0 $0x0  }
.Ltmp1:
0x2c: {  	[sflag:s18] =	ssyncadd.s32 @p0 $0xFFFFFBF0;
	s18 =	simm.s32 @!p0 $0x1;
	(pc) =	sbr.rel @p1 .LBB2_1-.Ltmp1, $4  }
0x2d: {  	[hbm:s7], [sflag:s12] =	dma.local @!p0 [spmem:s16], $0x4F0  }
0x2e: {  	_ =	swait.ge @!p0 [sflag:s18], $0x4F0  }
0x2f: {  	[sflag:s18] =	ssyncset.done @!p0 $0x0  }
0x30: {  	[sflag:s18] =	ssyncadd.s32 @!p0 $0xFFFFFB10  }
0x31: {  	_ =	sfence.sel $0x180000  }
0x32: {  	[bflag:$0x0] =	sbarrier.arrive $0xFFFF  }
0x33: {  	p0 =	sne.s32 s1, $0x0;
	_ =	strace $0x9000004A  }
0x34: {  	s0 =	sadd.s32 @!p0 $0x100000, s0;
	[bflag:$0x2] =	sbarrier.arrive $0xFFFF  }
0x35: {  	[sflag:s0] =	ssyncadd.tile.s32 @!p0 $0x1;
	_ =	shalt  }
.Lfunc_end2:
_tile_overlayer_lowered:
.L_overlay_start_2:
0x36: {  	(tag) =	ssettag $0x2  }
0x37: {  	s0 =	rddreg [dreg:$0x0];
	s2 =	stileid.u32  }
0x38: {  	s1 =	rddreg [dreg:$0x1];
	p0 =	sne.s32 s2, $0x0  }
0x39: {  	s3 =	rddreg [dreg:$0x2];
	[bflag:$0x3] =	sbarrier.arrive $0xFFFF;
	s2 =	simm.s32 @!p0 $0x1C01  }
0x3a: {  	[timem:s3], [sflag:s2] =	dma.local @!p0 [hbm:s0], s1  }
0x3b: {  	s0 =	simm.s32 @!p0 $0x1  }
0x3c: {  	_ =	swait.ge @!p0 [sflag:s0], s1  }
0x3d: {  	s1 =	ssub.s32 @!p0 $0x0, s1;
	[sflag:s0] =	ssyncset.done @!p0 $0x0  }
0x3e: {  	[sflag:s0] =	ssyncadd.s32 @!p0 s1  }
0x3f: {  	[bflag:$0x3] =	sbarrier.arrive $0xFFFF  }
0x40: {  	_ =	shalt  }

// kernel: kernel.13.cloned.1.call-start
scs
__scs_entry_jumppad:
0x0: {  	(pc) =	sbr.rel $0x88, $3  }
0x1: {  	(tag) =	ssettag $0x0;
	lr =	simm.s32 $0x1  }
0x2: {  	[smem:$0x3F97] =	sst lr;
	_ =	strace $0xD0000000  }
0x3: {  	_ = 	snop  }
0x4: {  	_ = 	snop  }
0x5: {  	_ = 	snop  }
0x6: {  	_ = 	snop  }
0x7: {  	_ = 	snop  }
__scs_overlays_trampoline_lowered:
0x8: {  	[smem:$0x3FA6] =	sst s0  }
0x9: {  	[smem:$0x3FA7] =	sst s1  }
0xa: {  	[smem:$0x3FA8] =	sst s2  }
0xb: {  	[smem:$0x3FA9] =	sst s3  }
0xc: {  	[smem:$0x3FAA] =	sst s4  }
0xd: {  	[smem:$0x3FAB] =	sst s5  }
0xe: {  	[smem:$0x3FAC] =	sst s6  }
0xf: {  	[smem:$0x3FAD] =	sst s7  }
0x10: {  	[smem:$0x3FAE] =	sst s8  }
0x11: {  	[smem:$0x3FAF] =	sst s9;
	s0 =	simm.s32 @!p0 $0x0  }
0x12: {  	s1 =	sld [smem:$0x3F95];
	s0 =	simm.s32 @p0 $0x1  }
0x13: {  	[smem:$0x3FB0] =	sst s0;
	s0 =	simm.s32 @!p1 $0x0  }
0x14: {  	s2 =	sld [smem:$0x3F94];
	s0 =	simm.s32 @p1 $0x1  }
0x15: {  	[smem:$0x3FB1] =	sst s0;
	s0 =	simm.s32 @!p2 $0x0  }
0x16: {  	s3 =	sld [smem:$0x3FDB];
	s0 =	simm.s32 @p2 $0x1  }
0x17: {  	s4 =	simm.s32 $0x1BF5;
	[smem:$0x3FB3] =	sst s0  }
0x18: {  	s0 =	sld [smem:$0x3F96];
	_ =	swait.ge [sflag:s4], $0x0  }
0x19: {  	s7 =	sld [smem:$0x3F97]  }
0x1a: {  	s8 =	sadd.s32 $0xFFFFE003, lr  }
0x1b: {  	s9 =	sadd.s32 $0xFFFFFEF7, lr;
	s5 =	simm.s32 $0xFFFFFFFF;
	p2 =	slt.u32 s8, $0xFFFFF086  }
0x1c: {  	p1 =	slt.u32 s9, $0xF7A;
	s5 =	simm.s32 @!p2 $0x0  }
0x1d: {  	s5 =	simm.s32 @p1 $0x1;
	p0 =	seq.s32 s7, s2  }
0x1e: {  	s7 =	smul.u32 @!p0 $0xF7A, s2;
	p2 =	seq.s32 @!p0 s5, $0x0  }
0x1f: {  	s9 =	smul.u32 $0xF7A, s1;
	s8 =	simm.s32 @!p0 $0x1BF5;
	p2 =	por !p2, p0  }
0x20: {  	[sflag:s8] =	ssyncset.s32 @!p0 $0xFFFFF086;
	s6 =	sadd.s32 @!p0 s3, s7;
	s7 =	simm.s32 @!p0 $0x108  }
0x21: {  	s3 =	sadd.s32 s3, s9;
	s6 =	sadd.s32 @!p0 $0x88, s6;
	s7 =	simm.s32 @p2 $0x1082  }
0x22: {  	[simem:s7], [sflag:s8] =	dma.local @!p0 [hbm:s6], $0xF7A  }
0x23: {  	s9 =	sor.u32 $0xD0000000, s2;
	s6 =	simm.s32 $0x108;
	_ =	swait.ge @!p0 [sflag:s8], $0x0  }
0x24: {  	s3 =	sadd.s32 $0x88, s3;
	s6 =	simm.s32 @!p1 $0x1082;
	[sflag:s4] =	ssyncset.s32 $0xFFFFF086  }
0x25: {  	[simem:s6], [sflag:s4] =	dma.local [hbm:s3], $0xF7A  }
0x26: {  	[smem:$0x3F97] =	sst s1;
	(tag) =	ssettag s2;
	_ =	strace s9  }
0x27: {  	s1 =	sld [smem:$0x3FA7]  }
0x28: {  	s2 =	sld [smem:$0x3FA8]  }
0x29: {  	s4 =	sld [smem:$0x3FAA]  }
0x2a: {  	p0 =	seq.s32 s5, $0x0;
	s5 =	sld [smem:$0x3FAB]  }
0x2b: {  	s6 =	sld [smem:$0x3FAC]  }
0x2c: {  	s7 =	sld [smem:$0x3FAD]  }
0x2d: {  	s3 =	simm.s32 $0x108;
	s8 =	sld [smem:$0x3FAE]  }
0x2e: {  	s3 =	simm.s32 @!p0 $0x1082;
	s9 =	sld [smem:$0x3FAF]  }
0x2f: {  	lr =	sadd.s32 s0, s3;
	s0 =	sld [smem:$0x3FA6]  }
0x30: {  	s3 =	sld [smem:$0x3FA9]  }
0x31: {  	[smem:$0x3FB2] =	sst s10  }
0x32: {  	s10 =	sld [smem:$0x3FB0];
	_ =	sdelay $0x3  }
0x33: {  	p0 =	seq.s32 s10, $0x1;
	s10 =	sld [smem:$0x3FB2];
	_ =	sdelay $0x3  }
0x34: {  	[smem:$0x3FB2] =	sst s10  }
0x35: {  	s10 =	sld [smem:$0x3FB1];
	_ =	sdelay $0x3  }
0x36: {  	p1 =	seq.s32 s10, $0x1;
	s10 =	sld [smem:$0x3FB2];
	_ =	sdelay $0x3  }
0x37: {  	[smem:$0x3FB2] =	sst s10  }
0x38: {  	s10 =	sld [smem:$0x3FB3]  }
0x39: {  	_ = 	snop;
	(pc) =	sbr.ind lr, $3  }
0x3a: {  	_ = 	snop  }
0x3b: {  	_ = 	snop  }
0x3c: {  	p2 =	seq.s32 s10, $0x1;
	s10 =	sld [smem:$0x3FB2]  }
0x3d: {  	_ =	shalt  }
0x3e: {  	_ =	shalt  }
0x3f: {  	_ =	shalt  }
0x40: {  	_ =	shalt  }
0x41: {  	_ =	shalt  }
0x42: {  	_ =	shalt  }
0x43: {  	_ =	shalt  }
0x44: {  	_ =	shalt  }
0x45: {  	_ =	shalt  }
0x46: {  	_ =	shalt  }
0x47: {  	_ =	shalt  }
0x48: {  	_ =	shalt  }
0x49: {  	_ =	shalt  }
0x4a: {  	_ =	shalt  }
0x4b: {  	_ =	shalt  }
0x4c: {  	_ =	shalt  }
0x4d: {  	_ =	shalt  }
0x4e: {  	_ =	shalt  }
0x4f: {  	_ =	shalt  }
0x50: {  	_ =	shalt  }
0x51: {  	_ =	shalt  }
0x52: {  	_ =	shalt  }
0x53: {  	_ =	shalt  }
0x54: {  	_ =	shalt  }
0x55: {  	_ =	shalt  }
0x56: {  	_ =	shalt  }
0x57: {  	_ =	shalt  }
0x58: {  	_ =	shalt  }
0x59: {  	_ =	shalt  }
0x5a: {  	_ =	shalt  }
0x5b: {  	_ =	shalt  }
0x5c: {  	_ =	shalt  }
0x5d: {  	_ =	shalt  }
0x5e: {  	_ =	shalt  }
0x5f: {  	_ =	shalt  }
0x60: {  	_ =	shalt  }
0x61: {  	_ =	shalt  }
0x62: {  	_ =	shalt  }
0x63: {  	_ =	shalt  }
0x64: {  	_ =	shalt  }
0x65: {  	_ =	shalt  }
0x66: {  	_ =	shalt  }
0x67: {  	_ =	shalt  }
0x68: {  	_ =	shalt  }
0x69: {  	_ =	shalt  }
0x6a: {  	_ =	shalt  }
0x6b: {  	_ =	shalt  }
0x6c: {  	_ =	shalt  }
0x6d: {  	_ =	shalt  }
0x6e: {  	_ =	shalt  }
0x6f: {  	_ =	shalt  }
0x70: {  	_ =	shalt  }
0x71: {  	_ =	shalt  }
0x72: {  	_ =	shalt  }
0x73: {  	_ =	shalt  }
0x74: {  	_ =	shalt  }
0x75: {  	_ =	shalt  }
0x76: {  	_ =	shalt  }
0x77: {  	_ =	shalt  }
0x78: {  	_ =	shalt  }
0x79: {  	_ =	shalt  }
0x7a: {  	_ =	shalt  }
0x7b: {  	_ =	shalt  }
0x7c: {  	_ =	shalt  }
0x7d: {  	_ =	shalt  }
0x7e: {  	_ =	shalt  }
0x7f: {  	_ =	shalt  }
0x80: {  	_ =	shalt  }
0x81: {  	_ =	shalt  }
0x82: {  	_ =	shalt  }
0x83: {  	_ =	shalt  }
0x84: {  	_ =	shalt  }
0x85: {  	_ =	shalt  }
0x86: {  	_ =	shalt  }
0x87: {  	_ =	shalt  }
.Lfunc_end0:
.L_simem_size_0:
called_computation.1_lowered:
.L_overlay_start_0:
0x88: {  	s2 =	sld [smem:$0x3FD9]  }
0x89: {  	s3 =	sld [smem:$0x3FFE];
	_ =	sdelay $0x1  }
0x8a: {  	s1 =	srdreg.scid  }
0x8b: {  	s0 =	sand.u32 $0x1, s1  }
0x8c: {  	s14 =	sshll.u32 s0, $0xA;
	s2 =	sadd.s32 s3, s2  }
0x8d: {  	s2 =	sadd.s32 s2, s14  }
0x8e: {  	[smem:$0x3FBE] =	sst s2  }
0x8f: {  	_ = 	snop  }
0x90: {  	s2 =	sld [smem:$0x3FD0];
	_ =	sdelay $0x2  }
0x91: {  	s15 =	simm.s32 $0xB;
	s4 =	simm.s32 $0x10  }
0x92: {  	[smem:s4], [sflag:s15] =	dma.local [hbm:s2], $0x1  }
0x93: {  	_ =	swait.eq [sflag:s15], $0x1  }
0x94: {  	[sflag:s15] =	ssyncset.done $0x0  }
0x95: {  	[sflag:s15] =	ssyncadd.s32 $0xFFFFFFFF  }
0x96: {  	s16 =	sld [smem:$0x10];
	(tm) =	ssettm $0x1  }
0x97: {  	s17 =	sld [smem:$0x3FFB];
	_ =	sdelay $0x3  }
0x98: {  	_ =	strace s17  }
0x99: {  	s3 =	sld [smem:$0x3FFC];
	_ =	sdelay $0x3  }
0x9a: {  	_ =	strace s3  }
0x9b: {  	s3 =	sld [smem:$0x3FFD];
	_ =	sdelay $0x3  }
0x9c: {  	_ =	strace s3  }
0x9d: {  	_ =	strace $0x8FFFFFFF  }
0x9e: {  	s18 =	sld [smem:$0x3FDB];
	_ =	sdelay $0x1  }
0x9f: {  	s19 =	simm.s32 $_scs_section_size  }
0xa0: {  	s5 =	simm.s32 $_size__tile_overlayer_lowered;
	s6 =	simm.s32 $_tile_overlayer_lowered  }
0xa1: {  	s22 =	simm.s32 $0x1BFF;
	s21 =	sshll.u32 s6, $0x1;
	s3 =	sadd.s32 s19, s18  }
0xa2: {  	s7 =	simm.s32 $0x0;
	s20 =	sshll.u32 s5, $0x1;
	s5 =	sadd.s32 s21, s3  }
0xa3: {  	[timem:s7], [sflag:s22] =	dma.local [hbm:s5], s20  }
0xa4: {  	_ =	swait.ge [sflag:s22], s20  }
0xa5: {  	s4 =	ssub.s32 $0x0, s20;
	[sflag:s22] =	ssyncset.done $0x0  }
0xa6: {  	[sflag:s22] =	ssyncadd.s32 s4;
	_ =	sdelay $0x1  }
0xa7: {  	s23 =	simm.s32 $0x1B8B  }
0xa8: {  	_ =	swait.ge [sflag:s23], $0x1  }
0xa9: {  	[sflag:s23] =	ssyncset.done $0x0  }
0xaa: {  	s25 =	simm.s32 $0x1B8E;
	s24 =	sld [smem:$0x3FFE];
	[sflag:s23] =	ssyncadd.s32 $0xFFFFFFFF  }
0xab: {  	s26 =	simm.s32 $execute0_lowered;
	[smem:$0x3FD2] =	sst s25  }
0xac: {  	s5 =	sshll.u32 s26, $0x1;
	_ =	strace $0x80000046;
	[dreg:$0x1] =	wrdreg $0xFFFFFFFF  }
0xad: {  	s28 =	simm.s32 $_size_execute0_lowered;
	s3 =	sadd.s32 s3, s5;
	[dreg:$0x0] =	wrdreg $0x0  }
0xae: {  	s5 =	sshll.u32 s28, $0x1;
	[dreg:$0x2] =	wrdreg s3  }
0xaf: {  	[dreg:$0x3] =	wrdreg s5  }
0xb0: {  	[dreg:$0x4] =	wrdreg $0xC0  }
0xb1: {  	_ =	task [dreg:s7], $0x5FFFF  }
0xb2: {  	[dreg:$0x1] =	wrdreg $0xFFFFFFFF  }
0xb3: {  	[dreg:$0x0] =	wrdreg $0x60  }
0xb4: {  	[dreg:$0x2] =	wrdreg s24  }
0xb5: {  	[dreg:$0x3] =	wrdreg s16  }
0xb6: {  	[dreg:$0x4] =	wrdreg $0x14A000  }
0xb7: {  	[dreg:$0x5] =	wrdreg $0xA  }
0xb8: {  	_ =	task.clear_ibuf [dreg:s7], $0x6FFFF;
	_ =	strace $0x90000046  }
0xb9: {  	s29 =	simm.s32 $0xA;
	_ =	strace $0x80000048  }
0xba: {  	_ =	swait.ge [sflag:s29], $0x1  }
0xbb: {  	[sflag:s29] =	ssyncadd.s32 $0xFFFFFFFF  }
0xbc: {  	_ =	strace $0x90000048  }
0xbd: {  	_ =	sfence  }
0xbe: {  	s30 =	sld [smem:$0x0];
	_ =	sdelay $0x2  }
0xbf: {  	s31 =	sshll.u32 s1, $0xD;
	s1 =	sshrl.u32 s1, $0x2  }
0xc0: {  	s3 =	sand.u32 $0x4000, s31;
	s1 =	sadd.s32 s1, s30  }
0xc1: {  	s0 =	sor.u32 s3, s0;
	s1 =	sshll.u32 s1, $0x11  }
0xc2: {  	s0 =	sor.u32 s1, s0  }
0xc3: {  	s0 =	sadd.s32 $0x8F2B, s0  }
0xc4: {  	[sflag:s0] =	ssyncadd.remote.s32 $0x1  }
0xc5: {  	_ =	sfence.sel $0xFFFF  }
0xc6: {  	[dreg:$0x0] =	wrdreg $0xFFFFFFFF;
	(pc) =	sbr.abs _section_cstart, $3  }
0xc7: {  	[dreg:$0x1] =	wrdreg $0xFFFFFFFF  }
0xc8: {  	_ =	task.clear_ibuf [dreg:s7], $0x2FFFF;
	_ =	strace $0x9FFFFFFF  }
0xc9: {  	(tm) =	ssettm $0x7FFFFFFF  }
tec
execute0_lowered:
.L_overlay_start_1:
0x0: {  	(tag) =	ssettag $0x1  }
0x1: {  	s0 =	rddreg [dreg:$0x0]  }
0x2: {  	s3 =	rddreg [dreg:$0x1]  }
0x3: {  	s1 =	rddreg [dreg:$0x2]  }
0x4: {  	s2 =	simm.s32 $0x0;
	s5 =	srdreg.scid;
	s23 =	stileid.u32  }
0x5: {  	s28 =	simm.s32 $0xA00;
	s29 =	simm.s32 $0x780;
	s30 =	simm.s32 $0x3  }
0x6: {  	s31 =	simm.s32 $0x1;
	[smem:$0x7FF] =	sst s2;
	s4 =	sadd.s32 $0x3000, s0  }
0x7: {  	s6 =	sadd.s32 $0x2AA00, s0;
	s8 =	sand.u32 $0x1, s5;
	s9 =	sadd.s32 $0x16A00, s0  }
0x8: {  	s10 =	smul.u32 $0x9E00, s23;
	s0 =	sadd.s32 $0x3EA00, s0;
	s15 =	sshll.u32 s23, $0x6  }
0x9: {  	s25 =	smul.u32 $0x5000, s23;
	p0 =	seq.s32 s23, $0xF;
	_ =	strace $0x80000047  }
0xa: {  	s5 =	sshll.u32 s8, $0x4;
	s7 =	ssub.s32 $0x2, s8;
	s18 =	smul.u32 $0x9C400, s8  }
0xb: {  	s8 =	smul.u32 $0x50000, s8;
	s5 =	sor.u32 s23, s5;
	s11 =	sshrl.u32 s7, $0x1  }
0xc: {  	s13 =	sshrl.u32 s10, $0x3;
	s23 =	simm.s32 $0x5;
	s12 =	smul.u32 $0x5000, s5  }
0xd: {  	s14 =	ssub.s32 s7, s11;
	s5 =	sadd.s32 s10, s1;
	s3 =	sadd.s32 s3, s13  }
0xe: {  	s7 =	sor.u32 $0x1C05, s15;
	s22 =	sadd.s32 s10, s18;
	s24 =	sshrl.u32 s18, $0x3  }
0xf: {  	[dreg:$0x4] =	wrdreg s3;
	s10 =	sadd.s32 s0, s24;
	s14 =	smax.u32 s14, $0x1  }
0x10: {  	s24 =	simm.s32 $0x500;
	s16 =	sshrl.u32 s12, $0x3;
	s13 =	sadd.s32 $0x12840, s10  }
0x11: {  	s17 =	sor.u32 $0x50, s16;
	s19 =	sadd.s32 s6, s16;
	s20 =	sadd.s32 s9, s16  }
0x12: {  	s26 =	sadd.s32 $0x9B0, s16;
	s18 =	sadd.s32 $0x960, s16;
	[dreg:$0x5] =	wrdreg s19  }
0x13: {  	[dreg:$0x6] =	wrdreg s20;
	s21 =	sadd.s32 s6, s17;
	s3 =	sadd.s32 s9, s17  }
0x14: {  	s15 =	sadd.s32 s6, s26;
	s16 =	sadd.s32 s9, s26;
	s17 =	sadd.s32 s6, s18  }
0x15: {  	s18 =	sadd.s32 s9, s18;
	[dreg:$0x8] =	wrdreg s3;
	s3 =	sshrl.u32 s22, $0x3  }
0x16: {  	s26 =	simm.s32 $0x280;
	s12 =	sadd.s32 s0, s3;
	s0 =	sadd.s32 s25, s8  }
0x17: {  	[dreg:$0x7] =	wrdreg s21;
	s3 =	sadd.s32 $0x94200, s1;
	s8 =	sor.u32 $0x780, s0  }
0x18: {  	s0 =	sor.u32 $0x500, s0;
	s25 =	sshrl.u32 @p0 s3, $0x3;
	s8 =	sshrl.u32 s8, $0x3  }
0x19: {  	s3 =	simm.s32 $0x2;
	s0 =	sshrl.u32 s0, $0x3;
	s19 =	sadd.s32 s8, s9  }
0x1a: {  	s20 =	sadd.s32 s8, s6;
	s21 =	sadd.s32 s0, s9;
	s22 =	sadd.s32 s0, s6  }
0x1b: {  	s0 =	simm.s32 $0xAA00;
	s6 =	simm.s32 $0x4;
	s8 =	simm.s32 $0x0  }
.LBB2_1:
0x1c: {  	s9 =	sshrl.u32 s5, $0x3;
	s10 =	rddreg [dreg:$0x4]  }
0x1d: {  	[spmem:s9], [sflag:s7] =	dma.local [hbm:s10], $0x13C0  }
0x1e: {  	_ =	swait.ge [sflag:s23], $0x13C0  }
0x1f: {  	[sflag:s23] =	ssyncset.done $0x0  }
0x20: {  	s11 =	rddreg [dreg:$0x5];
	[sflag:s23] =	ssyncadd.s32 $0xFFFFEC40  }
0x21: {  	[tilespmem:s2], [sflag:$0x5] =	stream.linear.gather [hbm4b:s11+s2], $0x280, $0x38;
	[tilespmem:$0x1E800] =	vst v63  }
0x22: {  	_ =	swait.ge [sflag:s23], $0x280  }
0x23: {  	[sflag:s23] =	ssyncset.done $0x0  }
0x24: {  	s10 =	rddreg [dreg:$0x6];
	[sflag:s23] =	ssyncadd.s32 $0xFFFFFD80  }
0x25: {  	[tilespmem:s24], [sflag:$0x5] =	stream.linear.gather [hbm4b:s10+s2], $0x280, $0x38;
	[tilespmem:$0x1E800] =	vst v63  }
0x26: {  	_ =	swait.ge [sflag:s23], $0x280  }
0x27: {  	[sflag:s23] =	ssyncset.done $0x0  }
0x28: {  	[sflag:s23] =	ssyncadd.s32 $0xFFFFFD80  }
0x29: {  	[bflag:$0x0] =	sbarrier.arrive $0xFFFF  }
0x2a: {  	[tilespmem:s28], [sflag:$0x1] =	stream.indirect.gather [hbm4b:s4+s26], $0x40, s2, s26, $0xb8;
	[tilespmem:$0x1E800] =	vst v63  }
0x2b: {  	s11 =	rddreg [dreg:$0x7]  }
0x2c: {  	[tilespmem:s26], [sflag:$0x3] =	stream.linear.gather [hbm4b:s11+s2], $0x280, $0x38;
	[tilespmem:$0x1E800] =	vst v63  }
0x2d: {  	s10 =	rddreg [dreg:$0x8]  }
0x2e: {  	[tilespmem:s29], [sflag:$0x3] =	stream.linear.gather [hbm4b:s10+s2], $0x280, $0x38;
	[tilespmem:$0x1E800] =	vst v63  }
0x2f: {  	_ =	swait.ge [sflag:s30], $0x280  }
0x30: {  	[sflag:s30] =	ssyncset.done $0x0  }
0x31: {  	[sflag:s30] =	ssyncadd.s32 $0xFFFFFD80  }
0x32: {  	_ =	swait.ge [sflag:s30], $0x280  }
0x33: {  	[sflag:s30] =	ssyncset.done $0x0  }
0x34: {  	[sflag:s30] =	ssyncadd.s32 $0xFFFFFD80  }
0x35: {  	_ =	swait.ge [sflag:s31], $0xA000  }
0x36: {  	[sflag:s31] =	ssyncset.done $0x0  }
0x37: {  	[sflag:s31] =	ssyncadd.s32 $0xFFFF6000  }
0x38: {  	[tilespmem:s0], [sflag:$0x2] =	stream.indirect.gather [hbm4b:s4+s26], $0x40, s26, s26, $0xb8;
	[tilespmem:$0x1E800] =	vst v63  }
0x39: {  	_ = 	snop  }
0x3a: {  	[spmem:s1] =	stream.indirect.scatter.add.f32 [tilespmem:s28], [sflag:$0x5], $0x40, s24, s26, $0xb8;
	[tilespmem:$0x1E800] =	vst v63  }
0x3b: {  	_ =	swait.ge [sflag:s23], $0xA000  }
0x3c: {  	[sflag:s23] =	ssyncset.done $0x0  }
0x3d: {  	s11 =	sadd.s32 $0x0, s22;
	[sflag:s23] =	ssyncadd.s32 $0xFFFF6000  }
0x3e: {  	[tilespmem:s2], [sflag:$0x4] =	stream.linear.gather [hbm4b:s11+s2], $0x280, $0x38;
	[tilespmem:$0x1E800] =	vst v63  }
0x3f: {  	s10 =	sadd.s32 $0x0, s21  }
0x40: {  	[tilespmem:s24], [sflag:$0x4] =	stream.linear.gather [hbm4b:s10+s2], $0x280, $0x38;
	[tilespmem:$0x1E800] =	vst v63  }
0x41: {  	_ =	swait.ge [sflag:s3], $0xA000  }
0x42: {  	[sflag:s3] =	ssyncset.done $0x0  }
0x43: {  	[sflag:s3] =	ssyncadd.s32 $0xFFFF6000  }
0x44: {  	_ =	swait.ge [sflag:s6], $0x280  }
0x45: {  	[sflag:s6] =	ssyncset.done $0x0  }
0x46: {  	[sflag:s6] =	ssyncadd.s32 $0xFFFFFD80  }
0x47: {  	_ =	swait.ge [sflag:s6], $0x280  }
0x48: {  	[sflag:s6] =	ssyncset.done $0x0  }
0x49: {  	[sflag:s6] =	ssyncadd.s32 $0xFFFFFD80  }
0x4a: {  	[tilespmem:s28], [sflag:$0x1] =	stream.indirect.gather [hbm4b:s4+s26], $0x40, s2, s26, $0xb8;
	[tilespmem:$0x1E800] =	vst v63  }
0x4b: {  	_ = 	snop  }
0x4c: {  	[spmem:s1] =	stream.indirect.scatter.add.f32 [tilespmem:s0], [sflag:$0x5], $0x40, s29, s26, $0xb8;
	[tilespmem:$0x1E800] =	vst v63  }
0x4d: {  	_ =	swait.ge [sflag:s23], $0xA000  }
0x4e: {  	s9 =	simm.s32 $0xA0;
	[sflag:s23] =	ssyncset.done $0x0  }
0x4f: {  	s11 =	sadd.s32 $0x0, s20;
	s10 =	sadd.s32 $0x0, s19;
	[sflag:s23] =	ssyncadd.s32 $0xFFFF6000  }
0x50: {  	[tilespmem:s26], [sflag:$0x3] =	stream.linear.gather [hbm4b:s11+s2], $0x280, $0x38;
	[tilespmem:$0x1E800] =	vst v63  }
.LBB2_2:
0x51: {  	[tilespmem:s29], [sflag:$0x3] =	stream.linear.gather [hbm4b:s10+s2], $0x280, $0x38;
	[tilespmem:$0x1E800] =	vst v63  }
0x52: {  	s10 =	smov.u32 s9  }
0x53: {  	p1 =	sne.s32 s9, $0x820;
	s9 =	sadd.s32 $0xA0, s9;
	_ =	swait.ge [sflag:s30], $0x280  }
0x54: {  	[sflag:s30] =	ssyncset.done $0x0  }
0x55: {  	[sflag:s30] =	ssyncadd.s32 $0xFFFFFD80  }
0x56: {  	_ =	swait.ge [sflag:s30], $0x280  }
0x57: {  	[sflag:s30] =	ssyncset.done $0x0  }
0x58: {  	[sflag:s30] =	ssyncadd.s32 $0xFFFFFD80  }
0x59: {  	_ =	swait.ge [sflag:s31], $0xA000  }
0x5a: {  	[sflag:s31] =	ssyncset.done $0x0  }
0x5b: {  	[sflag:s31] =	ssyncadd.s32 $0xFFFF6000  }
0x5c: {  	[tilespmem:s0], [sflag:$0x2] =	stream.indirect.gather [hbm4b:s4+s26], $0x40, s26, s26, $0xb8;
	[tilespmem:$0x1E800] =	vst v63  }
0x5d: {  	_ = 	snop  }
0x5e: {  	[spmem:s1] =	stream.indirect.scatter.add.f32 [tilespmem:s28], [sflag:$0x5], $0x40, s24, s26, $0xb8;
	[tilespmem:$0x1E800] =	vst v63  }
0x5f: {  	_ =	swait.ge [sflag:s23], $0xA000  }
0x60: {  	[sflag:s23] =	ssyncset.done $0x0  }
0x61: {  	s11 =	sadd.s32 s10, s22;
	[sflag:s23] =	ssyncadd.s32 $0xFFFF6000  }
0x62: {  	[tilespmem:s2], [sflag:$0x4] =	stream.linear.gather [hbm4b:s11+s2], $0x280, $0x38;
	[tilespmem:$0x1E800] =	vst v63  }
0x63: {  	s11 =	sadd.s32 s10, s21  }
0x64: {  	[tilespmem:s24], [sflag:$0x4] =	stream.linear.gather [hbm4b:s11+s2], $0x280, $0x38;
	[tilespmem:$0x1E800] =	vst v63  }
0x65: {  	_ =	swait.ge [sflag:s3], $0xA000  }
0x66: {  	[sflag:s3] =	ssyncset.done $0x0  }
0x67: {  	[sflag:s3] =	ssyncadd.s32 $0xFFFF6000  }
0x68: {  	_ =	swait.ge [sflag:s6], $0x280  }
0x69: {  	[sflag:s6] =	ssyncset.done $0x0  }
0x6a: {  	[sflag:s6] =	ssyncadd.s32 $0xFFFFFD80  }
0x6b: {  	_ =	swait.ge [sflag:s6], $0x280  }
0x6c: {  	[sflag:s6] =	ssyncset.done $0x0  }
0x6d: {  	[sflag:s6] =	ssyncadd.s32 $0xFFFFFD80  }
0x6e: {  	[tilespmem:s28], [sflag:$0x1] =	stream.indirect.gather [hbm4b:s4+s26], $0x40, s2, s26, $0xb8;
	[tilespmem:$0x1E800] =	vst v63  }
0x6f: {  	_ = 	snop  }
0x70: {  	[spmem:s1] =	stream.indirect.scatter.add.f32 [tilespmem:s0], [sflag:$0x5], $0x40, s29, s26, $0xb8;
	[tilespmem:$0x1E800] =	vst v63  }
.Ltmp0:
0x71: {  	_ =	swait.ge [sflag:s23], $0xA000;
	(pc) =	sbr.rel @p1 .LBB2_2-.Ltmp0, $4  }
0x72: {  	[sflag:s23] =	ssyncset.done $0x0  }
0x73: {  	s11 =	sadd.s32 s10, s20;
	[sflag:s23] =	ssyncadd.s32 $0xFFFF6000  }
0x74: {  	[tilespmem:s26], [sflag:$0x3] =	stream.linear.gather [hbm4b:s11+s2], $0x280, $0x38;
	[tilespmem:$0x1E800] =	vst v63  }
0x75: {  	s10 =	sadd.s32 s10, s19  }
0x76: {  	[tilespmem:s29], [sflag:$0x3] =	stream.linear.gather [hbm4b:s10+s2], $0x280, $0x38;
	[tilespmem:$0x1E800] =	vst v63  }
0x77: {  	_ =	swait.ge [sflag:s30], $0x280  }
0x78: {  	[sflag:s30] =	ssyncset.done $0x0  }
0x79: {  	[sflag:s30] =	ssyncadd.s32 $0xFFFFFD80  }
0x7a: {  	_ =	swait.ge [sflag:s30], $0x280  }
0x7b: {  	[sflag:s30] =	ssyncset.done $0x0  }
0x7c: {  	[sflag:s30] =	ssyncadd.s32 $0xFFFFFD80  }
0x7d: {  	_ =	swait.ge [sflag:s31], $0xA000  }
0x7e: {  	[sflag:s31] =	ssyncset.done $0x0  }
0x7f: {  	[sflag:s31] =	ssyncadd.s32 $0xFFFF6000  }
0x80: {  	[tilespmem:s0], [sflag:$0x2] =	stream.indirect.gather [hbm4b:s4+s26], $0x40, s26, s26, $0xb8;
	[tilespmem:$0x1E800] =	vst v63  }
0x81: {  	_ = 	snop  }
0x82: {  	[spmem:s1] =	stream.indirect.scatter.add.f32 [tilespmem:s28], [sflag:$0x5], $0x40, s24, s26, $0xb8;
	[tilespmem:$0x1E800] =	vst v63  }
0x83: {  	_ =	swait.ge [sflag:s23], $0xA000  }
0x84: {  	[sflag:s23] =	ssyncset.done $0x0  }
0x85: {  	[sflag:s23] =	ssyncadd.s32 $0xFFFF6000  }
0x86: {  	[tilespmem:s2], [sflag:$0x4] =	stream.linear.gather [hbm4b:s17+s2], $0x280, $0x38;
	[tilespmem:$0x1E800] =	vst v63  }
0x87: {  	_ = 	snop  }
0x88: {  	[tilespmem:s24], [sflag:$0x4] =	stream.linear.gather [hbm4b:s18+s2], $0x280, $0x38;
	[tilespmem:$0x1E800] =	vst v63  }
0x89: {  	_ =	swait.ge [sflag:s3], $0xA000  }
0x8a: {  	[sflag:s3] =	ssyncset.done $0x0  }
0x8b: {  	[sflag:s3] =	ssyncadd.s32 $0xFFFF6000  }
0x8c: {  	_ =	swait.ge [sflag:s6], $0x280  }
0x8d: {  	[sflag:s6] =	ssyncset.done $0x0  }
0x8e: {  	[sflag:s6] =	ssyncadd.s32 $0xFFFFFD80  }
0x8f: {  	_ =	swait.ge [sflag:s6], $0x280  }
0x90: {  	[sflag:s6] =	ssyncset.done $0x0  }
0x91: {  	[sflag:s6] =	ssyncadd.s32 $0xFFFFFD80  }
0x92: {  	[tilespmem:s28], [sflag:$0x1] =	stream.indirect.gather [hbm4b:s4+s26], $0x40, s2, s26, $0xb8;
	[tilespmem:$0x1E800] =	vst v63  }
0x93: {  	_ = 	snop  }
0x94: {  	[spmem:s1] =	stream.indirect.scatter.add.f32 [tilespmem:s0], [sflag:$0x5], $0x40, s29, s26, $0xb8;
	[tilespmem:$0x1E800] =	vst v63  }
0x95: {  	_ =	swait.ge [sflag:s23], $0xA000  }
0x96: {  	[sflag:s23] =	ssyncset.done $0x0  }
0x97: {  	[sflag:s23] =	ssyncadd.s32 $0xFFFF6000  }
0x98: {  	[tilespmem:s26], [sflag:$0x3] =	stream.linear.gather [hbm4b:s15+s2], $0x280, $0x38;
	[tilespmem:$0x1E800] =	vst v63  }
0x99: {  	_ = 	snop  }
0x9a: {  	[tilespmem:s29], [sflag:$0x3] =	stream.linear.gather [hbm4b:s16+s2], $0x280, $0x38;
	[tilespmem:$0x1E800] =	vst v63  }
0x9b: {  	_ =	swait.ge [sflag:s30], $0x280  }
0x9c: {  	[sflag:s30] =	ssyncset.done $0x0  }
0x9d: {  	[sflag:s30] =	ssyncadd.s32 $0xFFFFFD80  }
0x9e: {  	_ =	swait.ge [sflag:s30], $0x280  }
0x9f: {  	[sflag:s30] =	ssyncset.done $0x0  }
0xa0: {  	[sflag:s30] =	ssyncadd.s32 $0xFFFFFD80  }
0xa1: {  	_ =	swait.ge [sflag:s31], $0xA000  }
0xa2: {  	[sflag:s31] =	ssyncset.done $0x0  }
0xa3: {  	[sflag:s31] =	ssyncadd.s32 $0xFFFF6000  }
0xa4: {  	[tilespmem:s0], [sflag:$0x2] =	stream.indirect.gather [hbm4b:s4+s26], $0x40, s26, s26, $0xb8;
	[tilespmem:$0x1E800] =	vst v63  }
0xa5: {  	_ = 	snop  }
0xa6: {  	[spmem:s1] =	stream.indirect.scatter.add.f32 [tilespmem:s28], [sflag:$0x5], $0x40, s24, s26, $0xb8;
	[tilespmem:$0x1E800] =	vst v63  }
0xa7: {  	_ =	swait.ge [sflag:s23], $0xA000  }
0xa8: {  	[sflag:s23] =	ssyncset.done $0x0  }
0xa9: {  	[sflag:s23] =	ssyncadd.s32 $0xFFFF6000  }
0xaa: {  	[tilespmem:s2], [sflag:$0x4] =	stream.linear.gather [hbm4b:s15+s2], $0x280, $0x38;
	[tilespmem:$0x1E800] =	vst v63  }
0xab: {  	_ = 	snop  }
0xac: {  	[tilespmem:s24], [sflag:$0x4] =	stream.linear.gather [hbm4b:s16+s2], $0x280, $0x38;
	[tilespmem:$0x1E800] =	vst v63  }
0xad: {  	_ =	swait.ge [sflag:s3], $0xA000  }
0xae: {  	[sflag:s3] =	ssyncset.done $0x0  }
0xaf: {  	[sflag:s3] =	ssyncadd.s32 $0xFFFF6000  }
0xb0: {  	_ =	swait.ge [sflag:s6], $0x280  }
0xb1: {  	[sflag:s6] =	ssyncset.done $0x0  }
0xb2: {  	[sflag:s6] =	ssyncadd.s32 $0xFFFFFD80  }
0xb3: {  	_ =	swait.ge [sflag:s6], $0x280  }
0xb4: {  	[sflag:s6] =	ssyncset.done $0x0  }
0xb5: {  	[sflag:s6] =	ssyncadd.s32 $0xFFFFFD80  }
0xb6: {  	[tilespmem:s28], [sflag:$0x1] =	stream.indirect.gather [hbm4b:s4+s26], $0x40, s2, s26, $0xb8;
	[tilespmem:$0x1E800] =	vst v63  }
0xb7: {  	_ = 	snop  }
0xb8: {  	[spmem:s1] =	stream.indirect.scatter.add.f32 [tilespmem:s0], [sflag:$0x5], $0x40, s29, s26, $0xb8;
	[tilespmem:$0x1E800] =	vst v63  }
0xb9: {  	_ =	swait.ge [sflag:s23], $0xA000  }
0xba: {  	[sflag:s23] =	ssyncset.done $0x0  }
0xbb: {  	[sflag:s23] =	ssyncadd.s32 $0xFFFF6000  }
0xbc: {  	[tilespmem:s26], [sflag:$0x3] =	stream.linear.gather [hbm4b:s15+s2], $0x280, $0x38;
	[tilespmem:$0x1E800] =	vst v63  }
0xbd: {  	_ = 	snop  }
0xbe: {  	[tilespmem:s29], [sflag:$0x3] =	stream.linear.gather [hbm4b:s16+s2], $0x280, $0x38;
	[tilespmem:$0x1E800] =	vst v63  }
0xbf: {  	_ =	swait.ge [sflag:s30], $0x280  }
0xc0: {  	[sflag:s30] =	ssyncset.done $0x0  }
0xc1: {  	[sflag:s30] =	ssyncadd.s32 $0xFFFFFD80  }
0xc2: {  	_ =	swait.ge [sflag:s30], $0x280  }
0xc3: {  	[sflag:s30] =	ssyncset.done $0x0  }
0xc4: {  	[sflag:s30] =	ssyncadd.s32 $0xFFFFFD80  }
0xc5: {  	_ =	swait.ge [sflag:s31], $0xA000  }
0xc6: {  	[sflag:s31] =	ssyncset.done $0x0  }
0xc7: {  	[sflag:s31] =	ssyncadd.s32 $0xFFFF6000  }
0xc8: {  	s9 =	simm.s32 @p0 $0x5;
	[bflag:$0x0] =	sbarrier.arrive $0xFFFF  }
0xc9: {  	[hbm:s13], [sflag:s7] =	dma.local @p0 [spmem:s25], $0x1040  }
0xca: {  	_ =	swait.ge @p0 [sflag:s9], $0x1040  }
0xcb: {  	s8 =	sadd.s32 $0x1, s8;
	[sflag:s9] =	ssyncset.done @p0 $0x0  }
0xcc: {  	p1 =	sne.s32 s8, s14;
	[sflag:s9] =	ssyncadd.s32 @p0 $0xFFFFEFC0;
	s9 =	sshrl.u32 @!p0 s5, $0x3  }
0xcd: {  	[hbm:s12], [sflag:s7] =	dma.local @!p0 [spmem:s9], $0x13C0  }
.Ltmp1:
0xce: {  	_ = 	snop;
	(pc) =	sbr.rel @p1 .LBB2_1-.Ltmp1, $4  }
0xcf: {  	s9 =	simm.s32 @!p0 $0x5  }
0xd0: {  	_ =	swait.ge @!p0 [sflag:s9], $0x13C0  }
0xd1: {  	[sflag:s9] =	ssyncset.done @!p0 $0x0  }
0xd2: {  	[sflag:s9] =	ssyncadd.s32 @!p0 $0xFFFFEC40  }
0xd3: {  	_ =	sfence.sel $0x180000  }
0xd4: {  	[bflag:$0x0] =	sbarrier.arrive $0xFFFF  }
0xd5: {  	_ =	strace $0x90000047  }
0xd6: {  	s0 =	stileid.u32;
	[bflag:$0x2] =	sbarrier.arrive $0xFFFF  }
0xd7: {  	p0 =	sne.s32 s0, $0x0;
	s0 =	rddreg [dreg:$0x3]  }
0xd8: {  	s0 =	sadd.s32 @!p0 $0x100000, s0  }
0xd9: {  	[sflag:s0] =	ssyncadd.tile.s32 @!p0 $0x1;
	_ =	shalt  }
.Lfunc_end2:
_tile_overlayer_lowered:
.L_overlay_start_2:
0xda: {  	(tag) =	ssettag $0x2  }
0xdb: {  	s0 =	rddreg [dreg:$0x0];
	s2 =	stileid.u32  }
0xdc: {  	s1 =	rddreg [dreg:$0x1];
	p0 =	sne.s32 s2, $0x0  }
0xdd: {  	s3 =	rddreg [dreg:$0x2];
	[bflag:$0x3] =	sbarrier.arrive $0xFFFF;
	s2 =	simm.s32 @!p0 $0x1C05  }
0xde: {  	[timem:s3], [sflag:s2] =	dma.local @!p0 [hbm:s0], s1  }
0xdf: {  	s0 =	simm.s32 @!p0 $0x5  }
0xe0: {  	_ =	swait.ge @!p0 [sflag:s0], s1  }
0xe1: {  	s1 =	ssub.s32 @!p0 $0x0, s1;
	[sflag:s0] =	ssyncset.done @!p0 $0x0  }
0xe2: {  	[sflag:s0] =	ssyncadd.s32 @!p0 s1  }
0xe3: {  	[bflag:$0x3] =	sbarrier.arrive $0xFFFF  }
0xe4: {  	_ =	shalt  }

// kernel: kernel.16.cloned.1.call-start
scs
__scs_entry_jumppad:
0x0: {  	(pc) =	sbr.rel $0x88, $3  }
0x1: {  	(tag) =	ssettag $0x0;
	lr =	simm.s32 $0x1  }
0x2: {  	[smem:$0x3F97] =	sst lr;
	_ =	strace $0xD0000000  }
0x3: {  	_ = 	snop  }
0x4: {  	_ = 	snop  }
0x5: {  	_ = 	snop  }
0x6: {  	_ = 	snop  }
0x7: {  	_ = 	snop  }
__scs_overlays_trampoline_lowered:
0x8: {  	[smem:$0x3FA6] =	sst s0  }
0x9: {  	[smem:$0x3FA7] =	sst s1  }
0xa: {  	[smem:$0x3FA8] =	sst s2  }
0xb: {  	[smem:$0x3FA9] =	sst s3  }
0xc: {  	[smem:$0x3FAA] =	sst s4  }
0xd: {  	[smem:$0x3FAB] =	sst s5  }
0xe: {  	[smem:$0x3FAC] =	sst s6  }
0xf: {  	[smem:$0x3FAD] =	sst s7  }
0x10: {  	[smem:$0x3FAE] =	sst s8  }
0x11: {  	[smem:$0x3FAF] =	sst s9;
	s0 =	simm.s32 @!p0 $0x0  }
0x12: {  	s1 =	sld [smem:$0x3F95];
	s0 =	simm.s32 @p0 $0x1  }
0x13: {  	[smem:$0x3FB0] =	sst s0;
	s0 =	simm.s32 @!p1 $0x0  }
0x14: {  	s2 =	sld [smem:$0x3F94];
	s0 =	simm.s32 @p1 $0x1  }
0x15: {  	[smem:$0x3FB1] =	sst s0;
	s0 =	simm.s32 @!p2 $0x0  }
0x16: {  	s3 =	sld [smem:$0x3FDB];
	s0 =	simm.s32 @p2 $0x1  }
0x17: {  	s4 =	simm.s32 $0x1BF5;
	[smem:$0x3FB3] =	sst s0  }
0x18: {  	s0 =	sld [smem:$0x3F96];
	_ =	swait.ge [sflag:s4], $0x0  }
0x19: {  	s7 =	sld [smem:$0x3F97]  }
0x1a: {  	s8 =	sadd.s32 $0xFFFFE003, lr  }
0x1b: {  	s9 =	sadd.s32 $0xFFFFFEF7, lr;
	s5 =	simm.s32 $0xFFFFFFFF;
	p2 =	slt.u32 s8, $0xFFFFF086  }
0x1c: {  	p1 =	slt.u32 s9, $0xF7A;
	s5 =	simm.s32 @!p2 $0x0  }
0x1d: {  	s5 =	simm.s32 @p1 $0x1;
	p0 =	seq.s32 s7, s2  }
0x1e: {  	s7 =	smul.u32 @!p0 $0xF7A, s2;
	p2 =	seq.s32 @!p0 s5, $0x0  }
0x1f: {  	s9 =	smul.u32 $0xF7A, s1;
	s8 =	simm.s32 @!p0 $0x1BF5;
	p2 =	por !p2, p0  }
0x20: {  	[sflag:s8] =	ssyncset.s32 @!p0 $0xFFFFF086;
	s6 =	sadd.s32 @!p0 s3, s7;
	s7 =	simm.s32 @!p0 $0x108  }
0x21: {  	s3 =	sadd.s32 s3, s9;
	s6 =	sadd.s32 @!p0 $0x88, s6;
	s7 =	simm.s32 @p2 $0x1082  }
0x22: {  	[simem:s7], [sflag:s8] =	dma.local @!p0 [hbm:s6], $0xF7A  }
0x23: {  	s9 =	sor.u32 $0xD0000000, s2;
	s6 =	simm.s32 $0x108;
	_ =	swait.ge @!p0 [sflag:s8], $0x0  }
0x24: {  	s3 =	sadd.s32 $0x88, s3;
	s6 =	simm.s32 @!p1 $0x1082;
	[sflag:s4] =	ssyncset.s32 $0xFFFFF086  }
0x25: {  	[simem:s6], [sflag:s4] =	dma.local [hbm:s3], $0xF7A  }
0x26: {  	[smem:$0x3F97] =	sst s1;
	(tag) =	ssettag s2;
	_ =	strace s9  }
0x27: {  	s1 =	sld [smem:$0x3FA7]  }
0x28: {  	s2 =	sld [smem:$0x3FA8]  }
0x29: {  	s4 =	sld [smem:$0x3FAA]  }
0x2a: {  	p0 =	seq.s32 s5, $0x0;
	s5 =	sld [smem:$0x3FAB]  }
0x2b: {  	s6 =	sld [smem:$0x3FAC]  }
0x2c: {  	s7 =	sld [smem:$0x3FAD]  }
0x2d: {  	s3 =	simm.s32 $0x108;
	s8 =	sld [smem:$0x3FAE]  }
0x2e: {  	s3 =	simm.s32 @!p0 $0x1082;
	s9 =	sld [smem:$0x3FAF]  }
0x2f: {  	lr =	sadd.s32 s0, s3;
	s0 =	sld [smem:$0x3FA6]  }
0x30: {  	s3 =	sld [smem:$0x3FA9]  }
0x31: {  	[smem:$0x3FB2] =	sst s10  }
0x32: {  	s10 =	sld [smem:$0x3FB0];
	_ =	sdelay $0x3  }
0x33: {  	p0 =	seq.s32 s10, $0x1;
	s10 =	sld [smem:$0x3FB2];
	_ =	sdelay $0x3  }
0x34: {  	[smem:$0x3FB2] =	sst s10  }
0x35: {  	s10 =	sld [smem:$0x3FB1];
	_ =	sdelay $0x3  }
0x36: {  	p1 =	seq.s32 s10, $0x1;
	s10 =	sld [smem:$0x3FB2];
	_ =	sdelay $0x3  }
0x37: {  	[smem:$0x3FB2] =	sst s10  }
0x38: {  	s10 =	sld [smem:$0x3FB3]  }
0x39: {  	_ = 	snop;
	(pc) =	sbr.ind lr, $3  }
0x3a: {  	_ = 	snop  }
0x3b: {  	_ = 	snop  }
0x3c: {  	p2 =	seq.s32 s10, $0x1;
	s10 =	sld [smem:$0x3FB2]  }
0x3d: {  	_ =	shalt  }
0x3e: {  	_ =	shalt  }
0x3f: {  	_ =	shalt  }
0x40: {  	_ =	shalt  }
0x41: {  	_ =	shalt  }
0x42: {  	_ =	shalt  }
0x43: {  	_ =	shalt  }
0x44: {  	_ =	shalt  }
0x45: {  	_ =	shalt  }
0x46: {  	_ =	shalt  }
0x47: {  	_ =	shalt  }
0x48: {  	_ =	shalt  }
0x49: {  	_ =	shalt  }
0x4a: {  	_ =	shalt  }
0x4b: {  	_ =	shalt  }
0x4c: {  	_ =	shalt  }
0x4d: {  	_ =	shalt  }
0x4e: {  	_ =	shalt  }
0x4f: {  	_ =	shalt  }
0x50: {  	_ =	shalt  }
0x51: {  	_ =	shalt  }
0x52: {  	_ =	shalt  }
0x53: {  	_ =	shalt  }
0x54: {  	_ =	shalt  }
0x55: {  	_ =	shalt  }
0x56: {  	_ =	shalt  }
0x57: {  	_ =	shalt  }
0x58: {  	_ =	shalt  }
0x59: {  	_ =	shalt  }
0x5a: {  	_ =	shalt  }
0x5b: {  	_ =	shalt  }
0x5c: {  	_ =	shalt  }
0x5d: {  	_ =	shalt  }
0x5e: {  	_ =	shalt  }
0x5f: {  	_ =	shalt  }
0x60: {  	_ =	shalt  }
0x61: {  	_ =	shalt  }
0x62: {  	_ =	shalt  }
0x63: {  	_ =	shalt  }
0x64: {  	_ =	shalt  }
0x65: {  	_ =	shalt  }
0x66: {  	_ =	shalt  }
0x67: {  	_ =	shalt  }
0x68: {  	_ =	shalt  }
0x69: {  	_ =	shalt  }
0x6a: {  	_ =	shalt  }
0x6b: {  	_ =	shalt  }
0x6c: {  	_ =	shalt  }
0x6d: {  	_ =	shalt  }
0x6e: {  	_ =	shalt  }
0x6f: {  	_ =	shalt  }
0x70: {  	_ =	shalt  }
0x71: {  	_ =	shalt  }
0x72: {  	_ =	shalt  }
0x73: {  	_ =	shalt  }
0x74: {  	_ =	shalt  }
0x75: {  	_ =	shalt  }
0x76: {  	_ =	shalt  }
0x77: {  	_ =	shalt  }
0x78: {  	_ =	shalt  }
0x79: {  	_ =	shalt  }
0x7a: {  	_ =	shalt  }
0x7b: {  	_ =	shalt  }
0x7c: {  	_ =	shalt  }
0x7d: {  	_ =	shalt  }
0x7e: {  	_ =	shalt  }
0x7f: {  	_ =	shalt  }
0x80: {  	_ =	shalt  }
0x81: {  	_ =	shalt  }
0x82: {  	_ =	shalt  }
0x83: {  	_ =	shalt  }
0x84: {  	_ =	shalt  }
0x85: {  	_ =	shalt  }
0x86: {  	_ =	shalt  }
0x87: {  	_ =	shalt  }
.Lfunc_end0:
.L_simem_size_0:
called_computation.2_lowered:
.L_overlay_start_0:
0x88: {  	s2 =	sld [smem:$0x3FD9]  }
0x89: {  	s3 =	sld [smem:$0x3FFE];
	_ =	sdelay $0x1  }
0x8a: {  	s1 =	srdreg.scid  }
0x8b: {  	s0 =	sand.u32 $0x1, s1  }
0x8c: {  	s14 =	sshll.u32 s0, $0xA;
	s2 =	sadd.s32 s3, s2  }
0x8d: {  	s2 =	sadd.s32 s2, s14  }
0x8e: {  	[smem:$0x3FBE] =	sst s2  }
0x8f: {  	_ = 	snop  }
0x90: {  	s2 =	sld [smem:$0x3FD0];
	_ =	sdelay $0x2  }
0x91: {  	s15 =	simm.s32 $0xB;
	s4 =	simm.s32 $0x10  }
0x92: {  	[smem:s4], [sflag:s15] =	dma.local [hbm:s2], $0x1  }
0x93: {  	_ =	swait.eq [sflag:s15], $0x1  }
0x94: {  	[sflag:s15] =	ssyncset.done $0x0  }
0x95: {  	[sflag:s15] =	ssyncadd.s32 $0xFFFFFFFF  }
0x96: {  	s16 =	sld [smem:$0x10];
	(tm) =	ssettm $0x1  }
0x97: {  	s17 =	sld [smem:$0x3FFB];
	_ =	sdelay $0x3  }
0x98: {  	_ =	strace s17  }
0x99: {  	s3 =	sld [smem:$0x3FFC];
	_ =	sdelay $0x3  }
0x9a: {  	_ =	strace s3  }
0x9b: {  	s3 =	sld [smem:$0x3FFD];
	_ =	sdelay $0x3  }
0x9c: {  	_ =	strace s3  }
0x9d: {  	_ =	strace $0x8FFFFFFF  }
0x9e: {  	s18 =	sld [smem:$0x3FDB];
	_ =	sdelay $0x1  }
0x9f: {  	s19 =	simm.s32 $_scs_section_size  }
0xa0: {  	s5 =	simm.s32 $_size__tile_overlayer_lowered;
	s6 =	simm.s32 $_tile_overlayer_lowered  }
0xa1: {  	s22 =	simm.s32 $0x1BFF;
	s21 =	sshll.u32 s6, $0x1;
	s3 =	sadd.s32 s19, s18  }
0xa2: {  	s7 =	simm.s32 $0x0;
	s20 =	sshll.u32 s5, $0x1;
	s5 =	sadd.s32 s21, s3  }
0xa3: {  	[timem:s7], [sflag:s22] =	dma.local [hbm:s5], s20  }
0xa4: {  	_ =	swait.ge [sflag:s22], s20  }
0xa5: {  	s4 =	ssub.s32 $0x0, s20;
	[sflag:s22] =	ssyncset.done $0x0  }
0xa6: {  	[sflag:s22] =	ssyncadd.s32 s4;
	_ =	sdelay $0x1  }
0xa7: {  	s23 =	simm.s32 $0x1B8B  }
0xa8: {  	_ =	swait.ge [sflag:s23], $0x1  }
0xa9: {  	[sflag:s23] =	ssyncset.done $0x0  }
0xaa: {  	s25 =	simm.s32 $0x1B8E;
	s24 =	sld [smem:$0x3FFE];
	[sflag:s23] =	ssyncadd.s32 $0xFFFFFFFF  }
0xab: {  	s26 =	simm.s32 $execute0_lowered;
	[smem:$0x3FD2] =	sst s25  }
0xac: {  	s5 =	sshll.u32 s26, $0x1;
	_ =	strace $0x8000004C;
	[dreg:$0x1] =	wrdreg $0xFFFFFFFF  }
0xad: {  	s28 =	simm.s32 $_size_execute0_lowered;
	s3 =	sadd.s32 s3, s5;
	[dreg:$0x0] =	wrdreg $0x0  }
0xae: {  	s5 =	sshll.u32 s28, $0x1;
	[dreg:$0x2] =	wrdreg s3  }
0xaf: {  	[dreg:$0x3] =	wrdreg s5  }
0xb0: {  	[dreg:$0x4] =	wrdreg $0xC0  }
0xb1: {  	_ =	task [dreg:s7], $0x5FFFF  }
0xb2: {  	[dreg:$0x1] =	wrdreg $0xFFFFFFFF  }
0xb3: {  	[dreg:$0x0] =	wrdreg $0x60  }
0xb4: {  	[dreg:$0x2] =	wrdreg s24  }
0xb5: {  	[dreg:$0x3] =	wrdreg s16  }
0xb6: {  	[dreg:$0x4] =	wrdreg $0x14A000  }
0xb7: {  	[dreg:$0x5] =	wrdreg $0x9  }
0xb8: {  	_ =	task.clear_ibuf [dreg:s7], $0x6FFFF;
	_ =	strace $0x9000004C  }
0xb9: {  	s29 =	simm.s32 $0x9;
	_ =	strace $0x8000004E  }
0xba: {  	_ =	swait.ge [sflag:s29], $0x1  }
0xbb: {  	[sflag:s29] =	ssyncadd.s32 $0xFFFFFFFF  }
0xbc: {  	_ =	strace $0x9000004E  }
0xbd: {  	_ =	sfence  }
0xbe: {  	s30 =	sld [smem:$0x0];
	_ =	sdelay $0x2  }
0xbf: {  	s31 =	sshll.u32 s1, $0xD;
	s1 =	sshrl.u32 s1, $0x2  }
0xc0: {  	s3 =	sand.u32 $0x4000, s31;
	s1 =	sadd.s32 s1, s30  }
0xc1: {  	s0 =	sor.u32 s3, s0;
	s1 =	sshll.u32 s1, $0x11  }
0xc2: {  	s0 =	sor.u32 s1, s0  }
0xc3: {  	s0 =	sadd.s32 $0x8F2B, s0  }
0xc4: {  	[sflag:s0] =	ssyncadd.remote.s32 $0x1  }
0xc5: {  	_ =	sfence.sel $0xFFFF  }
0xc6: {  	[dreg:$0x0] =	wrdreg $0xFFFFFFFF;
	(pc) =	sbr.abs _section_cstart, $3  }
0xc7: {  	[dreg:$0x1] =	wrdreg $0xFFFFFFFF  }
0xc8: {  	_ =	task.clear_ibuf [dreg:s7], $0x2FFFF;
	_ =	strace $0x9FFFFFFF  }
0xc9: {  	(tm) =	ssettm $0x7FFFFFFF  }
tec
execute0_lowered:
.L_overlay_start_1:
0x0: {  	(tag) =	ssettag $0x1  }
0x1: {  	s0 =	rddreg [dreg:$0x0]  }
0x2: {  	s3 =	rddreg [dreg:$0x1]  }
0x3: {  	s1 =	rddreg [dreg:$0x2]  }
0x4: {  	s2 =	simm.s32 $0x0;
	s5 =	srdreg.scid;
	s23 =	stileid.u32  }
0x5: {  	s28 =	simm.s32 $0xA00;
	s29 =	simm.s32 $0x780;
	s30 =	simm.s32 $0x3  }
0x6: {  	s31 =	simm.s32 $0x1;
	[smem:$0x7FF] =	sst s2;
	s4 =	sadd.s32 $0x3000, s0  }
0x7: {  	s6 =	sadd.s32 $0x2AA00, s0;
	s8 =	sand.u32 $0x1, s5;
	s9 =	sadd.s32 $0x16A00, s0  }
0x8: {  	s10 =	smul.u32 $0x9E00, s23;
	s0 =	sadd.s32 $0x3EA00, s0;
	s15 =	sshll.u32 s23, $0x6  }
0x9: {  	s25 =	smul.u32 $0x5000, s23;
	p0 =	seq.s32 s23, $0xF;
	_ =	strace $0x8000004D  }
0xa: {  	s5 =	sshll.u32 s8, $0x4;
	s7 =	ssub.s32 $0x2, s8;
	s18 =	smul.u32 $0x9C400, s8  }
0xb: {  	s8 =	smul.u32 $0x50000, s8;
	s5 =	sor.u32 s23, s5;
	s11 =	sshrl.u32 s7, $0x1  }
0xc: {  	s13 =	sshrl.u32 s10, $0x3;
	s23 =	simm.s32 $0x5;
	s12 =	smul.u32 $0x5000, s5  }
0xd: {  	s14 =	ssub.s32 s7, s11;
	s5 =	sadd.s32 s10, s1;
	s3 =	sadd.s32 s3, s13  }
0xe: {  	s7 =	sor.u32 $0x1C05, s15;
	s22 =	sadd.s32 s10, s18;
	s24 =	sshrl.u32 s18, $0x3  }
0xf: {  	[dreg:$0x4] =	wrdreg s3;
	s10 =	sadd.s32 s0, s24;
	s14 =	smax.u32 s14, $0x1  }
0x10: {  	s24 =	simm.s32 $0x500;
	s16 =	sshrl.u32 s12, $0x3;
	s13 =	sadd.s32 $0x12840, s10  }
0x11: {  	s17 =	sor.u32 $0x50, s16;
	s19 =	sadd.s32 s6, s16;
	s20 =	sadd.s32 s9, s16  }
0x12: {  	s26 =	sadd.s32 $0x9B0, s16;
	s18 =	sadd.s32 $0x960, s16;
	[dreg:$0x5] =	wrdreg s19  }
0x13: {  	[dreg:$0x6] =	wrdreg s20;
	s21 =	sadd.s32 s6, s17;
	s3 =	sadd.s32 s9, s17  }
0x14: {  	s15 =	sadd.s32 s6, s26;
	s16 =	sadd.s32 s9, s26;
	s17 =	sadd.s32 s6, s18  }
0x15: {  	s18 =	sadd.s32 s9, s18;
	[dreg:$0x8] =	wrdreg s3;
	s3 =	sshrl.u32 s22, $0x3  }
0x16: {  	s26 =	simm.s32 $0x280;
	s12 =	sadd.s32 s0, s3;
	s0 =	sadd.s32 s25, s8  }
0x17: {  	[dreg:$0x7] =	wrdreg s21;
	s3 =	sadd.s32 $0x94200, s1;
	s8 =	sor.u32 $0x780, s0  }
0x18: {  	s0 =	sor.u32 $0x500, s0;
	s25 =	sshrl.u32 @p0 s3, $0x3;
	s8 =	sshrl.u32 s8, $0x3  }
0x19: {  	s3 =	simm.s32 $0x2;
	s0 =	sshrl.u32 s0, $0x3;
	s19 =	sadd.s32 s8, s9  }
0x1a: {  	s20 =	sadd.s32 s8, s6;
	s21 =	sadd.s32 s0, s9;
	s22 =	sadd.s32 s0, s6  }
0x1b: {  	s0 =	simm.s32 $0xAA00;
	s6 =	simm.s32 $0x4;
	s8 =	simm.s32 $0x0  }
.LBB2_1:
0x1c: {  	s9 =	sshrl.u32 s5, $0x3;
	s10 =	rddreg [dreg:$0x4]  }
0x1d: {  	[spmem:s9], [sflag:s7] =	dma.local [hbm:s10], $0x13C0  }
0x1e: {  	_ =	swait.ge [sflag:s23], $0x13C0  }
0x1f: {  	[sflag:s23] =	ssyncset.done $0x0  }
0x20: {  	s11 =	rddreg [dreg:$0x5];
	[sflag:s23] =	ssyncadd.s32 $0xFFFFEC40  }
0x21: {  	[tilespmem:s2], [sflag:$0x5] =	stream.linear.gather [hbm4b:s11+s2], $0x280, $0x38;
	[tilespmem:$0x1E800] =	vst v63  }
0x22: {  	_ =	swait.ge [sflag:s23], $0x280  }
0x23: {  	[sflag:s23] =	ssyncset.done $0x0  }
0x24: {  	s10 =	rddreg [dreg:$0x6];
	[sflag:s23] =	ssyncadd.s32 $0xFFFFFD80  }
0x25: {  	[tilespmem:s24], [sflag:$0x5] =	stream.linear.gather [hbm4b:s10+s2], $0x280, $0x38;
	[tilespmem:$0x1E800] =	vst v63  }
0x26: {  	_ =	swait.ge [sflag:s23], $0x280  }
0x27: {  	[sflag:s23] =	ssyncset.done $0x0  }
0x28: {  	[sflag:s23] =	ssyncadd.s32 $0xFFFFFD80  }
0x29: {  	[bflag:$0x0] =	sbarrier.arrive $0xFFFF  }
0x2a: {  	[tilespmem:s28], [sflag:$0x1] =	stream.indirect.gather [hbm4b:s4+s26], $0x40, s2, s26, $0xb8;
	[tilespmem:$0x1E800] =	vst v63  }
0x2b: {  	s11 =	rddreg [dreg:$0x7]  }
0x2c: {  	[tilespmem:s26], [sflag:$0x3] =	stream.linear.gather [hbm4b:s11+s2], $0x280, $0x38;
	[tilespmem:$0x1E800] =	vst v63  }
0x2d: {  	s10 =	rddreg [dreg:$0x8]  }
0x2e: {  	[tilespmem:s29], [sflag:$0x3] =	stream.linear.gather [hbm4b:s10+s2], $0x280, $0x38;
	[tilespmem:$0x1E800] =	vst v63  }
0x2f: {  	_ =	swait.ge [sflag:s30], $0x280  }
0x30: {  	[sflag:s30] =	ssyncset.done $0x0  }
0x31: {  	[sflag:s30] =	ssyncadd.s32 $0xFFFFFD80  }
0x32: {  	_ =	swait.ge [sflag:s30], $0x280  }
0x33: {  	[sflag:s30] =	ssyncset.done $0x0  }
0x34: {  	[sflag:s30] =	ssyncadd.s32 $0xFFFFFD80  }
0x35: {  	_ =	swait.ge [sflag:s31], $0xA000  }
0x36: {  	[sflag:s31] =	ssyncset.done $0x0  }
0x37: {  	[sflag:s31] =	ssyncadd.s32 $0xFFFF6000  }
0x38: {  	[tilespmem:s0], [sflag:$0x2] =	stream.indirect.gather [hbm4b:s4+s26], $0x40, s26, s26, $0xb8;
	[tilespmem:$0x1E800] =	vst v63  }
0x39: {  	_ = 	snop  }
0x3a: {  	[spmem:s1] =	stream.indirect.scatter.add.f32 [tilespmem:s28], [sflag:$0x5], $0x40, s24, s26, $0xb8;
	[tilespmem:$0x1E800] =	vst v63  }
0x3b: {  	_ =	swait.ge [sflag:s23], $0xA000  }
0x3c: {  	[sflag:s23] =	ssyncset.done $0x0  }
0x3d: {  	s11 =	sadd.s32 $0x0, s22;
	[sflag:s23] =	ssyncadd.s32 $0xFFFF6000  }
0x3e: {  	[tilespmem:s2], [sflag:$0x4] =	stream.linear.gather [hbm4b:s11+s2], $0x280, $0x38;
	[tilespmem:$0x1E800] =	vst v63  }
0x3f: {  	s10 =	sadd.s32 $0x0, s21  }
0x40: {  	[tilespmem:s24], [sflag:$0x4] =	stream.linear.gather [hbm4b:s10+s2], $0x280, $0x38;
	[tilespmem:$0x1E800] =	vst v63  }
0x41: {  	_ =	swait.ge [sflag:s3], $0xA000  }
0x42: {  	[sflag:s3] =	ssyncset.done $0x0  }
0x43: {  	[sflag:s3] =	ssyncadd.s32 $0xFFFF6000  }
0x44: {  	_ =	swait.ge [sflag:s6], $0x280  }
0x45: {  	[sflag:s6] =	ssyncset.done $0x0  }
0x46: {  	[sflag:s6] =	ssyncadd.s32 $0xFFFFFD80  }
0x47: {  	_ =	swait.ge [sflag:s6], $0x280  }
0x48: {  	[sflag:s6] =	ssyncset.done $0x0  }
0x49: {  	[sflag:s6] =	ssyncadd.s32 $0xFFFFFD80  }
0x4a: {  	[tilespmem:s28], [sflag:$0x1] =	stream.indirect.gather [hbm4b:s4+s26], $0x40, s2, s26, $0xb8;
	[tilespmem:$0x1E800] =	vst v63  }
0x4b: {  	_ = 	snop  }
0x4c: {  	[spmem:s1] =	stream.indirect.scatter.add.f32 [tilespmem:s0], [sflag:$0x5], $0x40, s29, s26, $0xb8;
	[tilespmem:$0x1E800] =	vst v63  }
0x4d: {  	_ =	swait.ge [sflag:s23], $0xA000  }
0x4e: {  	s9 =	simm.s32 $0xA0;
	[sflag:s23] =	ssyncset.done $0x0  }
0x4f: {  	s11 =	sadd.s32 $0x0, s20;
	s10 =	sadd.s32 $0x0, s19;
	[sflag:s23] =	ssyncadd.s32 $0xFFFF6000  }
0x50: {  	[tilespmem:s26], [sflag:$0x3] =	stream.linear.gather [hbm4b:s11+s2], $0x280, $0x38;
	[tilespmem:$0x1E800] =	vst v63  }
.LBB2_2:
0x51: {  	[tilespmem:s29], [sflag:$0x3] =	stream.linear.gather [hbm4b:s10+s2], $0x280, $0x38;
	[tilespmem:$0x1E800] =	vst v63  }
0x52: {  	s10 =	smov.u32 s9  }
0x53: {  	p1 =	sne.s32 s9, $0x820;
	s9 =	sadd.s32 $0xA0, s9;
	_ =	swait.ge [sflag:s30], $0x280  }
0x54: {  	[sflag:s30] =	ssyncset.done $0x0  }
0x55: {  	[sflag:s30] =	ssyncadd.s32 $0xFFFFFD80  }
0x56: {  	_ =	swait.ge [sflag:s30], $0x280  }
0x57: {  	[sflag:s30] =	ssyncset.done $0x0  }
0x58: {  	[sflag:s30] =	ssyncadd.s32 $0xFFFFFD80  }
0x59: {  	_ =	swait.ge [sflag:s31], $0xA000  }
0x5a: {  	[sflag:s31] =	ssyncset.done $0x0  }
0x5b: {  	[sflag:s31] =	ssyncadd.s32 $0xFFFF6000  }
0x5c: {  	[tilespmem:s0], [sflag:$0x2] =	stream.indirect.gather [hbm4b:s4+s26], $0x40, s26, s26, $0xb8;
	[tilespmem:$0x1E800] =	vst v63  }
0x5d: {  	_ = 	snop  }
0x5e: {  	[spmem:s1] =	stream.indirect.scatter.add.f32 [tilespmem:s28], [sflag:$0x5], $0x40, s24, s26, $0xb8;
	[tilespmem:$0x1E800] =	vst v63  }
0x5f: {  	_ =	swait.ge [sflag:s23], $0xA000  }
0x60: {  	[sflag:s23] =	ssyncset.done $0x0  }
0x61: {  	s11 =	sadd.s32 s10, s22;
	[sflag:s23] =	ssyncadd.s32 $0xFFFF6000  }
0x62: {  	[tilespmem:s2], [sflag:$0x4] =	stream.linear.gather [hbm4b:s11+s2], $0x280, $0x38;
	[tilespmem:$0x1E800] =	vst v63  }
0x63: {  	s11 =	sadd.s32 s10, s21  }
0x64: {  	[tilespmem:s24], [sflag:$0x4] =	stream.linear.gather [hbm4b:s11+s2], $0x280, $0x38;
	[tilespmem:$0x1E800] =	vst v63  }
0x65: {  	_ =	swait.ge [sflag:s3], $0xA000  }
0x66: {  	[sflag:s3] =	ssyncset.done $0x0  }
0x67: {  	[sflag:s3] =	ssyncadd.s32 $0xFFFF6000  }
0x68: {  	_ =	swait.ge [sflag:s6], $0x280  }
0x69: {  	[sflag:s6] =	ssyncset.done $0x0  }
0x6a: {  	[sflag:s6] =	ssyncadd.s32 $0xFFFFFD80  }
0x6b: {  	_ =	swait.ge [sflag:s6], $0x280  }
0x6c: {  	[sflag:s6] =	ssyncset.done $0x0  }
0x6d: {  	[sflag:s6] =	ssyncadd.s32 $0xFFFFFD80  }
0x6e: {  	[tilespmem:s28], [sflag:$0x1] =	stream.indirect.gather [hbm4b:s4+s26], $0x40, s2, s26, $0xb8;
	[tilespmem:$0x1E800] =	vst v63  }
0x6f: {  	_ = 	snop  }
0x70: {  	[spmem:s1] =	stream.indirect.scatter.add.f32 [tilespmem:s0], [sflag:$0x5], $0x40, s29, s26, $0xb8;
	[tilespmem:$0x1E800] =	vst v63  }
.Ltmp0:
0x71: {  	_ =	swait.ge [sflag:s23], $0xA000;
	(pc) =	sbr.rel @p1 .LBB2_2-.Ltmp0, $4  }
0x72: {  	[sflag:s23] =	ssyncset.done $0x0  }
0x73: {  	s11 =	sadd.s32 s10, s20;
	[sflag:s23] =	ssyncadd.s32 $0xFFFF6000  }
0x74: {  	[tilespmem:s26], [sflag:$0x3] =	stream.linear.gather [hbm4b:s11+s2], $0x280, $0x38;
	[tilespmem:$0x1E800] =	vst v63  }
0x75: {  	s10 =	sadd.s32 s10, s19  }
0x76: {  	[tilespmem:s29], [sflag:$0x3] =	stream.linear.gather [hbm4b:s10+s2], $0x280, $0x38;
	[tilespmem:$0x1E800] =	vst v63  }
0x77: {  	_ =	swait.ge [sflag:s30], $0x280  }
0x78: {  	[sflag:s30] =	ssyncset.done $0x0  }
0x79: {  	[sflag:s30] =	ssyncadd.s32 $0xFFFFFD80  }
0x7a: {  	_ =	swait.ge [sflag:s30], $0x280  }
0x7b: {  	[sflag:s30] =	ssyncset.done $0x0  }
0x7c: {  	[sflag:s30] =	ssyncadd.s32 $0xFFFFFD80  }
0x7d: {  	_ =	swait.ge [sflag:s31], $0xA000  }
0x7e: {  	[sflag:s31] =	ssyncset.done $0x0  }
0x7f: {  	[sflag:s31] =	ssyncadd.s32 $0xFFFF6000  }
0x80: {  	[tilespmem:s0], [sflag:$0x2] =	stream.indirect.gather [hbm4b:s4+s26], $0x40, s26, s26, $0xb8;
	[tilespmem:$0x1E800] =	vst v63  }
0x81: {  	_ = 	snop  }
0x82: {  	[spmem:s1] =	stream.indirect.scatter.add.f32 [tilespmem:s28], [sflag:$0x5], $0x40, s24, s26, $0xb8;
	[tilespmem:$0x1E800] =	vst v63  }
0x83: {  	_ =	swait.ge [sflag:s23], $0xA000  }
0x84: {  	[sflag:s23] =	ssyncset.done $0x0  }
0x85: {  	[sflag:s23] =	ssyncadd.s32 $0xFFFF6000  }
0x86: {  	[tilespmem:s2], [sflag:$0x4] =	stream.linear.gather [hbm4b:s17+s2], $0x280, $0x38;
	[tilespmem:$0x1E800] =	vst v63  }
0x87: {  	_ = 	snop  }
0x88: {  	[tilespmem:s24], [sflag:$0x4] =	stream.linear.gather [hbm4b:s18+s2], $0x280, $0x38;
	[tilespmem:$0x1E800] =	vst v63  }
0x89: {  	_ =	swait.ge [sflag:s3], $0xA000  }
0x8a: {  	[sflag:s3] =	ssyncset.done $0x0  }
0x8b: {  	[sflag:s3] =	ssyncadd.s32 $0xFFFF6000  }
0x8c: {  	_ =	swait.ge [sflag:s6], $0x280  }
0x8d: {  	[sflag:s6] =	ssyncset.done $0x0  }
0x8e: {  	[sflag:s6] =	ssyncadd.s32 $0xFFFFFD80  }
0x8f: {  	_ =	swait.ge [sflag:s6], $0x280  }
0x90: {  	[sflag:s6] =	ssyncset.done $0x0  }
0x91: {  	[sflag:s6] =	ssyncadd.s32 $0xFFFFFD80  }
0x92: {  	[tilespmem:s28], [sflag:$0x1] =	stream.indirect.gather [hbm4b:s4+s26], $0x40, s2, s26, $0xb8;
	[tilespmem:$0x1E800] =	vst v63  }
0x93: {  	_ = 	snop  }
0x94: {  	[spmem:s1] =	stream.indirect.scatter.add.f32 [tilespmem:s0], [sflag:$0x5], $0x40, s29, s26, $0xb8;
	[tilespmem:$0x1E800] =	vst v63  }
0x95: {  	_ =	swait.ge [sflag:s23], $0xA000  }
0x96: {  	[sflag:s23] =	ssyncset.done $0x0  }
0x97: {  	[sflag:s23] =	ssyncadd.s32 $0xFFFF6000  }
0x98: {  	[tilespmem:s26], [sflag:$0x3] =	stream.linear.gather [hbm4b:s15+s2], $0x280, $0x38;
	[tilespmem:$0x1E800] =	vst v63  }
0x99: {  	_ = 	snop  }
0x9a: {  	[tilespmem:s29], [sflag:$0x3] =	stream.linear.gather [hbm4b:s16+s2], $0x280, $0x38;
	[tilespmem:$0x1E800] =	vst v63  }
0x9b: {  	_ =	swait.ge [sflag:s30], $0x280  }
0x9c: {  	[sflag:s30] =	ssyncset.done $0x0  }
0x9d: {  	[sflag:s30] =	ssyncadd.s32 $0xFFFFFD80  }
0x9e: {  	_ =	swait.ge [sflag:s30], $0x280  }
0x9f: {  	[sflag:s30] =	ssyncset.done $0x0  }
0xa0: {  	[sflag:s30] =	ssyncadd.s32 $0xFFFFFD80  }
0xa1: {  	_ =	swait.ge [sflag:s31], $0xA000  }
0xa2: {  	[sflag:s31] =	ssyncset.done $0x0  }
0xa3: {  	[sflag:s31] =	ssyncadd.s32 $0xFFFF6000  }
0xa4: {  	[tilespmem:s0], [sflag:$0x2] =	stream.indirect.gather [hbm4b:s4+s26], $0x40, s26, s26, $0xb8;
	[tilespmem:$0x1E800] =	vst v63  }
0xa5: {  	_ = 	snop  }
0xa6: {  	[spmem:s1] =	stream.indirect.scatter.add.f32 [tilespmem:s28], [sflag:$0x5], $0x40, s24, s26, $0xb8;
	[tilespmem:$0x1E800] =	vst v63  }
0xa7: {  	_ =	swait.ge [sflag:s23], $0xA000  }
0xa8: {  	[sflag:s23] =	ssyncset.done $0x0  }
0xa9: {  	[sflag:s23] =	ssyncadd.s32 $0xFFFF6000  }
0xaa: {  	[tilespmem:s2], [sflag:$0x4] =	stream.linear.gather [hbm4b:s15+s2], $0x280, $0x38;
	[tilespmem:$0x1E800] =	vst v63  }
0xab: {  	_ = 	snop  }
0xac: {  	[tilespmem:s24], [sflag:$0x4] =	stream.linear.gather [hbm4b:s16+s2], $0x280, $0x38;
	[tilespmem:$0x1E800] =	vst v63  }
0xad: {  	_ =	swait.ge [sflag:s3], $0xA000  }
0xae: {  	[sflag:s3] =	ssyncset.done $0x0  }
0xaf: {  	[sflag:s3] =	ssyncadd.s32 $0xFFFF6000  }
0xb0: {  	_ =	swait.ge [sflag:s6], $0x280  }
0xb1: {  	[sflag:s6] =	ssyncset.done $0x0  }
0xb2: {  	[sflag:s6] =	ssyncadd.s32 $0xFFFFFD80  }
0xb3: {  	_ =	swait.ge [sflag:s6], $0x280  }
0xb4: {  	[sflag:s6] =	ssyncset.done $0x0  }
0xb5: {  	[sflag:s6] =	ssyncadd.s32 $0xFFFFFD80  }
0xb6: {  	[tilespmem:s28], [sflag:$0x1] =	stream.indirect.gather [hbm4b:s4+s26], $0x40, s2, s26, $0xb8;
	[tilespmem:$0x1E800] =	vst v63  }
0xb7: {  	_ = 	snop  }
0xb8: {  	[spmem:s1] =	stream.indirect.scatter.add.f32 [tilespmem:s0], [sflag:$0x5], $0x40, s29, s26, $0xb8;
	[tilespmem:$0x1E800] =	vst v63  }
0xb9: {  	_ =	swait.ge [sflag:s23], $0xA000  }
0xba: {  	[sflag:s23] =	ssyncset.done $0x0  }
0xbb: {  	[sflag:s23] =	ssyncadd.s32 $0xFFFF6000  }
0xbc: {  	[tilespmem:s26], [sflag:$0x3] =	stream.linear.gather [hbm4b:s15+s2], $0x280, $0x38;
	[tilespmem:$0x1E800] =	vst v63  }
0xbd: {  	_ = 	snop  }
0xbe: {  	[tilespmem:s29], [sflag:$0x3] =	stream.linear.gather [hbm4b:s16+s2], $0x280, $0x38;
	[tilespmem:$0x1E800] =	vst v63  }
0xbf: {  	_ =	swait.ge [sflag:s30], $0x280  }
0xc0: {  	[sflag:s30] =	ssyncset.done $0x0  }
0xc1: {  	[sflag:s30] =	ssyncadd.s32 $0xFFFFFD80  }
0xc2: {  	_ =	swait.ge [sflag:s30], $0x280  }
0xc3: {  	[sflag:s30] =	ssyncset.done $0x0  }
0xc4: {  	[sflag:s30] =	ssyncadd.s32 $0xFFFFFD80  }
0xc5: {  	_ =	swait.ge [sflag:s31], $0xA000  }
0xc6: {  	[sflag:s31] =	ssyncset.done $0x0  }
0xc7: {  	[sflag:s31] =	ssyncadd.s32 $0xFFFF6000  }
0xc8: {  	s9 =	simm.s32 @p0 $0x5;
	[bflag:$0x0] =	sbarrier.arrive $0xFFFF  }
0xc9: {  	[hbm:s13], [sflag:s7] =	dma.local @p0 [spmem:s25], $0x1040  }
0xca: {  	_ =	swait.ge @p0 [sflag:s9], $0x1040  }
0xcb: {  	s8 =	sadd.s32 $0x1, s8;
	[sflag:s9] =	ssyncset.done @p0 $0x0  }
0xcc: {  	p1 =	sne.s32 s8, s14;
	[sflag:s9] =	ssyncadd.s32 @p0 $0xFFFFEFC0;
	s9 =	sshrl.u32 @!p0 s5, $0x3  }
0xcd: {  	[hbm:s12], [sflag:s7] =	dma.local @!p0 [spmem:s9], $0x13C0  }
.Ltmp1:
0xce: {  	_ = 	snop;
	(pc) =	sbr.rel @p1 .LBB2_1-.Ltmp1, $4  }
0xcf: {  	s9 =	simm.s32 @!p0 $0x5  }
0xd0: {  	_ =	swait.ge @!p0 [sflag:s9], $0x13C0  }
0xd1: {  	[sflag:s9] =	ssyncset.done @!p0 $0x0  }
0xd2: {  	[sflag:s9] =	ssyncadd.s32 @!p0 $0xFFFFEC40  }
0xd3: {  	_ =	sfence.sel $0x180000  }
0xd4: {  	[bflag:$0x0] =	sbarrier.arrive $0xFFFF  }
0xd5: {  	_ =	strace $0x9000004D  }
0xd6: {  	s0 =	stileid.u32;
	[bflag:$0x2] =	sbarrier.arrive $0xFFFF  }
0xd7: {  	p0 =	sne.s32 s0, $0x0;
	s0 =	rddreg [dreg:$0x3]  }
0xd8: {  	s0 =	sadd.s32 @!p0 $0x100000, s0  }
0xd9: {  	[sflag:s0] =	ssyncadd.tile.s32 @!p0 $0x1;
	_ =	shalt  }
.Lfunc_end2:
_tile_overlayer_lowered:
.L_overlay_start_2:
0xda: {  	(tag) =	ssettag $0x2  }
0xdb: {  	s0 =	rddreg [dreg:$0x0];
	s2 =	stileid.u32  }
0xdc: {  	s1 =	rddreg [dreg:$0x1];
	p0 =	sne.s32 s2, $0x0  }
0xdd: {  	s3 =	rddreg [dreg:$0x2];
	[bflag:$0x3] =	sbarrier.arrive $0xFFFF;
	s2 =	simm.s32 @!p0 $0x1C05  }
0xde: {  	[timem:s3], [sflag:s2] =	dma.local @!p0 [hbm:s0], s1  }
0xdf: {  	s0 =	simm.s32 @!p0 $0x5  }
0xe0: {  	_ =	swait.ge @!p0 [sflag:s0], s1  }
0xe1: {  	s1 =	ssub.s32 @!p0 $0x0, s1;
	[sflag:s0] =	ssyncset.done @!p0 $0x0  }
0xe2: {  	[sflag:s0] =	ssyncadd.s32 @!p0 s1  }
0xe3: {  	[bflag:$0x3] =	sbarrier.arrive $0xFFFF  }
0xe4: {  	_ =	shalt  }

// kernel: kernel.19.cloned.1.call-start
scs
__scs_entry_jumppad:
0x0: {  	(pc) =	sbr.rel $0x88, $3  }
0x1: {  	(tag) =	ssettag $0x0;
	lr =	simm.s32 $0x1  }
0x2: {  	[smem:$0x3F97] =	sst lr;
	_ =	strace $0xD0000000  }
0x3: {  	_ = 	snop  }
0x4: {  	_ = 	snop  }
0x5: {  	_ = 	snop  }
0x6: {  	_ = 	snop  }
0x7: {  	_ = 	snop  }
__scs_overlays_trampoline_lowered:
0x8: {  	[smem:$0x3FA6] =	sst s0  }
0x9: {  	[smem:$0x3FA7] =	sst s1  }
0xa: {  	[smem:$0x3FA8] =	sst s2  }
0xb: {  	[smem:$0x3FA9] =	sst s3  }
0xc: {  	[smem:$0x3FAA] =	sst s4  }
0xd: {  	[smem:$0x3FAB] =	sst s5  }
0xe: {  	[smem:$0x3FAC] =	sst s6  }
0xf: {  	[smem:$0x3FAD] =	sst s7  }
0x10: {  	[smem:$0x3FAE] =	sst s8  }
0x11: {  	[smem:$0x3FAF] =	sst s9;
	s0 =	simm.s32 @!p0 $0x0  }
0x12: {  	s1 =	sld [smem:$0x3F95];
	s0 =	simm.s32 @p0 $0x1  }
0x13: {  	[smem:$0x3FB0] =	sst s0;
	s0 =	simm.s32 @!p1 $0x0  }
0x14: {  	s2 =	sld [smem:$0x3F94];
	s0 =	simm.s32 @p1 $0x1  }
0x15: {  	[smem:$0x3FB1] =	sst s0;
	s0 =	simm.s32 @!p2 $0x0  }
0x16: {  	s3 =	sld [smem:$0x3FDB];
	s0 =	simm.s32 @p2 $0x1  }
0x17: {  	s4 =	simm.s32 $0x1BF5;
	[smem:$0x3FB3] =	sst s0  }
0x18: {  	s0 =	sld [smem:$0x3F96];
	_ =	swait.ge [sflag:s4], $0x0  }
0x19: {  	s7 =	sld [smem:$0x3F97]  }
0x1a: {  	s8 =	sadd.s32 $0xFFFFE003, lr  }
0x1b: {  	s9 =	sadd.s32 $0xFFFFFEF7, lr;
	s5 =	simm.s32 $0xFFFFFFFF;
	p2 =	slt.u32 s8, $0xFFFFF086  }
0x1c: {  	p1 =	slt.u32 s9, $0xF7A;
	s5 =	simm.s32 @!p2 $0x0  }
0x1d: {  	s5 =	simm.s32 @p1 $0x1;
	p0 =	seq.s32 s7, s2  }
0x1e: {  	s7 =	smul.u32 @!p0 $0xF7A, s2;
	p2 =	seq.s32 @!p0 s5, $0x0  }
0x1f: {  	s9 =	smul.u32 $0xF7A, s1;
	s8 =	simm.s32 @!p0 $0x1BF5;
	p2 =	por !p2, p0  }
0x20: {  	[sflag:s8] =	ssyncset.s32 @!p0 $0xFFFFF086;
	s6 =	sadd.s32 @!p0 s3, s7;
	s7 =	simm.s32 @!p0 $0x108  }
0x21: {  	s3 =	sadd.s32 s3, s9;
	s6 =	sadd.s32 @!p0 $0x88, s6;
	s7 =	simm.s32 @p2 $0x1082  }
0x22: {  	[simem:s7], [sflag:s8] =	dma.local @!p0 [hbm:s6], $0xF7A  }
0x23: {  	s9 =	sor.u32 $0xD0000000, s2;
	s6 =	simm.s32 $0x108;
	_ =	swait.ge @!p0 [sflag:s8], $0x0  }
0x24: {  	s3 =	sadd.s32 $0x88, s3;
	s6 =	simm.s32 @!p1 $0x1082;
	[sflag:s4] =	ssyncset.s32 $0xFFFFF086  }
0x25: {  	[simem:s6], [sflag:s4] =	dma.local [hbm:s3], $0xF7A  }
0x26: {  	[smem:$0x3F97] =	sst s1;
	(tag) =	ssettag s2;
	_ =	strace s9  }
0x27: {  	s1 =	sld [smem:$0x3FA7]  }
0x28: {  	s2 =	sld [smem:$0x3FA8]  }
0x29: {  	s4 =	sld [smem:$0x3FAA]  }
0x2a: {  	p0 =	seq.s32 s5, $0x0;
	s5 =	sld [smem:$0x3FAB]  }
0x2b: {  	s6 =	sld [smem:$0x3FAC]  }
0x2c: {  	s7 =	sld [smem:$0x3FAD]  }
0x2d: {  	s3 =	simm.s32 $0x108;
	s8 =	sld [smem:$0x3FAE]  }
0x2e: {  	s3 =	simm.s32 @!p0 $0x1082;
	s9 =	sld [smem:$0x3FAF]  }
0x2f: {  	lr =	sadd.s32 s0, s3;
	s0 =	sld [smem:$0x3FA6]  }
0x30: {  	s3 =	sld [smem:$0x3FA9]  }
0x31: {  	[smem:$0x3FB2] =	sst s10  }
0x32: {  	s10 =	sld [smem:$0x3FB0];
	_ =	sdelay $0x3  }
0x33: {  	p0 =	seq.s32 s10, $0x1;
	s10 =	sld [smem:$0x3FB2];
	_ =	sdelay $0x3  }
0x34: {  	[smem:$0x3FB2] =	sst s10  }
0x35: {  	s10 =	sld [smem:$0x3FB1];
	_ =	sdelay $0x3  }
0x36: {  	p1 =	seq.s32 s10, $0x1;
	s10 =	sld [smem:$0x3FB2];
	_ =	sdelay $0x3  }
0x37: {  	[smem:$0x3FB2] =	sst s10  }
0x38: {  	s10 =	sld [smem:$0x3FB3]  }
0x39: {  	_ = 	snop;
	(pc) =	sbr.ind lr, $3  }
0x3a: {  	_ = 	snop  }
0x3b: {  	_ = 	snop  }
0x3c: {  	p2 =	seq.s32 s10, $0x1;
	s10 =	sld [smem:$0x3FB2]  }
0x3d: {  	_ =	shalt  }
0x3e: {  	_ =	shalt  }
0x3f: {  	_ =	shalt  }
0x40: {  	_ =	shalt  }
0x41: {  	_ =	shalt  }
0x42: {  	_ =	shalt  }
0x43: {  	_ =	shalt  }
0x44: {  	_ =	shalt  }
0x45: {  	_ =	shalt  }
0x46: {  	_ =	shalt  }
0x47: {  	_ =	shalt  }
0x48: {  	_ =	shalt  }
0x49: {  	_ =	shalt  }
0x4a: {  	_ =	shalt  }
0x4b: {  	_ =	shalt  }
0x4c: {  	_ =	shalt  }
0x4d: {  	_ =	shalt  }
0x4e: {  	_ =	shalt  }
0x4f: {  	_ =	shalt  }
0x50: {  	_ =	shalt  }
0x51: {  	_ =	shalt  }
0x52: {  	_ =	shalt  }
0x53: {  	_ =	shalt  }
0x54: {  	_ =	shalt  }
0x55: {  	_ =	shalt  }
0x56: {  	_ =	shalt  }
0x57: {  	_ =	shalt  }
0x58: {  	_ =	shalt  }
0x59: {  	_ =	shalt  }
0x5a: {  	_ =	shalt  }
0x5b: {  	_ =	shalt  }
0x5c: {  	_ =	shalt  }
0x5d: {  	_ =	shalt  }
0x5e: {  	_ =	shalt  }
0x5f: {  	_ =	shalt  }
0x60: {  	_ =	shalt  }
0x61: {  	_ =	shalt  }
0x62: {  	_ =	shalt  }
0x63: {  	_ =	shalt  }
0x64: {  	_ =	shalt  }
0x65: {  	_ =	shalt  }
0x66: {  	_ =	shalt  }
0x67: {  	_ =	shalt  }
0x68: {  	_ =	shalt  }
0x69: {  	_ =	shalt  }
0x6a: {  	_ =	shalt  }
0x6b: {  	_ =	shalt  }
0x6c: {  	_ =	shalt  }
0x6d: {  	_ =	shalt  }
0x6e: {  	_ =	shalt  }
0x6f: {  	_ =	shalt  }
0x70: {  	_ =	shalt  }
0x71: {  	_ =	shalt  }
0x72: {  	_ =	shalt  }
0x73: {  	_ =	shalt  }
0x74: {  	_ =	shalt  }
0x75: {  	_ =	shalt  }
0x76: {  	_ =	shalt  }
0x77: {  	_ =	shalt  }
0x78: {  	_ =	shalt  }
0x79: {  	_ =	shalt  }
0x7a: {  	_ =	shalt  }
0x7b: {  	_ =	shalt  }
0x7c: {  	_ =	shalt  }
0x7d: {  	_ =	shalt  }
0x7e: {  	_ =	shalt  }
0x7f: {  	_ =	shalt  }
0x80: {  	_ =	shalt  }
0x81: {  	_ =	shalt  }
0x82: {  	_ =	shalt  }
0x83: {  	_ =	shalt  }
0x84: {  	_ =	shalt  }
0x85: {  	_ =	shalt  }
0x86: {  	_ =	shalt  }
0x87: {  	_ =	shalt  }
.Lfunc_end0:
.L_simem_size_0:
called_computation.3_lowered:
.L_overlay_start_0:
0x88: {  	s2 =	sld [smem:$0x3FD9]  }
0x89: {  	s3 =	sld [smem:$0x3FFE];
	_ =	sdelay $0x1  }
0x8a: {  	s1 =	srdreg.scid  }
0x8b: {  	s0 =	sand.u32 $0x1, s1  }
0x8c: {  	s14 =	sshll.u32 s0, $0xA;
	s2 =	sadd.s32 s3, s2  }
0x8d: {  	s2 =	sadd.s32 s2, s14  }
0x8e: {  	[smem:$0x3FBE] =	sst s2  }
0x8f: {  	_ = 	snop  }
0x90: {  	s2 =	sld [smem:$0x3FD0];
	_ =	sdelay $0x2  }
0x91: {  	s15 =	simm.s32 $0xB;
	s4 =	simm.s32 $0x10  }
0x92: {  	[smem:s4], [sflag:s15] =	dma.local [hbm:s2], $0x1  }
0x93: {  	_ =	swait.eq [sflag:s15], $0x1  }
0x94: {  	[sflag:s15] =	ssyncset.done $0x0  }
0x95: {  	[sflag:s15] =	ssyncadd.s32 $0xFFFFFFFF  }
0x96: {  	s16 =	sld [smem:$0x10];
	(tm) =	ssettm $0x1  }
0x97: {  	s17 =	sld [smem:$0x3FFB];
	_ =	sdelay $0x3  }
0x98: {  	_ =	strace s17  }
0x99: {  	s3 =	sld [smem:$0x3FFC];
	_ =	sdelay $0x3  }
0x9a: {  	_ =	strace s3  }
0x9b: {  	s3 =	sld [smem:$0x3FFD];
	_ =	sdelay $0x3  }
0x9c: {  	_ =	strace s3  }
0x9d: {  	_ =	strace $0x8FFFFFFF  }
0x9e: {  	s18 =	sld [smem:$0x3FDB];
	_ =	sdelay $0x1  }
0x9f: {  	s19 =	simm.s32 $_scs_section_size  }
0xa0: {  	s5 =	simm.s32 $_size__tile_overlayer_lowered;
	s6 =	simm.s32 $_tile_overlayer_lowered  }
0xa1: {  	s22 =	simm.s32 $0x1BFF;
	s21 =	sshll.u32 s6, $0x1;
	s3 =	sadd.s32 s19, s18  }
0xa2: {  	s7 =	simm.s32 $0x0;
	s20 =	sshll.u32 s5, $0x1;
	s5 =	sadd.s32 s21, s3  }
0xa3: {  	[timem:s7], [sflag:s22] =	dma.local [hbm:s5], s20  }
0xa4: {  	_ =	swait.ge [sflag:s22], s20  }
0xa5: {  	s4 =	ssub.s32 $0x0, s20;
	[sflag:s22] =	ssyncset.done $0x0  }
0xa6: {  	[sflag:s22] =	ssyncadd.s32 s4;
	_ =	sdelay $0x1  }
0xa7: {  	s23 =	simm.s32 $0x1B8B  }
0xa8: {  	_ =	swait.ge [sflag:s23], $0x1  }
0xa9: {  	[sflag:s23] =	ssyncset.done $0x0  }
0xaa: {  	s25 =	simm.s32 $0x1B8E;
	s24 =	sld [smem:$0x3FFE];
	[sflag:s23] =	ssyncadd.s32 $0xFFFFFFFF  }
0xab: {  	s26 =	simm.s32 $execute0_lowered;
	[smem:$0x3FD2] =	sst s25  }
0xac: {  	s5 =	sshll.u32 s26, $0x1;
	_ =	strace $0x8000004F;
	[dreg:$0x1] =	wrdreg $0xFFFFFFFF  }
0xad: {  	s28 =	simm.s32 $_size_execute0_lowered;
	s3 =	sadd.s32 s3, s5;
	[dreg:$0x0] =	wrdreg $0x0  }
0xae: {  	s5 =	sshll.u32 s28, $0x1;
	[dreg:$0x2] =	wrdreg s3  }
0xaf: {  	[dreg:$0x3] =	wrdreg s5  }
0xb0: {  	[dreg:$0x4] =	wrdreg $0xC0  }
0xb1: {  	_ =	task [dreg:s7], $0x5FFFF  }
0xb2: {  	[dreg:$0x1] =	wrdreg $0xFFFFFFFF  }
0xb3: {  	[dreg:$0x0] =	wrdreg $0x60  }
0xb4: {  	[dreg:$0x2] =	wrdreg s24  }
0xb5: {  	[dreg:$0x3] =	wrdreg s16  }
0xb6: {  	[dreg:$0x4] =	wrdreg $0x14A000  }
0xb7: {  	[dreg:$0x5] =	wrdreg $0x9  }
0xb8: {  	_ =	task.clear_ibuf [dreg:s7], $0x6FFFF;
	_ =	strace $0x9000004F  }
0xb9: {  	s29 =	simm.s32 $0x9;
	_ =	strace $0x80000051  }
0xba: {  	_ =	swait.ge [sflag:s29], $0x1  }
0xbb: {  	[sflag:s29] =	ssyncadd.s32 $0xFFFFFFFF  }
0xbc: {  	_ =	strace $0x90000051  }
0xbd: {  	_ =	sfence  }
0xbe: {  	s30 =	sld [smem:$0x0];
	_ =	sdelay $0x2  }
0xbf: {  	s31 =	sshll.u32 s1, $0xD;
	s1 =	sshrl.u32 s1, $0x2  }
0xc0: {  	s3 =	sand.u32 $0x4000, s31;
	s1 =	sadd.s32 s1, s30  }
0xc1: {  	s0 =	sor.u32 s3, s0;
	s1 =	sshll.u32 s1, $0x11  }
0xc2: {  	s0 =	sor.u32 s1, s0  }
0xc3: {  	s0 =	sadd.s32 $0x8F2B, s0  }
0xc4: {  	[sflag:s0] =	ssyncadd.remote.s32 $0x1  }
0xc5: {  	_ =	sfence.sel $0xFFFF  }
0xc6: {  	[dreg:$0x0] =	wrdreg $0xFFFFFFFF;
	(pc) =	sbr.abs _section_cstart, $3  }
0xc7: {  	[dreg:$0x1] =	wrdreg $0xFFFFFFFF  }
0xc8: {  	_ =	task.clear_ibuf [dreg:s7], $0x2FFFF;
	_ =	strace $0x9FFFFFFF  }
0xc9: {  	(tm) =	ssettm $0x7FFFFFFF  }
tec
execute0_lowered:
.L_overlay_start_1:
0x0: {  	(tag) =	ssettag $0x1  }
0x1: {  	s0 =	rddreg [dreg:$0x0]  }
0x2: {  	s3 =	rddreg [dreg:$0x1]  }
0x3: {  	s1 =	rddreg [dreg:$0x2]  }
0x4: {  	s2 =	simm.s32 $0x0;
	s5 =	srdreg.scid;
	s23 =	stileid.u32  }
0x5: {  	s28 =	simm.s32 $0xA00;
	s29 =	simm.s32 $0x780;
	s30 =	simm.s32 $0x3  }
0x6: {  	s31 =	simm.s32 $0x1;
	[smem:$0x7FF] =	sst s2;
	s4 =	sadd.s32 $0x3000, s0  }
0x7: {  	s6 =	sadd.s32 $0x2AA00, s0;
	s8 =	sand.u32 $0x1, s5;
	s9 =	sadd.s32 $0x16A00, s0  }
0x8: {  	s10 =	smul.u32 $0x9E00, s23;
	s0 =	sadd.s32 $0x3EA00, s0;
	s15 =	sshll.u32 s23, $0x6  }
0x9: {  	s25 =	smul.u32 $0x5000, s23;
	p0 =	seq.s32 s23, $0xF;
	_ =	strace $0x80000050  }
0xa: {  	s5 =	sshll.u32 s8, $0x4;
	s7 =	ssub.s32 $0x2, s8;
	s18 =	smul.u32 $0x9C400, s8  }
0xb: {  	s8 =	smul.u32 $0x50000, s8;
	s5 =	sor.u32 s23, s5;
	s11 =	sshrl.u32 s7, $0x1  }
0xc: {  	s13 =	sshrl.u32 s10, $0x3;
	s23 =	simm.s32 $0x5;
	s12 =	smul.u32 $0x5000, s5  }
0xd: {  	s14 =	ssub.s32 s7, s11;
	s5 =	sadd.s32 s10, s1;
	s3 =	sadd.s32 s3, s13  }
0xe: {  	s7 =	sor.u32 $0x1C05, s15;
	s22 =	sadd.s32 s10, s18;
	s24 =	sshrl.u32 s18, $0x3  }
0xf: {  	[dreg:$0x4] =	wrdreg s3;
	s10 =	sadd.s32 s0, s24;
	s14 =	smax.u32 s14, $0x1  }
0x10: {  	s24 =	simm.s32 $0x500;
	s16 =	sshrl.u32 s12, $0x3;
	s13 =	sadd.s32 $0x12840, s10  }
0x11: {  	s17 =	sor.u32 $0x50, s16;
	s19 =	sadd.s32 s6, s16;
	s20 =	sadd.s32 s9, s16  }
0x12: {  	s26 =	sadd.s32 $0x9B0, s16;
	s18 =	sadd.s32 $0x960, s16;
	[dreg:$0x5] =	wrdreg s19  }
0x13: {  	[dreg:$0x6] =	wrdreg s20;
	s21 =	sadd.s32 s6, s17;
	s3 =	sadd.s32 s9, s17  }
0x14: {  	s15 =	sadd.s32 s6, s26;
	s16 =	sadd.s32 s9, s26;
	s17 =	sadd.s32 s6, s18  }
0x15: {  	s18 =	sadd.s32 s9, s18;
	[dreg:$0x8] =	wrdreg s3;
	s3 =	sshrl.u32 s22, $0x3  }
0x16: {  	s26 =	simm.s32 $0x280;
	s12 =	sadd.s32 s0, s3;
	s0 =	sadd.s32 s25, s8  }
0x17: {  	[dreg:$0x7] =	wrdreg s21;
	s3 =	sadd.s32 $0x94200, s1;
	s8 =	sor.u32 $0x780, s0  }
0x18: {  	s0 =	sor.u32 $0x500, s0;
	s25 =	sshrl.u32 @p0 s3, $0x3;
	s8 =	sshrl.u32 s8, $0x3  }
0x19: {  	s3 =	simm.s32 $0x2;
	s0 =	sshrl.u32 s0, $0x3;
	s19 =	sadd.s32 s8, s9  }
0x1a: {  	s20 =	sadd.s32 s8, s6;
	s21 =	sadd.s32 s0, s9;
	s22 =	sadd.s32 s0, s6  }
0x1b: {  	s0 =	simm.s32 $0xAA00;
	s6 =	simm.s32 $0x4;
	s8 =	simm.s32 $0x0  }
.LBB2_1:
0x1c: {  	s9 =	sshrl.u32 s5, $0x3;
	s10 =	rddreg [dreg:$0x4]  }
0x1d: {  	[spmem:s9], [sflag:s7] =	dma.local [hbm:s10], $0x13C0  }
0x1e: {  	_ =	swait.ge [sflag:s23], $0x13C0  }
0x1f: {  	[sflag:s23] =	ssyncset.done $0x0  }
0x20: {  	s11 =	rddreg [dreg:$0x5];
	[sflag:s23] =	ssyncadd.s32 $0xFFFFEC40  }
0x21: {  	[tilespmem:s2], [sflag:$0x5] =	stream.linear.gather [hbm4b:s11+s2], $0x280, $0x38;
	[tilespmem:$0x1E800] =	vst v63  }
0x22: {  	_ =	swait.ge [sflag:s23], $0x280  }
0x23: {  	[sflag:s23] =	ssyncset.done $0x0  }
0x24: {  	s10 =	rddreg [dreg:$0x6];
	[sflag:s23] =	ssyncadd.s32 $0xFFFFFD80  }
0x25: {  	[tilespmem:s24], [sflag:$0x5] =	stream.linear.gather [hbm4b:s10+s2], $0x280, $0x38;
	[tilespmem:$0x1E800] =	vst v63  }
0x26: {  	_ =	swait.ge [sflag:s23], $0x280  }
0x27: {  	[sflag:s23] =	ssyncset.done $0x0  }
0x28: {  	[sflag:s23] =	ssyncadd.s32 $0xFFFFFD80  }
0x29: {  	[bflag:$0x0] =	sbarrier.arrive $0xFFFF  }
0x2a: {  	[tilespmem:s28], [sflag:$0x1] =	stream.indirect.gather [hbm4b:s4+s26], $0x40, s2, s26, $0xb8;
	[tilespmem:$0x1E800] =	vst v63  }
0x2b: {  	s11 =	rddreg [dreg:$0x7]  }
0x2c: {  	[tilespmem:s26], [sflag:$0x3] =	stream.linear.gather [hbm4b:s11+s2], $0x280, $0x38;
	[tilespmem:$0x1E800] =	vst v63  }
0x2d: {  	s10 =	rddreg [dreg:$0x8]  }
0x2e: {  	[tilespmem:s29], [sflag:$0x3] =	stream.linear.gather [hbm4b:s10+s2], $0x280, $0x38;
	[tilespmem:$0x1E800] =	vst v63  }
0x2f: {  	_ =	swait.ge [sflag:s30], $0x280  }
0x30: {  	[sflag:s30] =	ssyncset.done $0x0  }
0x31: {  	[sflag:s30] =	ssyncadd.s32 $0xFFFFFD80  }
0x32: {  	_ =	swait.ge [sflag:s30], $0x280  }
0x33: {  	[sflag:s30] =	ssyncset.done $0x0  }
0x34: {  	[sflag:s30] =	ssyncadd.s32 $0xFFFFFD80  }
0x35: {  	_ =	swait.ge [sflag:s31], $0xA000  }
0x36: {  	[sflag:s31] =	ssyncset.done $0x0  }
0x37: {  	[sflag:s31] =	ssyncadd.s32 $0xFFFF6000  }
0x38: {  	[tilespmem:s0], [sflag:$0x2] =	stream.indirect.gather [hbm4b:s4+s26], $0x40, s26, s26, $0xb8;
	[tilespmem:$0x1E800] =	vst v63  }
0x39: {  	_ = 	snop  }
0x3a: {  	[spmem:s1] =	stream.indirect.scatter.add.f32 [tilespmem:s28], [sflag:$0x5], $0x40, s24, s26, $0xb8;
	[tilespmem:$0x1E800] =	vst v63  }
0x3b: {  	_ =	swait.ge [sflag:s23], $0xA000  }
0x3c: {  	[sflag:s23] =	ssyncset.done $0x0  }
0x3d: {  	s11 =	sadd.s32 $0x0, s22;
	[sflag:s23] =	ssyncadd.s32 $0xFFFF6000  }
0x3e: {  	[tilespmem:s2], [sflag:$0x4] =	stream.linear.gather [hbm4b:s11+s2], $0x280, $0x38;
	[tilespmem:$0x1E800] =	vst v63  }
0x3f: {  	s10 =	sadd.s32 $0x0, s21  }
0x40: {  	[tilespmem:s24], [sflag:$0x4] =	stream.linear.gather [hbm4b:s10+s2], $0x280, $0x38;
	[tilespmem:$0x1E800] =	vst v63  }
0x41: {  	_ =	swait.ge [sflag:s3], $0xA000  }
0x42: {  	[sflag:s3] =	ssyncset.done $0x0  }
0x43: {  	[sflag:s3] =	ssyncadd.s32 $0xFFFF6000  }
0x44: {  	_ =	swait.ge [sflag:s6], $0x280  }
0x45: {  	[sflag:s6] =	ssyncset.done $0x0  }
0x46: {  	[sflag:s6] =	ssyncadd.s32 $0xFFFFFD80  }
0x47: {  	_ =	swait.ge [sflag:s6], $0x280  }
0x48: {  	[sflag:s6] =	ssyncset.done $0x0  }
0x49: {  	[sflag:s6] =	ssyncadd.s32 $0xFFFFFD80  }
0x4a: {  	[tilespmem:s28], [sflag:$0x1] =	stream.indirect.gather [hbm4b:s4+s26], $0x40, s2, s26, $0xb8;
	[tilespmem:$0x1E800] =	vst v63  }
0x4b: {  	_ = 	snop  }
0x4c: {  	[spmem:s1] =	stream.indirect.scatter.add.f32 [tilespmem:s0], [sflag:$0x5], $0x40, s29, s26, $0xb8;
	[tilespmem:$0x1E800] =	vst v63  }
0x4d: {  	_ =	swait.ge [sflag:s23], $0xA000  }
0x4e: {  	s9 =	simm.s32 $0xA0;
	[sflag:s23] =	ssyncset.done $0x0  }
0x4f: {  	s11 =	sadd.s32 $0x0, s20;
	s10 =	sadd.s32 $0x0, s19;
	[sflag:s23] =	ssyncadd.s32 $0xFFFF6000  }
0x50: {  	[tilespmem:s26], [sflag:$0x3] =	stream.linear.gather [hbm4b:s11+s2], $0x280, $0x38;
	[tilespmem:$0x1E800] =	vst v63  }
.LBB2_2:
0x51: {  	[tilespmem:s29], [sflag:$0x3] =	stream.linear.gather [hbm4b:s10+s2], $0x280, $0x38;
	[tilespmem:$0x1E800] =	vst v63  }
0x52: {  	s10 =	smov.u32 s9  }
0x53: {  	p1 =	sne.s32 s9, $0x820;
	s9 =	sadd.s32 $0xA0, s9;
	_ =	swait.ge [sflag:s30], $0x280  }
0x54: {  	[sflag:s30] =	ssyncset.done $0x0  }
0x55: {  	[sflag:s30] =	ssyncadd.s32 $0xFFFFFD80  }
0x56: {  	_ =	swait.ge [sflag:s30], $0x280  }
0x57: {  	[sflag:s30] =	ssyncset.done $0x0  }
0x58: {  	[sflag:s30] =	ssyncadd.s32 $0xFFFFFD80  }
0x59: {  	_ =	swait.ge [sflag:s31], $0xA000  }
0x5a: {  	[sflag:s31] =	ssyncset.done $0x0  }
0x5b: {  	[sflag:s31] =	ssyncadd.s32 $0xFFFF6000  }
0x5c: {  	[tilespmem:s0], [sflag:$0x2] =	stream.indirect.gather [hbm4b:s4+s26], $0x40, s26, s26, $0xb8;
	[tilespmem:$0x1E800] =	vst v63  }
0x5d: {  	_ = 	snop  }
0x5e: {  	[spmem:s1] =	stream.indirect.scatter.add.f32 [tilespmem:s28], [sflag:$0x5], $0x40, s24, s26, $0xb8;
	[tilespmem:$0x1E800] =	vst v63  }
0x5f: {  	_ =	swait.ge [sflag:s23], $0xA000  }
0x60: {  	[sflag:s23] =	ssyncset.done $0x0  }
0x61: {  	s11 =	sadd.s32 s10, s22;
	[sflag:s23] =	ssyncadd.s32 $0xFFFF6000  }
0x62: {  	[tilespmem:s2], [sflag:$0x4] =	stream.linear.gather [hbm4b:s11+s2], $0x280, $0x38;
	[tilespmem:$0x1E800] =	vst v63  }
0x63: {  	s11 =	sadd.s32 s10, s21  }
0x64: {  	[tilespmem:s24], [sflag:$0x4] =	stream.linear.gather [hbm4b:s11+s2], $0x280, $0x38;
	[tilespmem:$0x1E800] =	vst v63  }
0x65: {  	_ =	swait.ge [sflag:s3], $0xA000  }
0x66: {  	[sflag:s3] =	ssyncset.done $0x0  }
0x67: {  	[sflag:s3] =	ssyncadd.s32 $0xFFFF6000  }
0x68: {  	_ =	swait.ge [sflag:s6], $0x280  }
0x69: {  	[sflag:s6] =	ssyncset.done $0x0  }
0x6a: {  	[sflag:s6] =	ssyncadd.s32 $0xFFFFFD80  }
0x6b: {  	_ =	swait.ge [sflag:s6], $0x280  }
0x6c: {  	[sflag:s6] =	ssyncset.done $0x0  }
0x6d: {  	[sflag:s6] =	ssyncadd.s32 $0xFFFFFD80  }
0x6e: {  	[tilespmem:s28], [sflag:$0x1] =	stream.indirect.gather [hbm4b:s4+s26], $0x40, s2, s26, $0xb8;
	[tilespmem:$0x1E800] =	vst v63  }
0x6f: {  	_ = 	snop  }
0x70: {  	[spmem:s1] =	stream.indirect.scatter.add.f32 [tilespmem:s0], [sflag:$0x5], $0x40, s29, s26, $0xb8;
	[tilespmem:$0x1E800] =	vst v63  }
.Ltmp0:
0x71: {  	_ =	swait.ge [sflag:s23], $0xA000;
	(pc) =	sbr.rel @p1 .LBB2_2-.Ltmp0, $4  }
0x72: {  	[sflag:s23] =	ssyncset.done $0x0  }
0x73: {  	s11 =	sadd.s32 s10, s20;
	[sflag:s23] =	ssyncadd.s32 $0xFFFF6000  }
0x74: {  	[tilespmem:s26], [sflag:$0x3] =	stream.linear.gather [hbm4b:s11+s2], $0x280, $0x38;
	[tilespmem:$0x1E800] =	vst v63  }
0x75: {  	s10 =	sadd.s32 s10, s19  }
0x76: {  	[tilespmem:s29], [sflag:$0x3] =	stream.linear.gather [hbm4b:s10+s2], $0x280, $0x38;
	[tilespmem:$0x1E800] =	vst v63  }
0x77: {  	_ =	swait.ge [sflag:s30], $0x280  }
0x78: {  	[sflag:s30] =	ssyncset.done $0x0  }
0x79: {  	[sflag:s30] =	ssyncadd.s32 $0xFFFFFD80  }
0x7a: {  	_ =	swait.ge [sflag:s30], $0x280  }
0x7b: {  	[sflag:s30] =	ssyncset.done $0x0  }
0x7c: {  	[sflag:s30] =	ssyncadd.s32 $0xFFFFFD80  }
0x7d: {  	_ =	swait.ge [sflag:s31], $0xA000  }
0x7e: {  	[sflag:s31] =	ssyncset.done $0x0  }
0x7f: {  	[sflag:s31] =	ssyncadd.s32 $0xFFFF6000  }
0x80: {  	[tilespmem:s0], [sflag:$0x2] =	stream.indirect.gather [hbm4b:s4+s26], $0x40, s26, s26, $0xb8;
	[tilespmem:$0x1E800] =	vst v63  }
0x81: {  	_ = 	snop  }
0x82: {  	[spmem:s1] =	stream.indirect.scatter.add.f32 [tilespmem:s28], [sflag:$0x5], $0x40, s24, s26, $0xb8;
	[tilespmem:$0x1E800] =	vst v63  }
0x83: {  	_ =	swait.ge [sflag:s23], $0xA000  }
0x84: {  	[sflag:s23] =	ssyncset.done $0x0  }
0x85: {  	[sflag:s23] =	ssyncadd.s32 $0xFFFF6000  }
0x86: {  	[tilespmem:s2], [sflag:$0x4] =	stream.linear.gather [hbm4b:s17+s2], $0x280, $0x38;
	[tilespmem:$0x1E800] =	vst v63  }
0x87: {  	_ = 	snop  }
0x88: {  	[tilespmem:s24], [sflag:$0x4] =	stream.linear.gather [hbm4b:s18+s2], $0x280, $0x38;
	[tilespmem:$0x1E800] =	vst v63  }
0x89: {  	_ =	swait.ge [sflag:s3], $0xA000  }
0x8a: {  	[sflag:s3] =	ssyncset.done $0x0  }
0x8b: {  	[sflag:s3] =	ssyncadd.s32 $0xFFFF6000  }
0x8c: {  	_ =	swait.ge [sflag:s6], $0x280  }
0x8d: {  	[sflag:s6] =	ssyncset.done $0x0  }
0x8e: {  	[sflag:s6] =	ssyncadd.s32 $0xFFFFFD80  }
0x8f: {  	_ =	swait.ge [sflag:s6], $0x280  }
0x90: {  	[sflag:s6] =	ssyncset.done $0x0  }
0x91: {  	[sflag:s6] =	ssyncadd.s32 $0xFFFFFD80  }
0x92: {  	[tilespmem:s28], [sflag:$0x1] =	stream.indirect.gather [hbm4b:s4+s26], $0x40, s2, s26, $0xb8;
	[tilespmem:$0x1E800] =	vst v63  }
0x93: {  	_ = 	snop  }
0x94: {  	[spmem:s1] =	stream.indirect.scatter.add.f32 [tilespmem:s0], [sflag:$0x5], $0x40, s29, s26, $0xb8;
	[tilespmem:$0x1E800] =	vst v63  }
0x95: {  	_ =	swait.ge [sflag:s23], $0xA000  }
0x96: {  	[sflag:s23] =	ssyncset.done $0x0  }
0x97: {  	[sflag:s23] =	ssyncadd.s32 $0xFFFF6000  }
0x98: {  	[tilespmem:s26], [sflag:$0x3] =	stream.linear.gather [hbm4b:s15+s2], $0x280, $0x38;
	[tilespmem:$0x1E800] =	vst v63  }
0x99: {  	_ = 	snop  }
0x9a: {  	[tilespmem:s29], [sflag:$0x3] =	stream.linear.gather [hbm4b:s16+s2], $0x280, $0x38;
	[tilespmem:$0x1E800] =	vst v63  }
0x9b: {  	_ =	swait.ge [sflag:s30], $0x280  }
0x9c: {  	[sflag:s30] =	ssyncset.done $0x0  }
0x9d: {  	[sflag:s30] =	ssyncadd.s32 $0xFFFFFD80  }
0x9e: {  	_ =	swait.ge [sflag:s30], $0x280  }
0x9f: {  	[sflag:s30] =	ssyncset.done $0x0  }
0xa0: {  	[sflag:s30] =	ssyncadd.s32 $0xFFFFFD80  }
0xa1: {  	_ =	swait.ge [sflag:s31], $0xA000  }
0xa2: {  	[sflag:s31] =	ssyncset.done $0x0  }
0xa3: {  	[sflag:s31] =	ssyncadd.s32 $0xFFFF6000  }
0xa4: {  	[tilespmem:s0], [sflag:$0x2] =	stream.indirect.gather [hbm4b:s4+s26], $0x40, s26, s26, $0xb8;
	[tilespmem:$0x1E800] =	vst v63  }
0xa5: {  	_ = 	snop  }
0xa6: {  	[spmem:s1] =	stream.indirect.scatter.add.f32 [tilespmem:s28], [sflag:$0x5], $0x40, s24, s26, $0xb8;
	[tilespmem:$0x1E800] =	vst v63  }
0xa7: {  	_ =	swait.ge [sflag:s23], $0xA000  }
0xa8: {  	[sflag:s23] =	ssyncset.done $0x0  }
0xa9: {  	[sflag:s23] =	ssyncadd.s32 $0xFFFF6000  }
0xaa: {  	[tilespmem:s2], [sflag:$0x4] =	stream.linear.gather [hbm4b:s15+s2], $0x280, $0x38;
	[tilespmem:$0x1E800] =	vst v63  }
0xab: {  	_ = 	snop  }
0xac: {  	[tilespmem:s24], [sflag:$0x4] =	stream.linear.gather [hbm4b:s16+s2], $0x280, $0x38;
	[tilespmem:$0x1E800] =	vst v63  }
0xad: {  	_ =	swait.ge [sflag:s3], $0xA000  }
0xae: {  	[sflag:s3] =	ssyncset.done $0x0  }
0xaf: {  	[sflag:s3] =	ssyncadd.s32 $0xFFFF6000  }
0xb0: {  	_ =	swait.ge [sflag:s6], $0x280  }
0xb1: {  	[sflag:s6] =	ssyncset.done $0x0  }
0xb2: {  	[sflag:s6] =	ssyncadd.s32 $0xFFFFFD80  }
0xb3: {  	_ =	swait.ge [sflag:s6], $0x280  }
0xb4: {  	[sflag:s6] =	ssyncset.done $0x0  }
0xb5: {  	[sflag:s6] =	ssyncadd.s32 $0xFFFFFD80  }
0xb6: {  	[tilespmem:s28], [sflag:$0x1] =	stream.indirect.gather [hbm4b:s4+s26], $0x40, s2, s26, $0xb8;
	[tilespmem:$0x1E800] =	vst v63  }
0xb7: {  	_ = 	snop  }
0xb8: {  	[spmem:s1] =	stream.indirect.scatter.add.f32 [tilespmem:s0], [sflag:$0x5], $0x40, s29, s26, $0xb8;
	[tilespmem:$0x1E800] =	vst v63  }
0xb9: {  	_ =	swait.ge [sflag:s23], $0xA000  }
0xba: {  	[sflag:s23] =	ssyncset.done $0x0  }
0xbb: {  	[sflag:s23] =	ssyncadd.s32 $0xFFFF6000  }
0xbc: {  	[tilespmem:s26], [sflag:$0x3] =	stream.linear.gather [hbm4b:s15+s2], $0x280, $0x38;
	[tilespmem:$0x1E800] =	vst v63  }
0xbd: {  	_ = 	snop  }
0xbe: {  	[tilespmem:s29], [sflag:$0x3] =	stream.linear.gather [hbm4b:s16+s2], $0x280, $0x38;
	[tilespmem:$0x1E800] =	vst v63  }
0xbf: {  	_ =	swait.ge [sflag:s30], $0x280  }
0xc0: {  	[sflag:s30] =	ssyncset.done $0x0  }
0xc1: {  	[sflag:s30] =	ssyncadd.s32 $0xFFFFFD80  }
0xc2: {  	_ =	swait.ge [sflag:s30], $0x280  }
0xc3: {  	[sflag:s30] =	ssyncset.done $0x0  }
0xc4: {  	[sflag:s30] =	ssyncadd.s32 $0xFFFFFD80  }
0xc5: {  	_ =	swait.ge [sflag:s31], $0xA000  }
0xc6: {  	[sflag:s31] =	ssyncset.done $0x0  }
0xc7: {  	[sflag:s31] =	ssyncadd.s32 $0xFFFF6000  }
0xc8: {  	s9 =	simm.s32 @p0 $0x5;
	[bflag:$0x0] =	sbarrier.arrive $0xFFFF  }
0xc9: {  	[hbm:s13], [sflag:s7] =	dma.local @p0 [spmem:s25], $0x1040  }
0xca: {  	_ =	swait.ge @p0 [sflag:s9], $0x1040  }
0xcb: {  	s8 =	sadd.s32 $0x1, s8;
	[sflag:s9] =	ssyncset.done @p0 $0x0  }
0xcc: {  	p1 =	sne.s32 s8, s14;
	[sflag:s9] =	ssyncadd.s32 @p0 $0xFFFFEFC0;
	s9 =	sshrl.u32 @!p0 s5, $0x3  }
0xcd: {  	[hbm:s12], [sflag:s7] =	dma.local @!p0 [spmem:s9], $0x13C0  }
.Ltmp1:
0xce: {  	_ = 	snop;
	(pc) =	sbr.rel @p1 .LBB2_1-.Ltmp1, $4  }
0xcf: {  	s9 =	simm.s32 @!p0 $0x5  }
0xd0: {  	_ =	swait.ge @!p0 [sflag:s9], $0x13C0  }
0xd1: {  	[sflag:s9] =	ssyncset.done @!p0 $0x0  }
0xd2: {  	[sflag:s9] =	ssyncadd.s32 @!p0 $0xFFFFEC40  }
0xd3: {  	_ =	sfence.sel $0x180000  }
0xd4: {  	[bflag:$0x0] =	sbarrier.arrive $0xFFFF  }
0xd5: {  	_ =	strace $0x90000050  }
0xd6: {  	s0 =	stileid.u32;
	[bflag:$0x2] =	sbarrier.arrive $0xFFFF  }
0xd7: {  	p0 =	sne.s32 s0, $0x0;
	s0 =	rddreg [dreg:$0x3]  }
0xd8: {  	s0 =	sadd.s32 @!p0 $0x100000, s0  }
0xd9: {  	[sflag:s0] =	ssyncadd.tile.s32 @!p0 $0x1;
	_ =	shalt  }
.Lfunc_end2:
_tile_overlayer_lowered:
.L_overlay_start_2:
0xda: {  	(tag) =	ssettag $0x2  }
0xdb: {  	s0 =	rddreg [dreg:$0x0];
	s2 =	stileid.u32  }
0xdc: {  	s1 =	rddreg [dreg:$0x1];
	p0 =	sne.s32 s2, $0x0  }
0xdd: {  	s3 =	rddreg [dreg:$0x2];
	[bflag:$0x3] =	sbarrier.arrive $0xFFFF;
	s2 =	simm.s32 @!p0 $0x1C05  }
0xde: {  	[timem:s3], [sflag:s2] =	dma.local @!p0 [hbm:s0], s1  }
0xdf: {  	s0 =	simm.s32 @!p0 $0x5  }
0xe0: {  	_ =	swait.ge @!p0 [sflag:s0], s1  }
0xe1: {  	s1 =	ssub.s32 @!p0 $0x0, s1;
	[sflag:s0] =	ssyncset.done @!p0 $0x0  }
0xe2: {  	[sflag:s0] =	ssyncadd.s32 @!p0 s1  }
0xe3: {  	[bflag:$0x3] =	sbarrier.arrive $0xFFFF  }
0xe4: {  	_ =	shalt  }

</sc_bundles>
